<compile_context>
chip_gen: v7x
topology: tpu7x:2x2x1
jax: 0.10.2.dev20260603
libtpu: 0.0.44.dev20260713+nightly
codegen_flags: <defaults>
</compile_context>

<pallas_src>
import jax
import jax.numpy as jnp
from jax import lax
from jax.experimental import pallas as pl
from jax.experimental.pallas import tpu as pltpu
from jax.experimental.pallas import tpu_sc as plsc

B = 16384
F = 26
V = 100000
D = 16

NW = 32
BPW = B // NW
CHUNK = 128
KPW = BPW // CHUNK
NBLK = F * KPW
NB = 4
DEPTH = 3


def _body(x_hbm, tab_hbm, op_hbm, xv, fidx, ridx, gbuf, tbuf, gsem, osem):
    cid = lax.axis_index("c")
    sid = lax.axis_index("s")
    wid = sid * 2 + cid
    b0 = wid * BPW

    pltpu.sync_copy(x_hbm.at[pl.ds(b0 * F, BPW * F)], xv)

    iota = lax.iota(jnp.int32, 16)
    iota_f = iota * F

    def build_and_fire(blk):
        f = lax.shift_right_logical(blk, 2)
        k = lax.bitwise_and(blk, 3)
        slot = lax.bitwise_and(blk, NB - 1)
        fv = f * V
        for q in range(8):
            addrs = iota_f + ((k * CHUNK + q * 16) * F + f)
            g = plsc.load_gather(xv, [addrs]) + fv
            fidx[slot, pl.ds(q * 16, 16)] = g
            ridx[slot, pl.ds(q * 16, 16)] = lax.shift_right_logical(g, 3)
        pltpu.async_copy(tab_hbm.at[ridx.at[slot]], gbuf.at[slot], gsem)

    def drain_and_emit(blk):
        f = lax.shift_right_logical(blk, 2)
        k = lax.bitwise_and(blk, 3)
        slot = lax.bitwise_and(blk, NB - 1)
        bt = wid * KPW + k
        pltpu.make_async_copy(
            tab_hbm.at[pl.ds(0, CHUNK)], gbuf.at[slot], gsem
        ).wait()
        @pl.when(blk >= NB)
        def _():
            pltpu.make_async_copy(
                op_hbm.at[0, 0, 0], tbuf.at[slot, pl.ds(0, 8)], osem
            ).wait()
            pltpu.make_async_copy(
                op_hbm.at[0, 0, 0], tbuf.at[slot, pl.ds(8, 8)], osem
            ).wait()

        def tr(q, carry):
            off = lax.bitwise_and(fidx[slot, pl.ds(q * 16, 16)], 7) * D
            rows = iota + q * 16
            for d in range(D):
                tbuf[slot, d, pl.ds(q * 16, 16)] = plsc.load_gather(
                    gbuf.at[slot], [rows, off + d]
                )
            return carry

        lax.fori_loop(0, 8, tr, 0)
        pltpu.async_copy(tbuf.at[slot, pl.ds(0, 8)], op_hbm.at[f, 0, bt], osem)
        pltpu.async_copy(tbuf.at[slot, pl.ds(8, 8)], op_hbm.at[f, 1, bt], osem)

    for blk in range(DEPTH):
        build_and_fire(jnp.int32(blk))

    def loop_body(blk, carry):
        build_and_fire(blk)
        drain_and_emit(blk - DEPTH)
        return carry

    lax.fori_loop(DEPTH, NBLK, loop_body, 0)
    for r in range(DEPTH):
        drain_and_emit(jnp.int32(NBLK - DEPTH + r))
    for r in range(NB):
        pltpu.make_async_copy(
            op_hbm.at[0, 0, 0], tbuf.at[r, pl.ds(0, 8)], osem
        ).wait()
        pltpu.make_async_copy(
            op_hbm.at[0, 0, 0], tbuf.at[r, pl.ds(8, 8)], osem
        ).wait()


def kernel(X, tables):
    mesh = plsc.VectorSubcoreMesh(core_axis_name="c", subcore_axis_name="s")
    op = pl.kernel(
        _body,
        mesh=mesh,
        out_type=jax.ShapeDtypeStruct((F, 2, B // CHUNK, 8, CHUNK), jnp.float32),
        scratch_types=[
            pltpu.VMEM((BPW * F,), jnp.int32),
            pltpu.VMEM((NB, CHUNK), jnp.int32),
            pltpu.VMEM((NB, CHUNK), jnp.int32),
            pltpu.VMEM((NB, CHUNK, CHUNK), jnp.float32),
            pltpu.VMEM((NB, D, CHUNK), jnp.float32),
            pltpu.SemaphoreType.DMA,
            pltpu.SemaphoreType.DMA,
        ],
        compiler_params=pltpu.CompilerParams(
            use_tc_tiling_on_sc=True, needs_layout_passes=False
        ),
    )(X.astype(jnp.int32).reshape(B * F), tables.reshape(F * V // 8, 8 * D))
    return (
        op.transpose(0, 1, 3, 2, 4)
        .reshape(F, D, B)
        .transpose(2, 0, 1)
    )

# --- scband reference (transcript-rebuilt; emitter-appended) ---
"""Pipeline reference for scband-basic-cat-embedding-11596411699220 (READ-ONLY COPY).

The authoritative reference and input builder live on the scoring server;
editing this copy changes nothing except your own understanding.
"""

import jax, jax.numpy as jnp
import numpy as np

B = 16384
F = 26
V = 100000
D = 16


def setup_inputs(seed: int = 0) -> dict:
    key = jax.random.key(seed)
    kx, kt = jax.random.split(key)
    # categorical indices: int64[B, F], values in [0, V)
    X = jax.random.randint(kx, (B, F), 0, V, dtype=jnp.int32).astype(jnp.int64)
    # one embedding table per field, xavier_uniform init: limit = sqrt(6/(fan_in+fan_out))
    limit = float(np.sqrt(6.0 / (V + D)))
    tables = jax.random.uniform(kt, (F, V, D), minval=-limit, maxval=limit, dtype=jnp.float32)
    return {"X": X, "tables": tables}


def reference(X, tables):
    # Faithful translation of BasicCatEmbedding.forward with flatten_output=False:
    # x = torch.stack([emb_layer(X[:, i]) for i, emb_layer in enumerate(self.emb_layers)], dim=1)
    F_ = tables.shape[0]
    cols = [jnp.take(tables[i], X[:, i], axis=0) for i in range(F_)]
    x = jnp.stack(cols, axis=1)  # [B, F, D]
    return x

if __name__ == "__main__":
    import jax
    _d = setup_inputs()
    print(jax.jit(kernel)(*tuple(_d.values())))

</pallas_src>

<mosaic_0001>
#map = affine_map<(d0, d1) -> (0)>
#map1 = affine_map<(d0, d1) -> (0, 0)>
#map2 = affine_map<(d0, d1) -> (0, 0, 0, 0, 0)>
module attributes {stable_mosaic.version = 14 : i64} {
  func.func @_body(%arg0: i32, %arg1: i32, %arg2: memref<425984xi32, #tpu.memory_space<hbm>>, %arg3: memref<325000x128xf32, #tpu.memory_space<hbm>>, %arg4: memref<26x2x128x8x128xf32, #tpu.memory_space<hbm>>, %arg5: memref<13312xi32, #tpu.memory_space<vmem>>, %arg6: memref<4x128xi32, #tpu.memory_space<vmem>>, %arg7: memref<4x128xi32, #tpu.memory_space<vmem>>, %arg8: memref<4x128x128xf32, #tpu.memory_space<vmem>>, %arg9: memref<4x16x128xf32, #tpu.memory_space<vmem>>, %arg10: memref<!tpu.dma_semaphore, #tpu.memory_space<semaphore_mem>>, %arg11: memref<!tpu.dma_semaphore, #tpu.memory_space<semaphore_mem>>) attributes {dimension_semantics = [#tpu.dimension_semantics<core_parallel>, #tpu.dimension_semantics<subcore_parallel>], iteration_bounds = array<i64: 2, 16>, scalar_prefetch = 0 : i64, scratch_operands = 7 : i64, tpu.core_type = #tpu.core_type<sc_vector_subcore>, window_params = [{transform_indices = #map}, {transform_indices = #map1}, {transform_indices = #map2}]} {
    %mul3A = arith.constant 2 : i32
    %mul3A_0 = arith.muli %arg1, %mul3A : i32
    %add3A = arith.addi %mul3A_0, %arg0 : i32
    %mul3A_1 = arith.constant 512 : i32
    %mul3A_2 = arith.muli %add3A, %mul3A_1 : i32
    %mul3A_3 = arith.constant 26 : i32
    %mul3A_4 = arith.muli %mul3A_2, %mul3A_3 : i32
    "tpu.region"() ({
      %run_scoped3A = tpu.sem_alloc : memref<!tpu.dma_semaphore, #tpu.memory_space<semaphore_mem>>
      %dma_start3A_947 = tpu.memref_slice %arg2[%mul3A_4] : memref<425984xi32, #tpu.memory_space<hbm>> -> memref<13312xi32, #tpu.memory_space<hbm>>
      %dma_start3A_948 = tpu.memref_slice %arg2[%mul3A_4] : memref<425984xi32, #tpu.memory_space<hbm>> -> memref<13312xi32, #tpu.memory_space<hbm>>
      tpu.enqueue_dma source(%dma_start3A_948 : memref<13312xi32, #tpu.memory_space<hbm>>) target(%arg5 : memref<13312xi32, #tpu.memory_space<vmem>>) target_semaphore(%run_scoped3A : memref<!tpu.dma_semaphore, #tpu.memory_space<semaphore_mem>>)
      %dma_wait3A_949 = tpu.memref_slice %arg2[%mul3A_4] : memref<425984xi32, #tpu.memory_space<hbm>> -> memref<13312xi32, #tpu.memory_space<hbm>>
      %dma_wait3A_950 = tpu.memref_slice %arg2[%mul3A_4] : memref<425984xi32, #tpu.memory_space<hbm>> -> memref<13312xi32, #tpu.memory_space<hbm>>
      tpu.wait_dma2 semaphore(%run_scoped3A : memref<!tpu.dma_semaphore, #tpu.memory_space<semaphore_mem>>) src(%dma_wait3A_950 : memref<13312xi32, #tpu.memory_space<hbm>>) dst(%arg5 : memref<13312xi32, #tpu.memory_space<vmem>>)
      tpu.yield
    }) : () -> ()
    %iota3A = tpu.iota {dimensions = array<i32: 0>} : vector<16xi32>
    %mul3A_5 = arith.constant 26 : i32
    %mul3A_6 = vector.broadcast %mul3A_5 : i32 to vector<16xi32>
    %mul3A_7 = arith.muli %iota3A, %mul3A_6 : vector<16xi32>
    %shift_right_logical3A = arith.constant 0 : i32
    %shift_right_logical3A_8 = arith.constant 2 : i32
    %shift_right_logical3A_9 = arith.shrui %shift_right_logical3A, %shift_right_logical3A_8 : i32
    %and3A = arith.constant 0 : i32
    %and3A_10 = arith.constant 3 : i32
    %and3A_11 = arith.andi %and3A, %and3A_10 : i32
    %and3A_12 = arith.constant 0 : i32
    %and3A_13 = arith.constant 3 : i32
    %and3A_14 = arith.andi %and3A_12, %and3A_13 : i32
    %mul3A_15 = arith.constant 100000 : i32
    %mul3A_16 = arith.muli %shift_right_logical3A_9, %mul3A_15 : i32
    %mul3A_17 = arith.constant 128 : i32
    %mul3A_18 = arith.muli %and3A_11, %mul3A_17 : i32
    %add3A_19 = arith.constant 0 : i32
    %add3A_20 = arith.addi %mul3A_18, %add3A_19 : i32
    %mul3A_21 = arith.constant 26 : i32
    %mul3A_22 = arith.muli %add3A_20, %mul3A_21 : i32
    %add3A_23 = arith.addi %mul3A_22, %shift_right_logical3A_9 : i32
    %add3A_24 = vector.broadcast %add3A_23 : i32 to vector<16xi32>
    %add3A_25 = arith.addi %mul3A_7, %add3A_24 : vector<16xi32>
    %gather3A = tpu.vector_load_idx %arg5[%add3A_25] : memref<13312xi32, #tpu.memory_space<vmem>>[vector<16xi32>], vector<16xi32>,
    %add3A_26 = vector.broadcast %mul3A_16 : i32 to vector<16xi32>
    %add3A_27 = arith.addi %gather3A, %add3A_26 : vector<16xi32>
    %swap3A = arith.index_cast %and3A_14 : i32 to index
    %swap3A_28 = arith.constant 0 : index
    %swap3A_29 = tpu.vector_load %arg6[%swap3A, %swap3A_28] {strides = array<i32>} : memref<4x128xi32, #tpu.memory_space<vmem>>, vector<16xi32>,
    tpu.vector_store %arg6[%swap3A, %swap3A_28], %add3A_27 {strides = array<i32>} : memref<4x128xi32, #tpu.memory_space<vmem>>, vector<16xi32>,
    %shift_right_logical3A_30 = arith.constant 3 : i32
    %shift_right_logical3A_31 = vector.broadcast %shift_right_logical3A_30 : i32 to vector<16xi32>
    %shift_right_logical3A_32 = arith.shrui %add3A_27, %shift_right_logical3A_31 : vector<16xi32>
    %swap3A_33 = arith.index_cast %and3A_14 : i32 to index
    %swap3A_34 = arith.constant 0 : index
    %swap3A_35 = tpu.vector_load %arg7[%swap3A_33, %swap3A_34] {strides = array<i32>} : memref<4x128xi32, #tpu.memory_space<vmem>>, vector<16xi32>,
    tpu.vector_store %arg7[%swap3A_33, %swap3A_34], %shift_right_logical3A_32 {strides = array<i32>} : memref<4x128xi32, #tpu.memory_space<vmem>>, vector<16xi32>,
    %mul3A_36 = arith.constant 128 : i32
    %mul3A_37 = arith.muli %and3A_11, %mul3A_36 : i32
    %add3A_38 = arith.constant 16 : i32
    %add3A_39 = arith.addi %mul3A_37, %add3A_38 : i32
    %mul3A_40 = arith.constant 26 : i32
    %mul3A_41 = arith.muli %add3A_39, %mul3A_40 : i32
    %add3A_42 = arith.addi %mul3A_41, %shift_right_logical3A_9 : i32
    %add3A_43 = vector.broadcast %add3A_42 : i32 to vector<16xi32>
    %add3A_44 = arith.addi %mul3A_7, %add3A_43 : vector<16xi32>
    %gather3A_45 = tpu.vector_load_idx %arg5[%add3A_44] : memref<13312xi32, #tpu.memory_space<vmem>>[vector<16xi32>], vector<16xi32>,
    %add3A_46 = vector.broadcast %mul3A_16 : i32 to vector<16xi32>
    %add3A_47 = arith.addi %gather3A_45, %add3A_46 : vector<16xi32>
    %swap3A_48 = arith.index_cast %and3A_14 : i32 to index
    %swap3A_49 = arith.constant 16 : index
    %swap3A_50 = tpu.vector_load %arg6[%swap3A_48, %swap3A_49] {strides = array<i32>} : memref<4x128xi32, #tpu.memory_space<vmem>>, vector<16xi32>,
    tpu.vector_store %arg6[%swap3A_48, %swap3A_49], %add3A_47 {strides = array<i32>} : memref<4x128xi32, #tpu.memory_space<vmem>>, vector<16xi32>,
    %shift_right_logical3A_51 = arith.constant 3 : i32
    %shift_right_logical3A_52 = vector.broadcast %shift_right_logical3A_51 : i32 to vector<16xi32>
    %shift_right_logical3A_53 = arith.shrui %add3A_47, %shift_right_logical3A_52 : vector<16xi32>
    %swap3A_54 = arith.index_cast %and3A_14 : i32 to index
    %swap3A_55 = arith.constant 16 : index
    %swap3A_56 = tpu.vector_load %arg7[%swap3A_54, %swap3A_55] {strides = array<i32>} : memref<4x128xi32, #tpu.memory_space<vmem>>, vector<16xi32>,
    tpu.vector_store %arg7[%swap3A_54, %swap3A_55], %shift_right_logical3A_53 {strides = array<i32>} : memref<4x128xi32, #tpu.memory_space<vmem>>, vector<16xi32>,
    %mul3A_57 = arith.constant 128 : i32
    %mul3A_58 = arith.muli %and3A_11, %mul3A_57 : i32
    %add3A_59 = arith.constant 32 : i32
    %add3A_60 = arith.addi %mul3A_58, %add3A_59 : i32
    %mul3A_61 = arith.constant 26 : i32
    %mul3A_62 = arith.muli %add3A_60, %mul3A_61 : i32
    %add3A_63 = arith.addi %mul3A_62, %shift_right_logical3A_9 : i32
    %add3A_64 = vector.broadcast %add3A_63 : i32 to vector<16xi32>
    %add3A_65 = arith.addi %mul3A_7, %add3A_64 : vector<16xi32>
    %gather3A_66 = tpu.vector_load_idx %arg5[%add3A_65] : memref<13312xi32, #tpu.memory_space<vmem>>[vector<16xi32>], vector<16xi32>,
    %add3A_67 = vector.broadcast %mul3A_16 : i32 to vector<16xi32>
    %add3A_68 = arith.addi %gather3A_66, %add3A_67 : vector<16xi32>
    %swap3A_69 = arith.index_cast %and3A_14 : i32 to index
    %swap3A_70 = arith.constant 32 : index
    %swap3A_71 = tpu.vector_load %arg6[%swap3A_69, %swap3A_70] {strides = array<i32>} : memref<4x128xi32, #tpu.memory_space<vmem>>, vector<16xi32>,
    tpu.vector_store %arg6[%swap3A_69, %swap3A_70], %add3A_68 {strides = array<i32>} : memref<4x128xi32, #tpu.memory_space<vmem>>, vector<16xi32>,
    %shift_right_logical3A_72 = arith.constant 3 : i32
    %shift_right_logical3A_73 = vector.broadcast %shift_right_logical3A_72 : i32 to vector<16xi32>
    %shift_right_logical3A_74 = arith.shrui %add3A_68, %shift_right_logical3A_73 : vector<16xi32>
    %swap3A_75 = arith.index_cast %and3A_14 : i32 to index
    %swap3A_76 = arith.constant 32 : index
    %swap3A_77 = tpu.vector_load %arg7[%swap3A_75, %swap3A_76] {strides = array<i32>} : memref<4x128xi32, #tpu.memory_space<vmem>>, vector<16xi32>,
    tpu.vector_store %arg7[%swap3A_75, %swap3A_76], %shift_right_logical3A_74 {strides = array<i32>} : memref<4x128xi32, #tpu.memory_space<vmem>>, vector<16xi32>,
    %mul3A_78 = arith.constant 128 : i32
    %mul3A_79 = arith.muli %and3A_11, %mul3A_78 : i32
    %add3A_80 = arith.constant 48 : i32
    %add3A_81 = arith.addi %mul3A_79, %add3A_80 : i32
    %mul3A_82 = arith.constant 26 : i32
    %mul3A_83 = arith.muli %add3A_81, %mul3A_82 : i32
    %add3A_84 = arith.addi %mul3A_83, %shift_right_logical3A_9 : i32
    %add3A_85 = vector.broadcast %add3A_84 : i32 to vector<16xi32>
    %add3A_86 = arith.addi %mul3A_7, %add3A_85 : vector<16xi32>
    %gather3A_87 = tpu.vector_load_idx %arg5[%add3A_86] : memref<13312xi32, #tpu.memory_space<vmem>>[vector<16xi32>], vector<16xi32>,
    %add3A_88 = vector.broadcast %mul3A_16 : i32 to vector<16xi32>
    %add3A_89 = arith.addi %gather3A_87, %add3A_88 : vector<16xi32>
    %swap3A_90 = arith.index_cast %and3A_14 : i32 to index
    %swap3A_91 = arith.constant 48 : index
    %swap3A_92 = tpu.vector_load %arg6[%swap3A_90, %swap3A_91] {strides = array<i32>} : memref<4x128xi32, #tpu.memory_space<vmem>>, vector<16xi32>,
    tpu.vector_store %arg6[%swap3A_90, %swap3A_91], %add3A_89 {strides = array<i32>} : memref<4x128xi32, #tpu.memory_space<vmem>>, vector<16xi32>,
    %shift_right_logical3A_93 = arith.constant 3 : i32
    %shift_right_logical3A_94 = vector.broadcast %shift_right_logical3A_93 : i32 to vector<16xi32>
    %shift_right_logical3A_95 = arith.shrui %add3A_89, %shift_right_logical3A_94 : vector<16xi32>
    %swap3A_96 = arith.index_cast %and3A_14 : i32 to index
    %swap3A_97 = arith.constant 48 : index
    %swap3A_98 = tpu.vector_load %arg7[%swap3A_96, %swap3A_97] {strides = array<i32>} : memref<4x128xi32, #tpu.memory_space<vmem>>, vector<16xi32>,
    tpu.vector_store %arg7[%swap3A_96, %swap3A_97], %shift_right_logical3A_95 {strides = array<i32>} : memref<4x128xi32, #tpu.memory_space<vmem>>, vector<16xi32>,
    %mul3A_99 = arith.constant 128 : i32
    %mul3A_100 = arith.muli %and3A_11, %mul3A_99 : i32
    %add3A_101 = arith.constant 64 : i32
    %add3A_102 = arith.addi %mul3A_100, %add3A_101 : i32
    %mul3A_103 = arith.constant 26 : i32
    %mul3A_104 = arith.muli %add3A_102, %mul3A_103 : i32
    %add3A_105 = arith.addi %mul3A_104, %shift_right_logical3A_9 : i32
    %add3A_106 = vector.broadcast %add3A_105 : i32 to vector<16xi32>
    %add3A_107 = arith.addi %mul3A_7, %add3A_106 : vector<16xi32>
    %gather3A_108 = tpu.vector_load_idx %arg5[%add3A_107] : memref<13312xi32, #tpu.memory_space<vmem>>[vector<16xi32>], vector<16xi32>,
    %add3A_109 = vector.broadcast %mul3A_16 : i32 to vector<16xi32>
    %add3A_110 = arith.addi %gather3A_108, %add3A_109 : vector<16xi32>
    %swap3A_111 = arith.index_cast %and3A_14 : i32 to index
    %swap3A_112 = arith.constant 64 : index
    %swap3A_113 = tpu.vector_load %arg6[%swap3A_111, %swap3A_112] {strides = array<i32>} : memref<4x128xi32, #tpu.memory_space<vmem>>, vector<16xi32>,
    tpu.vector_store %arg6[%swap3A_111, %swap3A_112], %add3A_110 {strides = array<i32>} : memref<4x128xi32, #tpu.memory_space<vmem>>, vector<16xi32>,
    %shift_right_logical3A_114 = arith.constant 3 : i32
    %shift_right_logical3A_115 = vector.broadcast %shift_right_logical3A_114 : i32 to vector<16xi32>
    %shift_right_logical3A_116 = arith.shrui %add3A_110, %shift_right_logical3A_115 : vector<16xi32>
    %swap3A_117 = arith.index_cast %and3A_14 : i32 to index
    %swap3A_118 = arith.constant 64 : index
    %swap3A_119 = tpu.vector_load %arg7[%swap3A_117, %swap3A_118] {strides = array<i32>} : memref<4x128xi32, #tpu.memory_space<vmem>>, vector<16xi32>,
    tpu.vector_store %arg7[%swap3A_117, %swap3A_118], %shift_right_logical3A_116 {strides = array<i32>} : memref<4x128xi32, #tpu.memory_space<vmem>>, vector<16xi32>,
    %mul3A_120 = arith.constant 128 : i32
    %mul3A_121 = arith.muli %and3A_11, %mul3A_120 : i32
    %add3A_122 = arith.constant 80 : i32
    %add3A_123 = arith.addi %mul3A_121, %add3A_122 : i32
    %mul3A_124 = arith.constant 26 : i32
    %mul3A_125 = arith.muli %add3A_123, %mul3A_124 : i32
    %add3A_126 = arith.addi %mul3A_125, %shift_right_logical3A_9 : i32
    %add3A_127 = vector.broadcast %add3A_126 : i32 to vector<16xi32>
    %add3A_128 = arith.addi %mul3A_7, %add3A_127 : vector<16xi32>
    %gather3A_129 = tpu.vector_load_idx %arg5[%add3A_128] : memref<13312xi32, #tpu.memory_space<vmem>>[vector<16xi32>], vector<16xi32>,
    %add3A_130 = vector.broadcast %mul3A_16 : i32 to vector<16xi32>
    %add3A_131 = arith.addi %gather3A_129, %add3A_130 : vector<16xi32>
    %swap3A_132 = arith.index_cast %and3A_14 : i32 to index
    %swap3A_133 = arith.constant 80 : index
    %swap3A_134 = tpu.vector_load %arg6[%swap3A_132, %swap3A_133] {strides = array<i32>} : memref<4x128xi32, #tpu.memory_space<vmem>>, vector<16xi32>,
    tpu.vector_store %arg6[%swap3A_132, %swap3A_133], %add3A_131 {strides = array<i32>} : memref<4x128xi32, #tpu.memory_space<vmem>>, vector<16xi32>,
    %shift_right_logical3A_135 = arith.constant 3 : i32
    %shift_right_logical3A_136 = vector.broadcast %shift_right_logical3A_135 : i32 to vector<16xi32>
    %shift_right_logical3A_137 = arith.shrui %add3A_131, %shift_right_logical3A_136 : vector<16xi32>
    %swap3A_138 = arith.index_cast %and3A_14 : i32 to index
    %swap3A_139 = arith.constant 80 : index
    %swap3A_140 = tpu.vector_load %arg7[%swap3A_138, %swap3A_139] {strides = array<i32>} : memref<4x128xi32, #tpu.memory_space<vmem>>, vector<16xi32>,
    tpu.vector_store %arg7[%swap3A_138, %swap3A_139], %shift_right_logical3A_137 {strides = array<i32>} : memref<4x128xi32, #tpu.memory_space<vmem>>, vector<16xi32>,
    %mul3A_141 = arith.constant 128 : i32
    %mul3A_142 = arith.muli %and3A_11, %mul3A_141 : i32
    %add3A_143 = arith.constant 96 : i32
    %add3A_144 = arith.addi %mul3A_142, %add3A_143 : i32
    %mul3A_145 = arith.constant 26 : i32
    %mul3A_146 = arith.muli %add3A_144, %mul3A_145 : i32
    %add3A_147 = arith.addi %mul3A_146, %shift_right_logical3A_9 : i32
    %add3A_148 = vector.broadcast %add3A_147 : i32 to vector<16xi32>
    %add3A_149 = arith.addi %mul3A_7, %add3A_148 : vector<16xi32>
    %gather3A_150 = tpu.vector_load_idx %arg5[%add3A_149] : memref<13312xi32, #tpu.memory_space<vmem>>[vector<16xi32>], vector<16xi32>,
    %add3A_151 = vector.broadcast %mul3A_16 : i32 to vector<16xi32>
    %add3A_152 = arith.addi %gather3A_150, %add3A_151 : vector<16xi32>
    %swap3A_153 = arith.index_cast %and3A_14 : i32 to index
    %swap3A_154 = arith.constant 96 : index
    %swap3A_155 = tpu.vector_load %arg6[%swap3A_153, %swap3A_154] {strides = array<i32>} : memref<4x128xi32, #tpu.memory_space<vmem>>, vector<16xi32>,
    tpu.vector_store %arg6[%swap3A_153, %swap3A_154], %add3A_152 {strides = array<i32>} : memref<4x128xi32, #tpu.memory_space<vmem>>, vector<16xi32>,
    %shift_right_logical3A_156 = arith.constant 3 : i32
    %shift_right_logical3A_157 = vector.broadcast %shift_right_logical3A_156 : i32 to vector<16xi32>
    %shift_right_logical3A_158 = arith.shrui %add3A_152, %shift_right_logical3A_157 : vector<16xi32>
    %swap3A_159 = arith.index_cast %and3A_14 : i32 to index
    %swap3A_160 = arith.constant 96 : index
    %swap3A_161 = tpu.vector_load %arg7[%swap3A_159, %swap3A_160] {strides = array<i32>} : memref<4x128xi32, #tpu.memory_space<vmem>>, vector<16xi32>,
    tpu.vector_store %arg7[%swap3A_159, %swap3A_160], %shift_right_logical3A_158 {strides = array<i32>} : memref<4x128xi32, #tpu.memory_space<vmem>>, vector<16xi32>,
    %mul3A_162 = arith.constant 128 : i32
    %mul3A_163 = arith.muli %and3A_11, %mul3A_162 : i32
    %add3A_164 = arith.constant 112 : i32
    %add3A_165 = arith.addi %mul3A_163, %add3A_164 : i32
    %mul3A_166 = arith.constant 26 : i32
    %mul3A_167 = arith.muli %add3A_165, %mul3A_166 : i32
    %add3A_168 = arith.addi %mul3A_167, %shift_right_logical3A_9 : i32
    %add3A_169 = vector.broadcast %add3A_168 : i32 to vector<16xi32>
    %add3A_170 = arith.addi %mul3A_7, %add3A_169 : vector<16xi32>
    %gather3A_171 = tpu.vector_load_idx %arg5[%add3A_170] : memref<13312xi32, #tpu.memory_space<vmem>>[vector<16xi32>], vector<16xi32>,
    %add3A_172 = vector.broadcast %mul3A_16 : i32 to vector<16xi32>
    %add3A_173 = arith.addi %gather3A_171, %add3A_172 : vector<16xi32>
    %swap3A_174 = arith.index_cast %and3A_14 : i32 to index
    %swap3A_175 = arith.constant 112 : index
    %swap3A_176 = tpu.vector_load %arg6[%swap3A_174, %swap3A_175] {strides = array<i32>} : memref<4x128xi32, #tpu.memory_space<vmem>>, vector<16xi32>,
    tpu.vector_store %arg6[%swap3A_174, %swap3A_175], %add3A_173 {strides = array<i32>} : memref<4x128xi32, #tpu.memory_space<vmem>>, vector<16xi32>,
    %shift_right_logical3A_177 = arith.constant 3 : i32
    %shift_right_logical3A_178 = vector.broadcast %shift_right_logical3A_177 : i32 to vector<16xi32>
    %shift_right_logical3A_179 = arith.shrui %add3A_173, %shift_right_logical3A_178 : vector<16xi32>
    %swap3A_180 = arith.index_cast %and3A_14 : i32 to index
    %swap3A_181 = arith.constant 112 : index
    %swap3A_182 = tpu.vector_load %arg7[%swap3A_180, %swap3A_181] {strides = array<i32>} : memref<4x128xi32, #tpu.memory_space<vmem>>, vector<16xi32>,
    tpu.vector_store %arg7[%swap3A_180, %swap3A_181], %shift_right_logical3A_179 {strides = array<i32>} : memref<4x128xi32, #tpu.memory_space<vmem>>, vector<16xi32>,
    %dma_start3A = arith.constant 0 : i32
    %dma_start3A_183 = arith.constant 0 : i32
    %dma_start3A_184 = tpu.memref_slice %arg8[%and3A_14, %dma_start3A, %dma_start3A_183] : memref<4x128x128xf32, #tpu.memory_space<vmem>> -> memref<1x128x128xf32, #tpu.memory_space<vmem>>
    %dma_start3A_185 = tpu.memref_squeeze %dma_start3A_184 : memref<1x128x128xf32, #tpu.memory_space<vmem>> -> memref<128x128xf32, #tpu.memory_space<vmem>>
    %dma_start3A_186 = arith.constant 0 : i32
    %dma_start3A_187 = tpu.memref_slice %arg7[%and3A_14, %dma_start3A_186] : memref<4x128xi32, #tpu.memory_space<vmem>> -> memref<1x128xi32, #tpu.memory_space<vmem>>
    %dma_start3A_188 = tpu.memref_squeeze %dma_start3A_187 : memref<1x128xi32, #tpu.memory_space<vmem>> -> memref<128xi32, #tpu.memory_space<vmem>>
    %dma_start3A_189 = arith.constant 0 : i32
    %dma_start3A_190 = arith.constant 0 : i32
    %dma_start3A_191 = tpu.memref_slice %arg3[%dma_start3A_189, %dma_start3A_190] : memref<325000x128xf32, #tpu.memory_space<hbm>> -> memref<325000x128xf32, #tpu.memory_space<hbm>>
    tpu.enqueue_indirect_dma source(%dma_start3A_191 : memref<325000x128xf32, #tpu.memory_space<hbm>>) target(%dma_start3A_185 : memref<128x128xf32, #tpu.memory_space<vmem>>) offsets(%dma_start3A_188 : memref<128xi32, #tpu.memory_space<vmem>>) semaphore(%arg10 : memref<!tpu.dma_semaphore, #tpu.memory_space<semaphore_mem>>)
    %shift_right_logical3A_192 = arith.constant 1 : i32
    %shift_right_logical3A_193 = arith.constant 2 : i32
    %shift_right_logical3A_194 = arith.shrui %shift_right_logical3A_192, %shift_right_logical3A_193 : i32
    %and3A_195 = arith.constant 1 : i32
    %and3A_196 = arith.constant 3 : i32
    %and3A_197 = arith.andi %and3A_195, %and3A_196 : i32
    %and3A_198 = arith.constant 1 : i32
    %and3A_199 = arith.constant 3 : i32
    %and3A_200 = arith.andi %and3A_198, %and3A_199 : i32
    %mul3A_201 = arith.constant 100000 : i32
    %mul3A_202 = arith.muli %shift_right_logical3A_194, %mul3A_201 : i32
    %mul3A_203 = arith.constant 128 : i32
    %mul3A_204 = arith.muli %and3A_197, %mul3A_203 : i32
    %add3A_205 = arith.constant 0 : i32
    %add3A_206 = arith.addi %mul3A_204, %add3A_205 : i32
    %mul3A_207 = arith.constant 26 : i32
    %mul3A_208 = arith.muli %add3A_206, %mul3A_207 : i32
    %add3A_209 = arith.addi %mul3A_208, %shift_right_logical3A_194 : i32
    %add3A_210 = vector.broadcast %add3A_209 : i32 to vector<16xi32>
    %add3A_211 = arith.addi %mul3A_7, %add3A_210 : vector<16xi32>
    %gather3A_212 = tpu.vector_load_idx %arg5[%add3A_211] : memref<13312xi32, #tpu.memory_space<vmem>>[vector<16xi32>], vector<16xi32>,
    %add3A_213 = vector.broadcast %mul3A_202 : i32 to vector<16xi32>
    %add3A_214 = arith.addi %gather3A_212, %add3A_213 : vector<16xi32>
    %swap3A_215 = arith.index_cast %and3A_200 : i32 to index
    %swap3A_216 = arith.constant 0 : index
    %swap3A_217 = tpu.vector_load %arg6[%swap3A_215, %swap3A_216] {strides = array<i32>} : memref<4x128xi32, #tpu.memory_space<vmem>>, vector<16xi32>,
    tpu.vector_store %arg6[%swap3A_215, %swap3A_216], %add3A_214 {strides = array<i32>} : memref<4x128xi32, #tpu.memory_space<vmem>>, vector<16xi32>,
    %shift_right_logical3A_218 = arith.constant 3 : i32
    %shift_right_logical3A_219 = vector.broadcast %shift_right_logical3A_218 : i32 to vector<16xi32>
    %shift_right_logical3A_220 = arith.shrui %add3A_214, %shift_right_logical3A_219 : vector<16xi32>
    %swap3A_221 = arith.index_cast %and3A_200 : i32 to index
    %swap3A_222 = arith.constant 0 : index
    %swap3A_223 = tpu.vector_load %arg7[%swap3A_221, %swap3A_222] {strides = array<i32>} : memref<4x128xi32, #tpu.memory_space<vmem>>, vector<16xi32>,
    tpu.vector_store %arg7[%swap3A_221, %swap3A_222], %shift_right_logical3A_220 {strides = array<i32>} : memref<4x128xi32, #tpu.memory_space<vmem>>, vector<16xi32>,
    %mul3A_224 = arith.constant 128 : i32
    %mul3A_225 = arith.muli %and3A_197, %mul3A_224 : i32
    %add3A_226 = arith.constant 16 : i32
    %add3A_227 = arith.addi %mul3A_225, %add3A_226 : i32
    %mul3A_228 = arith.constant 26 : i32
    %mul3A_229 = arith.muli %add3A_227, %mul3A_228 : i32
    %add3A_230 = arith.addi %mul3A_229, %shift_right_logical3A_194 : i32
    %add3A_231 = vector.broadcast %add3A_230 : i32 to vector<16xi32>
    %add3A_232 = arith.addi %mul3A_7, %add3A_231 : vector<16xi32>
    %gather3A_233 = tpu.vector_load_idx %arg5[%add3A_232] : memref<13312xi32, #tpu.memory_space<vmem>>[vector<16xi32>], vector<16xi32>,
    %add3A_234 = vector.broadcast %mul3A_202 : i32 to vector<16xi32>
    %add3A_235 = arith.addi %gather3A_233, %add3A_234 : vector<16xi32>
    %swap3A_236 = arith.index_cast %and3A_200 : i32 to index
    %swap3A_237 = arith.constant 16 : index
    %swap3A_238 = tpu.vector_load %arg6[%swap3A_236, %swap3A_237] {strides = array<i32>} : memref<4x128xi32, #tpu.memory_space<vmem>>, vector<16xi32>,
    tpu.vector_store %arg6[%swap3A_236, %swap3A_237], %add3A_235 {strides = array<i32>} : memref<4x128xi32, #tpu.memory_space<vmem>>, vector<16xi32>,
    %shift_right_logical3A_239 = arith.constant 3 : i32
    %shift_right_logical3A_240 = vector.broadcast %shift_right_logical3A_239 : i32 to vector<16xi32>
    %shift_right_logical3A_241 = arith.shrui %add3A_235, %shift_right_logical3A_240 : vector<16xi32>
    %swap3A_242 = arith.index_cast %and3A_200 : i32 to index
    %swap3A_243 = arith.constant 16 : index
    %swap3A_244 = tpu.vector_load %arg7[%swap3A_242, %swap3A_243] {strides = array<i32>} : memref<4x128xi32, #tpu.memory_space<vmem>>, vector<16xi32>,
    tpu.vector_store %arg7[%swap3A_242, %swap3A_243], %shift_right_logical3A_241 {strides = array<i32>} : memref<4x128xi32, #tpu.memory_space<vmem>>, vector<16xi32>,
    %mul3A_245 = arith.constant 128 : i32
    %mul3A_246 = arith.muli %and3A_197, %mul3A_245 : i32
    %add3A_247 = arith.constant 32 : i32
    %add3A_248 = arith.addi %mul3A_246, %add3A_247 : i32
    %mul3A_249 = arith.constant 26 : i32
    %mul3A_250 = arith.muli %add3A_248, %mul3A_249 : i32
    %add3A_251 = arith.addi %mul3A_250, %shift_right_logical3A_194 : i32
    %add3A_252 = vector.broadcast %add3A_251 : i32 to vector<16xi32>
    %add3A_253 = arith.addi %mul3A_7, %add3A_252 : vector<16xi32>
    %gather3A_254 = tpu.vector_load_idx %arg5[%add3A_253] : memref<13312xi32, #tpu.memory_space<vmem>>[vector<16xi32>], vector<16xi32>,
    %add3A_255 = vector.broadcast %mul3A_202 : i32 to vector<16xi32>
    %add3A_256 = arith.addi %gather3A_254, %add3A_255 : vector<16xi32>
    %swap3A_257 = arith.index_cast %and3A_200 : i32 to index
    %swap3A_258 = arith.constant 32 : index
    %swap3A_259 = tpu.vector_load %arg6[%swap3A_257, %swap3A_258] {strides = array<i32>} : memref<4x128xi32, #tpu.memory_space<vmem>>, vector<16xi32>,
    tpu.vector_store %arg6[%swap3A_257, %swap3A_258], %add3A_256 {strides = array<i32>} : memref<4x128xi32, #tpu.memory_space<vmem>>, vector<16xi32>,
    %shift_right_logical3A_260 = arith.constant 3 : i32
    %shift_right_logical3A_261 = vector.broadcast %shift_right_logical3A_260 : i32 to vector<16xi32>
    %shift_right_logical3A_262 = arith.shrui %add3A_256, %shift_right_logical3A_261 : vector<16xi32>
    %swap3A_263 = arith.index_cast %and3A_200 : i32 to index
    %swap3A_264 = arith.constant 32 : index
    %swap3A_265 = tpu.vector_load %arg7[%swap3A_263, %swap3A_264] {strides = array<i32>} : memref<4x128xi32, #tpu.memory_space<vmem>>, vector<16xi32>,
    tpu.vector_store %arg7[%swap3A_263, %swap3A_264], %shift_right_logical3A_262 {strides = array<i32>} : memref<4x128xi32, #tpu.memory_space<vmem>>, vector<16xi32>,
    %mul3A_266 = arith.constant 128 : i32
    %mul3A_267 = arith.muli %and3A_197, %mul3A_266 : i32
    %add3A_268 = arith.constant 48 : i32
    %add3A_269 = arith.addi %mul3A_267, %add3A_268 : i32
    %mul3A_270 = arith.constant 26 : i32
    %mul3A_271 = arith.muli %add3A_269, %mul3A_270 : i32
    %add3A_272 = arith.addi %mul3A_271, %shift_right_logical3A_194 : i32
    %add3A_273 = vector.broadcast %add3A_272 : i32 to vector<16xi32>
    %add3A_274 = arith.addi %mul3A_7, %add3A_273 : vector<16xi32>
    %gather3A_275 = tpu.vector_load_idx %arg5[%add3A_274] : memref<13312xi32, #tpu.memory_space<vmem>>[vector<16xi32>], vector<16xi32>,
    %add3A_276 = vector.broadcast %mul3A_202 : i32 to vector<16xi32>
    %add3A_277 = arith.addi %gather3A_275, %add3A_276 : vector<16xi32>
    %swap3A_278 = arith.index_cast %and3A_200 : i32 to index
    %swap3A_279 = arith.constant 48 : index
    %swap3A_280 = tpu.vector_load %arg6[%swap3A_278, %swap3A_279] {strides = array<i32>} : memref<4x128xi32, #tpu.memory_space<vmem>>, vector<16xi32>,
    tpu.vector_store %arg6[%swap3A_278, %swap3A_279], %add3A_277 {strides = array<i32>} : memref<4x128xi32, #tpu.memory_space<vmem>>, vector<16xi32>,
    %shift_right_logical3A_281 = arith.constant 3 : i32
    %shift_right_logical3A_282 = vector.broadcast %shift_right_logical3A_281 : i32 to vector<16xi32>
    %shift_right_logical3A_283 = arith.shrui %add3A_277, %shift_right_logical3A_282 : vector<16xi32>
    %swap3A_284 = arith.index_cast %and3A_200 : i32 to index
    %swap3A_285 = arith.constant 48 : index
    %swap3A_286 = tpu.vector_load %arg7[%swap3A_284, %swap3A_285] {strides = array<i32>} : memref<4x128xi32, #tpu.memory_space<vmem>>, vector<16xi32>,
    tpu.vector_store %arg7[%swap3A_284, %swap3A_285], %shift_right_logical3A_283 {strides = array<i32>} : memref<4x128xi32, #tpu.memory_space<vmem>>, vector<16xi32>,
    %mul3A_287 = arith.constant 128 : i32
    %mul3A_288 = arith.muli %and3A_197, %mul3A_287 : i32
    %add3A_289 = arith.constant 64 : i32
    %add3A_290 = arith.addi %mul3A_288, %add3A_289 : i32
    %mul3A_291 = arith.constant 26 : i32
    %mul3A_292 = arith.muli %add3A_290, %mul3A_291 : i32
    %add3A_293 = arith.addi %mul3A_292, %shift_right_logical3A_194 : i32
    %add3A_294 = vector.broadcast %add3A_293 : i32 to vector<16xi32>
    %add3A_295 = arith.addi %mul3A_7, %add3A_294 : vector<16xi32>
    %gather3A_296 = tpu.vector_load_idx %arg5[%add3A_295] : memref<13312xi32, #tpu.memory_space<vmem>>[vector<16xi32>], vector<16xi32>,
    %add3A_297 = vector.broadcast %mul3A_202 : i32 to vector<16xi32>
    %add3A_298 = arith.addi %gather3A_296, %add3A_297 : vector<16xi32>
    %swap3A_299 = arith.index_cast %and3A_200 : i32 to index
    %swap3A_300 = arith.constant 64 : index
    %swap3A_301 = tpu.vector_load %arg6[%swap3A_299, %swap3A_300] {strides = array<i32>} : memref<4x128xi32, #tpu.memory_space<vmem>>, vector<16xi32>,
    tpu.vector_store %arg6[%swap3A_299, %swap3A_300], %add3A_298 {strides = array<i32>} : memref<4x128xi32, #tpu.memory_space<vmem>>, vector<16xi32>,
    %shift_right_logical3A_302 = arith.constant 3 : i32
    %shift_right_logical3A_303 = vector.broadcast %shift_right_logical3A_302 : i32 to vector<16xi32>
    %shift_right_logical3A_304 = arith.shrui %add3A_298, %shift_right_logical3A_303 : vector<16xi32>
    %swap3A_305 = arith.index_cast %and3A_200 : i32 to index
    %swap3A_306 = arith.constant 64 : index
    %swap3A_307 = tpu.vector_load %arg7[%swap3A_305, %swap3A_306] {strides = array<i32>} : memref<4x128xi32, #tpu.memory_space<vmem>>, vector<16xi32>,
    tpu.vector_store %arg7[%swap3A_305, %swap3A_306], %shift_right_logical3A_304 {strides = array<i32>} : memref<4x128xi32, #tpu.memory_space<vmem>>, vector<16xi32>,
    %mul3A_308 = arith.constant 128 : i32
    %mul3A_309 = arith.muli %and3A_197, %mul3A_308 : i32
    %add3A_310 = arith.constant 80 : i32
    %add3A_311 = arith.addi %mul3A_309, %add3A_310 : i32
    %mul3A_312 = arith.constant 26 : i32
    %mul3A_313 = arith.muli %add3A_311, %mul3A_312 : i32
    %add3A_314 = arith.addi %mul3A_313, %shift_right_logical3A_194 : i32
    %add3A_315 = vector.broadcast %add3A_314 : i32 to vector<16xi32>
    %add3A_316 = arith.addi %mul3A_7, %add3A_315 : vector<16xi32>
    %gather3A_317 = tpu.vector_load_idx %arg5[%add3A_316] : memref<13312xi32, #tpu.memory_space<vmem>>[vector<16xi32>], vector<16xi32>,
    %add3A_318 = vector.broadcast %mul3A_202 : i32 to vector<16xi32>
    %add3A_319 = arith.addi %gather3A_317, %add3A_318 : vector<16xi32>
    %swap3A_320 = arith.index_cast %and3A_200 : i32 to index
    %swap3A_321 = arith.constant 80 : index
    %swap3A_322 = tpu.vector_load %arg6[%swap3A_320, %swap3A_321] {strides = array<i32>} : memref<4x128xi32, #tpu.memory_space<vmem>>, vector<16xi32>,
    tpu.vector_store %arg6[%swap3A_320, %swap3A_321], %add3A_319 {strides = array<i32>} : memref<4x128xi32, #tpu.memory_space<vmem>>, vector<16xi32>,
    %shift_right_logical3A_323 = arith.constant 3 : i32
    %shift_right_logical3A_324 = vector.broadcast %shift_right_logical3A_323 : i32 to vector<16xi32>
    %shift_right_logical3A_325 = arith.shrui %add3A_319, %shift_right_logical3A_324 : vector<16xi32>
    %swap3A_326 = arith.index_cast %and3A_200 : i32 to index
    %swap3A_327 = arith.constant 80 : index
    %swap3A_328 = tpu.vector_load %arg7[%swap3A_326, %swap3A_327] {strides = array<i32>} : memref<4x128xi32, #tpu.memory_space<vmem>>, vector<16xi32>,
    tpu.vector_store %arg7[%swap3A_326, %swap3A_327], %shift_right_logical3A_325 {strides = array<i32>} : memref<4x128xi32, #tpu.memory_space<vmem>>, vector<16xi32>,
    %mul3A_329 = arith.constant 128 : i32
    %mul3A_330 = arith.muli %and3A_197, %mul3A_329 : i32
    %add3A_331 = arith.constant 96 : i32
    %add3A_332 = arith.addi %mul3A_330, %add3A_331 : i32
    %mul3A_333 = arith.constant 26 : i32
    %mul3A_334 = arith.muli %add3A_332, %mul3A_333 : i32
    %add3A_335 = arith.addi %mul3A_334, %shift_right_logical3A_194 : i32
    %add3A_336 = vector.broadcast %add3A_335 : i32 to vector<16xi32>
    %add3A_337 = arith.addi %mul3A_7, %add3A_336 : vector<16xi32>
    %gather3A_338 = tpu.vector_load_idx %arg5[%add3A_337] : memref<13312xi32, #tpu.memory_space<vmem>>[vector<16xi32>], vector<16xi32>,
    %add3A_339 = vector.broadcast %mul3A_202 : i32 to vector<16xi32>
    %add3A_340 = arith.addi %gather3A_338, %add3A_339 : vector<16xi32>
    %swap3A_341 = arith.index_cast %and3A_200 : i32 to index
    %swap3A_342 = arith.constant 96 : index
    %swap3A_343 = tpu.vector_load %arg6[%swap3A_341, %swap3A_342] {strides = array<i32>} : memref<4x128xi32, #tpu.memory_space<vmem>>, vector<16xi32>,
    tpu.vector_store %arg6[%swap3A_341, %swap3A_342], %add3A_340 {strides = array<i32>} : memref<4x128xi32, #tpu.memory_space<vmem>>, vector<16xi32>,
    %shift_right_logical3A_344 = arith.constant 3 : i32
    %shift_right_logical3A_345 = vector.broadcast %shift_right_logical3A_344 : i32 to vector<16xi32>
    %shift_right_logical3A_346 = arith.shrui %add3A_340, %shift_right_logical3A_345 : vector<16xi32>
    %swap3A_347 = arith.index_cast %and3A_200 : i32 to index
    %swap3A_348 = arith.constant 96 : index
    %swap3A_349 = tpu.vector_load %arg7[%swap3A_347, %swap3A_348] {strides = array<i32>} : memref<4x128xi32, #tpu.memory_space<vmem>>, vector<16xi32>,
    tpu.vector_store %arg7[%swap3A_347, %swap3A_348], %shift_right_logical3A_346 {strides = array<i32>} : memref<4x128xi32, #tpu.memory_space<vmem>>, vector<16xi32>,
    %mul3A_350 = arith.constant 128 : i32
    %mul3A_351 = arith.muli %and3A_197, %mul3A_350 : i32
    %add3A_352 = arith.constant 112 : i32
    %add3A_353 = arith.addi %mul3A_351, %add3A_352 : i32
    %mul3A_354 = arith.constant 26 : i32
    %mul3A_355 = arith.muli %add3A_353, %mul3A_354 : i32
    %add3A_356 = arith.addi %mul3A_355, %shift_right_logical3A_194 : i32
    %add3A_357 = vector.broadcast %add3A_356 : i32 to vector<16xi32>
    %add3A_358 = arith.addi %mul3A_7, %add3A_357 : vector<16xi32>
    %gather3A_359 = tpu.vector_load_idx %arg5[%add3A_358] : memref<13312xi32, #tpu.memory_space<vmem>>[vector<16xi32>], vector<16xi32>,
    %add3A_360 = vector.broadcast %mul3A_202 : i32 to vector<16xi32>
    %add3A_361 = arith.addi %gather3A_359, %add3A_360 : vector<16xi32>
    %swap3A_362 = arith.index_cast %and3A_200 : i32 to index
    %swap3A_363 = arith.constant 112 : index
    %swap3A_364 = tpu.vector_load %arg6[%swap3A_362, %swap3A_363] {strides = array<i32>} : memref<4x128xi32, #tpu.memory_space<vmem>>, vector<16xi32>,
    tpu.vector_store %arg6[%swap3A_362, %swap3A_363], %add3A_361 {strides = array<i32>} : memref<4x128xi32, #tpu.memory_space<vmem>>, vector<16xi32>,
    %shift_right_logical3A_365 = arith.constant 3 : i32
    %shift_right_logical3A_366 = vector.broadcast %shift_right_logical3A_365 : i32 to vector<16xi32>
    %shift_right_logical3A_367 = arith.shrui %add3A_361, %shift_right_logical3A_366 : vector<16xi32>
    %swap3A_368 = arith.index_cast %and3A_200 : i32 to index
    %swap3A_369 = arith.constant 112 : index
    %swap3A_370 = tpu.vector_load %arg7[%swap3A_368, %swap3A_369] {strides = array<i32>} : memref<4x128xi32, #tpu.memory_space<vmem>>, vector<16xi32>,
    tpu.vector_store %arg7[%swap3A_368, %swap3A_369], %shift_right_logical3A_367 {strides = array<i32>} : memref<4x128xi32, #tpu.memory_space<vmem>>, vector<16xi32>,
    %dma_start3A_371 = arith.constant 0 : i32
    %dma_start3A_372 = arith.constant 0 : i32
    %dma_start3A_373 = tpu.memref_slice %arg8[%and3A_200, %dma_start3A_371, %dma_start3A_372] : memref<4x128x128xf32, #tpu.memory_space<vmem>> -> memref<1x128x128xf32, #tpu.memory_space<vmem>>
    %dma_start3A_374 = tpu.memref_squeeze %dma_start3A_373 : memref<1x128x128xf32, #tpu.memory_space<vmem>> -> memref<128x128xf32, #tpu.memory_space<vmem>>
    %dma_start3A_375 = arith.constant 0 : i32
    %dma_start3A_376 = tpu.memref_slice %arg7[%and3A_200, %dma_start3A_375] : memref<4x128xi32, #tpu.memory_space<vmem>> -> memref<1x128xi32, #tpu.memory_space<vmem>>
    %dma_start3A_377 = tpu.memref_squeeze %dma_start3A_376 : memref<1x128xi32, #tpu.memory_space<vmem>> -> memref<128xi32, #tpu.memory_space<vmem>>
    %dma_start3A_378 = arith.constant 0 : i32
    %dma_start3A_379 = arith.constant 0 : i32
    %dma_start3A_380 = tpu.memref_slice %arg3[%dma_start3A_378, %dma_start3A_379] : memref<325000x128xf32, #tpu.memory_space<hbm>> -> memref<325000x128xf32, #tpu.memory_space<hbm>>
    tpu.enqueue_indirect_dma source(%dma_start3A_380 : memref<325000x128xf32, #tpu.memory_space<hbm>>) target(%dma_start3A_374 : memref<128x128xf32, #tpu.memory_space<vmem>>) offsets(%dma_start3A_377 : memref<128xi32, #tpu.memory_space<vmem>>) semaphore(%arg10 : memref<!tpu.dma_semaphore, #tpu.memory_space<semaphore_mem>>)
    %shift_right_logical3A_381 = arith.constant 2 : i32
    %shift_right_logical3A_382 = arith.constant 2 : i32
    %shift_right_logical3A_383 = arith.shrui %shift_right_logical3A_381, %shift_right_logical3A_382 : i32
    %and3A_384 = arith.constant 2 : i32
    %and3A_385 = arith.constant 3 : i32
    %and3A_386 = arith.andi %and3A_384, %and3A_385 : i32
    %and3A_387 = arith.constant 2 : i32
    %and3A_388 = arith.constant 3 : i32
    %and3A_389 = arith.andi %and3A_387, %and3A_388 : i32
    %mul3A_390 = arith.constant 100000 : i32
    %mul3A_391 = arith.muli %shift_right_logical3A_383, %mul3A_390 : i32
    %mul3A_392 = arith.constant 128 : i32
    %mul3A_393 = arith.muli %and3A_386, %mul3A_392 : i32
    %add3A_394 = arith.constant 0 : i32
    %add3A_395 = arith.addi %mul3A_393, %add3A_394 : i32
    %mul3A_396 = arith.constant 26 : i32
    %mul3A_397 = arith.muli %add3A_395, %mul3A_396 : i32
    %add3A_398 = arith.addi %mul3A_397, %shift_right_logical3A_383 : i32
    %add3A_399 = vector.broadcast %add3A_398 : i32 to vector<16xi32>
    %add3A_400 = arith.addi %mul3A_7, %add3A_399 : vector<16xi32>
    %gather3A_401 = tpu.vector_load_idx %arg5[%add3A_400] : memref<13312xi32, #tpu.memory_space<vmem>>[vector<16xi32>], vector<16xi32>,
    %add3A_402 = vector.broadcast %mul3A_391 : i32 to vector<16xi32>
    %add3A_403 = arith.addi %gather3A_401, %add3A_402 : vector<16xi32>
    %swap3A_404 = arith.index_cast %and3A_389 : i32 to index
    %swap3A_405 = arith.constant 0 : index
    %swap3A_406 = tpu.vector_load %arg6[%swap3A_404, %swap3A_405] {strides = array<i32>} : memref<4x128xi32, #tpu.memory_space<vmem>>, vector<16xi32>,
    tpu.vector_store %arg6[%swap3A_404, %swap3A_405], %add3A_403 {strides = array<i32>} : memref<4x128xi32, #tpu.memory_space<vmem>>, vector<16xi32>,
    %shift_right_logical3A_407 = arith.constant 3 : i32
    %shift_right_logical3A_408 = vector.broadcast %shift_right_logical3A_407 : i32 to vector<16xi32>
    %shift_right_logical3A_409 = arith.shrui %add3A_403, %shift_right_logical3A_408 : vector<16xi32>
    %swap3A_410 = arith.index_cast %and3A_389 : i32 to index
    %swap3A_411 = arith.constant 0 : index
    %swap3A_412 = tpu.vector_load %arg7[%swap3A_410, %swap3A_411] {strides = array<i32>} : memref<4x128xi32, #tpu.memory_space<vmem>>, vector<16xi32>,
    tpu.vector_store %arg7[%swap3A_410, %swap3A_411], %shift_right_logical3A_409 {strides = array<i32>} : memref<4x128xi32, #tpu.memory_space<vmem>>, vector<16xi32>,
    %mul3A_413 = arith.constant 128 : i32
    %mul3A_414 = arith.muli %and3A_386, %mul3A_413 : i32
    %add3A_415 = arith.constant 16 : i32
    %add3A_416 = arith.addi %mul3A_414, %add3A_415 : i32
    %mul3A_417 = arith.constant 26 : i32
    %mul3A_418 = arith.muli %add3A_416, %mul3A_417 : i32
    %add3A_419 = arith.addi %mul3A_418, %shift_right_logical3A_383 : i32
    %add3A_420 = vector.broadcast %add3A_419 : i32 to vector<16xi32>
    %add3A_421 = arith.addi %mul3A_7, %add3A_420 : vector<16xi32>
    %gather3A_422 = tpu.vector_load_idx %arg5[%add3A_421] : memref<13312xi32, #tpu.memory_space<vmem>>[vector<16xi32>], vector<16xi32>,
    %add3A_423 = vector.broadcast %mul3A_391 : i32 to vector<16xi32>
    %add3A_424 = arith.addi %gather3A_422, %add3A_423 : vector<16xi32>
    %swap3A_425 = arith.index_cast %and3A_389 : i32 to index
    %swap3A_426 = arith.constant 16 : index
    %swap3A_427 = tpu.vector_load %arg6[%swap3A_425, %swap3A_426] {strides = array<i32>} : memref<4x128xi32, #tpu.memory_space<vmem>>, vector<16xi32>,
    tpu.vector_store %arg6[%swap3A_425, %swap3A_426], %add3A_424 {strides = array<i32>} : memref<4x128xi32, #tpu.memory_space<vmem>>, vector<16xi32>,
    %shift_right_logical3A_428 = arith.constant 3 : i32
    %shift_right_logical3A_429 = vector.broadcast %shift_right_logical3A_428 : i32 to vector<16xi32>
    %shift_right_logical3A_430 = arith.shrui %add3A_424, %shift_right_logical3A_429 : vector<16xi32>
    %swap3A_431 = arith.index_cast %and3A_389 : i32 to index
    %swap3A_432 = arith.constant 16 : index
    %swap3A_433 = tpu.vector_load %arg7[%swap3A_431, %swap3A_432] {strides = array<i32>} : memref<4x128xi32, #tpu.memory_space<vmem>>, vector<16xi32>,
    tpu.vector_store %arg7[%swap3A_431, %swap3A_432], %shift_right_logical3A_430 {strides = array<i32>} : memref<4x128xi32, #tpu.memory_space<vmem>>, vector<16xi32>,
    %mul3A_434 = arith.constant 128 : i32
    %mul3A_435 = arith.muli %and3A_386, %mul3A_434 : i32
    %add3A_436 = arith.constant 32 : i32
    %add3A_437 = arith.addi %mul3A_435, %add3A_436 : i32
    %mul3A_438 = arith.constant 26 : i32
    %mul3A_439 = arith.muli %add3A_437, %mul3A_438 : i32
    %add3A_440 = arith.addi %mul3A_439, %shift_right_logical3A_383 : i32
    %add3A_441 = vector.broadcast %add3A_440 : i32 to vector<16xi32>
    %add3A_442 = arith.addi %mul3A_7, %add3A_441 : vector<16xi32>
    %gather3A_443 = tpu.vector_load_idx %arg5[%add3A_442] : memref<13312xi32, #tpu.memory_space<vmem>>[vector<16xi32>], vector<16xi32>,
    %add3A_444 = vector.broadcast %mul3A_391 : i32 to vector<16xi32>
    %add3A_445 = arith.addi %gather3A_443, %add3A_444 : vector<16xi32>
    %swap3A_446 = arith.index_cast %and3A_389 : i32 to index
    %swap3A_447 = arith.constant 32 : index
    %swap3A_448 = tpu.vector_load %arg6[%swap3A_446, %swap3A_447] {strides = array<i32>} : memref<4x128xi32, #tpu.memory_space<vmem>>, vector<16xi32>,
    tpu.vector_store %arg6[%swap3A_446, %swap3A_447], %add3A_445 {strides = array<i32>} : memref<4x128xi32, #tpu.memory_space<vmem>>, vector<16xi32>,
    %shift_right_logical3A_449 = arith.constant 3 : i32
    %shift_right_logical3A_450 = vector.broadcast %shift_right_logical3A_449 : i32 to vector<16xi32>
    %shift_right_logical3A_451 = arith.shrui %add3A_445, %shift_right_logical3A_450 : vector<16xi32>
    %swap3A_452 = arith.index_cast %and3A_389 : i32 to index
    %swap3A_453 = arith.constant 32 : index
    %swap3A_454 = tpu.vector_load %arg7[%swap3A_452, %swap3A_453] {strides = array<i32>} : memref<4x128xi32, #tpu.memory_space<vmem>>, vector<16xi32>,
    tpu.vector_store %arg7[%swap3A_452, %swap3A_453], %shift_right_logical3A_451 {strides = array<i32>} : memref<4x128xi32, #tpu.memory_space<vmem>>, vector<16xi32>,
    %mul3A_455 = arith.constant 128 : i32
    %mul3A_456 = arith.muli %and3A_386, %mul3A_455 : i32
    %add3A_457 = arith.constant 48 : i32
    %add3A_458 = arith.addi %mul3A_456, %add3A_457 : i32
    %mul3A_459 = arith.constant 26 : i32
    %mul3A_460 = arith.muli %add3A_458, %mul3A_459 : i32
    %add3A_461 = arith.addi %mul3A_460, %shift_right_logical3A_383 : i32
    %add3A_462 = vector.broadcast %add3A_461 : i32 to vector<16xi32>
    %add3A_463 = arith.addi %mul3A_7, %add3A_462 : vector<16xi32>
    %gather3A_464 = tpu.vector_load_idx %arg5[%add3A_463] : memref<13312xi32, #tpu.memory_space<vmem>>[vector<16xi32>], vector<16xi32>,
    %add3A_465 = vector.broadcast %mul3A_391 : i32 to vector<16xi32>
    %add3A_466 = arith.addi %gather3A_464, %add3A_465 : vector<16xi32>
    %swap3A_467 = arith.index_cast %and3A_389 : i32 to index
    %swap3A_468 = arith.constant 48 : index
    %swap3A_469 = tpu.vector_load %arg6[%swap3A_467, %swap3A_468] {strides = array<i32>} : memref<4x128xi32, #tpu.memory_space<vmem>>, vector<16xi32>,
    tpu.vector_store %arg6[%swap3A_467, %swap3A_468], %add3A_466 {strides = array<i32>} : memref<4x128xi32, #tpu.memory_space<vmem>>, vector<16xi32>,
    %shift_right_logical3A_470 = arith.constant 3 : i32
    %shift_right_logical3A_471 = vector.broadcast %shift_right_logical3A_470 : i32 to vector<16xi32>
    %shift_right_logical3A_472 = arith.shrui %add3A_466, %shift_right_logical3A_471 : vector<16xi32>
    %swap3A_473 = arith.index_cast %and3A_389 : i32 to index
    %swap3A_474 = arith.constant 48 : index
    %swap3A_475 = tpu.vector_load %arg7[%swap3A_473, %swap3A_474] {strides = array<i32>} : memref<4x128xi32, #tpu.memory_space<vmem>>, vector<16xi32>,
    tpu.vector_store %arg7[%swap3A_473, %swap3A_474], %shift_right_logical3A_472 {strides = array<i32>} : memref<4x128xi32, #tpu.memory_space<vmem>>, vector<16xi32>,
    %mul3A_476 = arith.constant 128 : i32
    %mul3A_477 = arith.muli %and3A_386, %mul3A_476 : i32
    %add3A_478 = arith.constant 64 : i32
    %add3A_479 = arith.addi %mul3A_477, %add3A_478 : i32
    %mul3A_480 = arith.constant 26 : i32
    %mul3A_481 = arith.muli %add3A_479, %mul3A_480 : i32
    %add3A_482 = arith.addi %mul3A_481, %shift_right_logical3A_383 : i32
    %add3A_483 = vector.broadcast %add3A_482 : i32 to vector<16xi32>
    %add3A_484 = arith.addi %mul3A_7, %add3A_483 : vector<16xi32>
    %gather3A_485 = tpu.vector_load_idx %arg5[%add3A_484] : memref<13312xi32, #tpu.memory_space<vmem>>[vector<16xi32>], vector<16xi32>,
    %add3A_486 = vector.broadcast %mul3A_391 : i32 to vector<16xi32>
    %add3A_487 = arith.addi %gather3A_485, %add3A_486 : vector<16xi32>
    %swap3A_488 = arith.index_cast %and3A_389 : i32 to index
    %swap3A_489 = arith.constant 64 : index
    %swap3A_490 = tpu.vector_load %arg6[%swap3A_488, %swap3A_489] {strides = array<i32>} : memref<4x128xi32, #tpu.memory_space<vmem>>, vector<16xi32>,
    tpu.vector_store %arg6[%swap3A_488, %swap3A_489], %add3A_487 {strides = array<i32>} : memref<4x128xi32, #tpu.memory_space<vmem>>, vector<16xi32>,
    %shift_right_logical3A_491 = arith.constant 3 : i32
    %shift_right_logical3A_492 = vector.broadcast %shift_right_logical3A_491 : i32 to vector<16xi32>
    %shift_right_logical3A_493 = arith.shrui %add3A_487, %shift_right_logical3A_492 : vector<16xi32>
    %swap3A_494 = arith.index_cast %and3A_389 : i32 to index
    %swap3A_495 = arith.constant 64 : index
    %swap3A_496 = tpu.vector_load %arg7[%swap3A_494, %swap3A_495] {strides = array<i32>} : memref<4x128xi32, #tpu.memory_space<vmem>>, vector<16xi32>,
    tpu.vector_store %arg7[%swap3A_494, %swap3A_495], %shift_right_logical3A_493 {strides = array<i32>} : memref<4x128xi32, #tpu.memory_space<vmem>>, vector<16xi32>,
    %mul3A_497 = arith.constant 128 : i32
    %mul3A_498 = arith.muli %and3A_386, %mul3A_497 : i32
    %add3A_499 = arith.constant 80 : i32
    %add3A_500 = arith.addi %mul3A_498, %add3A_499 : i32
    %mul3A_501 = arith.constant 26 : i32
    %mul3A_502 = arith.muli %add3A_500, %mul3A_501 : i32
    %add3A_503 = arith.addi %mul3A_502, %shift_right_logical3A_383 : i32
    %add3A_504 = vector.broadcast %add3A_503 : i32 to vector<16xi32>
    %add3A_505 = arith.addi %mul3A_7, %add3A_504 : vector<16xi32>
    %gather3A_506 = tpu.vector_load_idx %arg5[%add3A_505] : memref<13312xi32, #tpu.memory_space<vmem>>[vector<16xi32>], vector<16xi32>,
    %add3A_507 = vector.broadcast %mul3A_391 : i32 to vector<16xi32>
    %add3A_508 = arith.addi %gather3A_506, %add3A_507 : vector<16xi32>
    %swap3A_509 = arith.index_cast %and3A_389 : i32 to index
    %swap3A_510 = arith.constant 80 : index
    %swap3A_511 = tpu.vector_load %arg6[%swap3A_509, %swap3A_510] {strides = array<i32>} : memref<4x128xi32, #tpu.memory_space<vmem>>, vector<16xi32>,
    tpu.vector_store %arg6[%swap3A_509, %swap3A_510], %add3A_508 {strides = array<i32>} : memref<4x128xi32, #tpu.memory_space<vmem>>, vector<16xi32>,
    %shift_right_logical3A_512 = arith.constant 3 : i32
    %shift_right_logical3A_513 = vector.broadcast %shift_right_logical3A_512 : i32 to vector<16xi32>
    %shift_right_logical3A_514 = arith.shrui %add3A_508, %shift_right_logical3A_513 : vector<16xi32>
    %swap3A_515 = arith.index_cast %and3A_389 : i32 to index
    %swap3A_516 = arith.constant 80 : index
    %swap3A_517 = tpu.vector_load %arg7[%swap3A_515, %swap3A_516] {strides = array<i32>} : memref<4x128xi32, #tpu.memory_space<vmem>>, vector<16xi32>,
    tpu.vector_store %arg7[%swap3A_515, %swap3A_516], %shift_right_logical3A_514 {strides = array<i32>} : memref<4x128xi32, #tpu.memory_space<vmem>>, vector<16xi32>,
    %mul3A_518 = arith.constant 128 : i32
    %mul3A_519 = arith.muli %and3A_386, %mul3A_518 : i32
    %add3A_520 = arith.constant 96 : i32
    %add3A_521 = arith.addi %mul3A_519, %add3A_520 : i32
    %mul3A_522 = arith.constant 26 : i32
    %mul3A_523 = arith.muli %add3A_521, %mul3A_522 : i32
    %add3A_524 = arith.addi %mul3A_523, %shift_right_logical3A_383 : i32
    %add3A_525 = vector.broadcast %add3A_524 : i32 to vector<16xi32>
    %add3A_526 = arith.addi %mul3A_7, %add3A_525 : vector<16xi32>
    %gather3A_527 = tpu.vector_load_idx %arg5[%add3A_526] : memref<13312xi32, #tpu.memory_space<vmem>>[vector<16xi32>], vector<16xi32>,
    %add3A_528 = vector.broadcast %mul3A_391 : i32 to vector<16xi32>
    %add3A_529 = arith.addi %gather3A_527, %add3A_528 : vector<16xi32>
    %swap3A_530 = arith.index_cast %and3A_389 : i32 to index
    %swap3A_531 = arith.constant 96 : index
    %swap3A_532 = tpu.vector_load %arg6[%swap3A_530, %swap3A_531] {strides = array<i32>} : memref<4x128xi32, #tpu.memory_space<vmem>>, vector<16xi32>,
    tpu.vector_store %arg6[%swap3A_530, %swap3A_531], %add3A_529 {strides = array<i32>} : memref<4x128xi32, #tpu.memory_space<vmem>>, vector<16xi32>,
    %shift_right_logical3A_533 = arith.constant 3 : i32
    %shift_right_logical3A_534 = vector.broadcast %shift_right_logical3A_533 : i32 to vector<16xi32>
    %shift_right_logical3A_535 = arith.shrui %add3A_529, %shift_right_logical3A_534 : vector<16xi32>
    %swap3A_536 = arith.index_cast %and3A_389 : i32 to index
    %swap3A_537 = arith.constant 96 : index
    %swap3A_538 = tpu.vector_load %arg7[%swap3A_536, %swap3A_537] {strides = array<i32>} : memref<4x128xi32, #tpu.memory_space<vmem>>, vector<16xi32>,
    tpu.vector_store %arg7[%swap3A_536, %swap3A_537], %shift_right_logical3A_535 {strides = array<i32>} : memref<4x128xi32, #tpu.memory_space<vmem>>, vector<16xi32>,
    %mul3A_539 = arith.constant 128 : i32
    %mul3A_540 = arith.muli %and3A_386, %mul3A_539 : i32
    %add3A_541 = arith.constant 112 : i32
    %add3A_542 = arith.addi %mul3A_540, %add3A_541 : i32
    %mul3A_543 = arith.constant 26 : i32
    %mul3A_544 = arith.muli %add3A_542, %mul3A_543 : i32
    %add3A_545 = arith.addi %mul3A_544, %shift_right_logical3A_383 : i32
    %add3A_546 = vector.broadcast %add3A_545 : i32 to vector<16xi32>
    %add3A_547 = arith.addi %mul3A_7, %add3A_546 : vector<16xi32>
    %gather3A_548 = tpu.vector_load_idx %arg5[%add3A_547] : memref<13312xi32, #tpu.memory_space<vmem>>[vector<16xi32>], vector<16xi32>,
    %add3A_549 = vector.broadcast %mul3A_391 : i32 to vector<16xi32>
    %add3A_550 = arith.addi %gather3A_548, %add3A_549 : vector<16xi32>
    %swap3A_551 = arith.index_cast %and3A_389 : i32 to index
    %swap3A_552 = arith.constant 112 : index
    %swap3A_553 = tpu.vector_load %arg6[%swap3A_551, %swap3A_552] {strides = array<i32>} : memref<4x128xi32, #tpu.memory_space<vmem>>, vector<16xi32>,
    tpu.vector_store %arg6[%swap3A_551, %swap3A_552], %add3A_550 {strides = array<i32>} : memref<4x128xi32, #tpu.memory_space<vmem>>, vector<16xi32>,
    %shift_right_logical3A_554 = arith.constant 3 : i32
    %shift_right_logical3A_555 = vector.broadcast %shift_right_logical3A_554 : i32 to vector<16xi32>
    %shift_right_logical3A_556 = arith.shrui %add3A_550, %shift_right_logical3A_555 : vector<16xi32>
    %swap3A_557 = arith.index_cast %and3A_389 : i32 to index
    %swap3A_558 = arith.constant 112 : index
    %swap3A_559 = tpu.vector_load %arg7[%swap3A_557, %swap3A_558] {strides = array<i32>} : memref<4x128xi32, #tpu.memory_space<vmem>>, vector<16xi32>,
    tpu.vector_store %arg7[%swap3A_557, %swap3A_558], %shift_right_logical3A_556 {strides = array<i32>} : memref<4x128xi32, #tpu.memory_space<vmem>>, vector<16xi32>,
    %dma_start3A_560 = arith.constant 0 : i32
    %dma_start3A_561 = arith.constant 0 : i32
    %dma_start3A_562 = tpu.memref_slice %arg8[%and3A_389, %dma_start3A_560, %dma_start3A_561] : memref<4x128x128xf32, #tpu.memory_space<vmem>> -> memref<1x128x128xf32, #tpu.memory_space<vmem>>
    %dma_start3A_563 = tpu.memref_squeeze %dma_start3A_562 : memref<1x128x128xf32, #tpu.memory_space<vmem>> -> memref<128x128xf32, #tpu.memory_space<vmem>>
    %dma_start3A_564 = arith.constant 0 : i32
    %dma_start3A_565 = tpu.memref_slice %arg7[%and3A_389, %dma_start3A_564] : memref<4x128xi32, #tpu.memory_space<vmem>> -> memref<1x128xi32, #tpu.memory_space<vmem>>
    %dma_start3A_566 = tpu.memref_squeeze %dma_start3A_565 : memref<1x128xi32, #tpu.memory_space<vmem>> -> memref<128xi32, #tpu.memory_space<vmem>>
    %dma_start3A_567 = arith.constant 0 : i32
    %dma_start3A_568 = arith.constant 0 : i32
    %dma_start3A_569 = tpu.memref_slice %arg3[%dma_start3A_567, %dma_start3A_568] : memref<325000x128xf32, #tpu.memory_space<hbm>> -> memref<325000x128xf32, #tpu.memory_space<hbm>>
    tpu.enqueue_indirect_dma source(%dma_start3A_569 : memref<325000x128xf32, #tpu.memory_space<hbm>>) target(%dma_start3A_563 : memref<128x128xf32, #tpu.memory_space<vmem>>) offsets(%dma_start3A_566 : memref<128xi32, #tpu.memory_space<vmem>>) semaphore(%arg10 : memref<!tpu.dma_semaphore, #tpu.memory_space<semaphore_mem>>)
    %scan3A = arith.constant 0 : i32
    %scan3A_570 = arith.constant 3 : i32
    %scan3A_571 = arith.constant 101 : i32
    %scan3A_572 = arith.addi %scan3A_570, %scan3A_571 : i32
    %scan3A_573 = arith.constant 1 : i32
    scf.for %scan3A_947 = %scan3A_570 to %scan3A_572 step %scan3A_573  : i32 {
      %shift_right_logical3A_948 = arith.constant 2 : i32
      %shift_right_logical3A_949 = arith.shrui %scan3A_947, %shift_right_logical3A_948 : i32
      %and3A_950 = arith.constant 3 : i32
      %and3A_951 = arith.andi %scan3A_947, %and3A_950 : i32
      %and3A_952 = arith.constant 3 : i32
      %and3A_953 = arith.andi %scan3A_947, %and3A_952 : i32
      %mul3A_954 = arith.constant 100000 : i32
      %mul3A_955 = arith.muli %shift_right_logical3A_949, %mul3A_954 : i32
      %mul3A_956 = arith.constant 128 : i32
      %mul3A_957 = arith.muli %and3A_951, %mul3A_956 : i32
      %add3A_958 = arith.constant 0 : i32
      %add3A_959 = arith.addi %mul3A_957, %add3A_958 : i32
      %mul3A_960 = arith.constant 26 : i32
      %mul3A_961 = arith.muli %add3A_959, %mul3A_960 : i32
      %add3A_962 = arith.addi %mul3A_961, %shift_right_logical3A_949 : i32
      %add3A_963 = vector.broadcast %add3A_962 : i32 to vector<16xi32>
      %add3A_964 = arith.addi %mul3A_7, %add3A_963 : vector<16xi32>
      %gather3A_965 = tpu.vector_load_idx %arg5[%add3A_964] : memref<13312xi32, #tpu.memory_space<vmem>>[vector<16xi32>], vector<16xi32>,
      %add3A_966 = vector.broadcast %mul3A_955 : i32 to vector<16xi32>
      %add3A_967 = arith.addi %gather3A_965, %add3A_966 : vector<16xi32>
      %swap3A_968 = arith.index_cast %and3A_953 : i32 to index
      %swap3A_969 = arith.constant 0 : index
      %swap3A_970 = tpu.vector_load %arg6[%swap3A_968, %swap3A_969] {strides = array<i32>} : memref<4x128xi32, #tpu.memory_space<vmem>>, vector<16xi32>,
      tpu.vector_store %arg6[%swap3A_968, %swap3A_969], %add3A_967 {strides = array<i32>} : memref<4x128xi32, #tpu.memory_space<vmem>>, vector<16xi32>,
      %shift_right_logical3A_971 = arith.constant 3 : i32
      %shift_right_logical3A_972 = vector.broadcast %shift_right_logical3A_971 : i32 to vector<16xi32>
      %shift_right_logical3A_973 = arith.shrui %add3A_967, %shift_right_logical3A_972 : vector<16xi32>
      %swap3A_974 = arith.index_cast %and3A_953 : i32 to index
      %swap3A_975 = arith.constant 0 : index
      %swap3A_976 = tpu.vector_load %arg7[%swap3A_974, %swap3A_975] {strides = array<i32>} : memref<4x128xi32, #tpu.memory_space<vmem>>, vector<16xi32>,
      tpu.vector_store %arg7[%swap3A_974, %swap3A_975], %shift_right_logical3A_973 {strides = array<i32>} : memref<4x128xi32, #tpu.memory_space<vmem>>, vector<16xi32>,
      %mul3A_977 = arith.constant 128 : i32
      %mul3A_978 = arith.muli %and3A_951, %mul3A_977 : i32
      %add3A_979 = arith.constant 16 : i32
      %add3A_980 = arith.addi %mul3A_978, %add3A_979 : i32
      %mul3A_981 = arith.constant 26 : i32
      %mul3A_982 = arith.muli %add3A_980, %mul3A_981 : i32
      %add3A_983 = arith.addi %mul3A_982, %shift_right_logical3A_949 : i32
      %add3A_984 = vector.broadcast %add3A_983 : i32 to vector<16xi32>
      %add3A_985 = arith.addi %mul3A_7, %add3A_984 : vector<16xi32>
      %gather3A_986 = tpu.vector_load_idx %arg5[%add3A_985] : memref<13312xi32, #tpu.memory_space<vmem>>[vector<16xi32>], vector<16xi32>,
      %add3A_987 = vector.broadcast %mul3A_955 : i32 to vector<16xi32>
      %add3A_988 = arith.addi %gather3A_986, %add3A_987 : vector<16xi32>
      %swap3A_989 = arith.index_cast %and3A_953 : i32 to index
      %swap3A_990 = arith.constant 16 : index
      %swap3A_991 = tpu.vector_load %arg6[%swap3A_989, %swap3A_990] {strides = array<i32>} : memref<4x128xi32, #tpu.memory_space<vmem>>, vector<16xi32>,
      tpu.vector_store %arg6[%swap3A_989, %swap3A_990], %add3A_988 {strides = array<i32>} : memref<4x128xi32, #tpu.memory_space<vmem>>, vector<16xi32>,
      %shift_right_logical3A_992 = arith.constant 3 : i32
      %shift_right_logical3A_993 = vector.broadcast %shift_right_logical3A_992 : i32 to vector<16xi32>
      %shift_right_logical3A_994 = arith.shrui %add3A_988, %shift_right_logical3A_993 : vector<16xi32>
      %swap3A_995 = arith.index_cast %and3A_953 : i32 to index
      %swap3A_996 = arith.constant 16 : index
      %swap3A_997 = tpu.vector_load %arg7[%swap3A_995, %swap3A_996] {strides = array<i32>} : memref<4x128xi32, #tpu.memory_space<vmem>>, vector<16xi32>,
      tpu.vector_store %arg7[%swap3A_995, %swap3A_996], %shift_right_logical3A_994 {strides = array<i32>} : memref<4x128xi32, #tpu.memory_space<vmem>>, vector<16xi32>,
      %mul3A_998 = arith.constant 128 : i32
      %mul3A_999 = arith.muli %and3A_951, %mul3A_998 : i32
      %add3A_1000 = arith.constant 32 : i32
      %add3A_1001 = arith.addi %mul3A_999, %add3A_1000 : i32
      %mul3A_1002 = arith.constant 26 : i32
      %mul3A_1003 = arith.muli %add3A_1001, %mul3A_1002 : i32
      %add3A_1004 = arith.addi %mul3A_1003, %shift_right_logical3A_949 : i32
      %add3A_1005 = vector.broadcast %add3A_1004 : i32 to vector<16xi32>
      %add3A_1006 = arith.addi %mul3A_7, %add3A_1005 : vector<16xi32>
      %gather3A_1007 = tpu.vector_load_idx %arg5[%add3A_1006] : memref<13312xi32, #tpu.memory_space<vmem>>[vector<16xi32>], vector<16xi32>,
      %add3A_1008 = vector.broadcast %mul3A_955 : i32 to vector<16xi32>
      %add3A_1009 = arith.addi %gather3A_1007, %add3A_1008 : vector<16xi32>
      %swap3A_1010 = arith.index_cast %and3A_953 : i32 to index
      %swap3A_1011 = arith.constant 32 : index
      %swap3A_1012 = tpu.vector_load %arg6[%swap3A_1010, %swap3A_1011] {strides = array<i32>} : memref<4x128xi32, #tpu.memory_space<vmem>>, vector<16xi32>,
      tpu.vector_store %arg6[%swap3A_1010, %swap3A_1011], %add3A_1009 {strides = array<i32>} : memref<4x128xi32, #tpu.memory_space<vmem>>, vector<16xi32>,
      %shift_right_logical3A_1013 = arith.constant 3 : i32
      %shift_right_logical3A_1014 = vector.broadcast %shift_right_logical3A_1013 : i32 to vector<16xi32>
      %shift_right_logical3A_1015 = arith.shrui %add3A_1009, %shift_right_logical3A_1014 : vector<16xi32>
      %swap3A_1016 = arith.index_cast %and3A_953 : i32 to index
      %swap3A_1017 = arith.constant 32 : index
      %swap3A_1018 = tpu.vector_load %arg7[%swap3A_1016, %swap3A_1017] {strides = array<i32>} : memref<4x128xi32, #tpu.memory_space<vmem>>, vector<16xi32>,
      tpu.vector_store %arg7[%swap3A_1016, %swap3A_1017], %shift_right_logical3A_1015 {strides = array<i32>} : memref<4x128xi32, #tpu.memory_space<vmem>>, vector<16xi32>,
      %mul3A_1019 = arith.constant 128 : i32
      %mul3A_1020 = arith.muli %and3A_951, %mul3A_1019 : i32
      %add3A_1021 = arith.constant 48 : i32
      %add3A_1022 = arith.addi %mul3A_1020, %add3A_1021 : i32
      %mul3A_1023 = arith.constant 26 : i32
      %mul3A_1024 = arith.muli %add3A_1022, %mul3A_1023 : i32
      %add3A_1025 = arith.addi %mul3A_1024, %shift_right_logical3A_949 : i32
      %add3A_1026 = vector.broadcast %add3A_1025 : i32 to vector<16xi32>
      %add3A_1027 = arith.addi %mul3A_7, %add3A_1026 : vector<16xi32>
      %gather3A_1028 = tpu.vector_load_idx %arg5[%add3A_1027] : memref<13312xi32, #tpu.memory_space<vmem>>[vector<16xi32>], vector<16xi32>,
      %add3A_1029 = vector.broadcast %mul3A_955 : i32 to vector<16xi32>
      %add3A_1030 = arith.addi %gather3A_1028, %add3A_1029 : vector<16xi32>
      %swap3A_1031 = arith.index_cast %and3A_953 : i32 to index
      %swap3A_1032 = arith.constant 48 : index
      %swap3A_1033 = tpu.vector_load %arg6[%swap3A_1031, %swap3A_1032] {strides = array<i32>} : memref<4x128xi32, #tpu.memory_space<vmem>>, vector<16xi32>,
      tpu.vector_store %arg6[%swap3A_1031, %swap3A_1032], %add3A_1030 {strides = array<i32>} : memref<4x128xi32, #tpu.memory_space<vmem>>, vector<16xi32>,
      %shift_right_logical3A_1034 = arith.constant 3 : i32
      %shift_right_logical3A_1035 = vector.broadcast %shift_right_logical3A_1034 : i32 to vector<16xi32>
      %shift_right_logical3A_1036 = arith.shrui %add3A_1030, %shift_right_logical3A_1035 : vector<16xi32>
      %swap3A_1037 = arith.index_cast %and3A_953 : i32 to index
      %swap3A_1038 = arith.constant 48 : index
      %swap3A_1039 = tpu.vector_load %arg7[%swap3A_1037, %swap3A_1038] {strides = array<i32>} : memref<4x128xi32, #tpu.memory_space<vmem>>, vector<16xi32>,
      tpu.vector_store %arg7[%swap3A_1037, %swap3A_1038], %shift_right_logical3A_1036 {strides = array<i32>} : memref<4x128xi32, #tpu.memory_space<vmem>>, vector<16xi32>,
      %mul3A_1040 = arith.constant 128 : i32
      %mul3A_1041 = arith.muli %and3A_951, %mul3A_1040 : i32
      %add3A_1042 = arith.constant 64 : i32
      %add3A_1043 = arith.addi %mul3A_1041, %add3A_1042 : i32
      %mul3A_1044 = arith.constant 26 : i32
      %mul3A_1045 = arith.muli %add3A_1043, %mul3A_1044 : i32
      %add3A_1046 = arith.addi %mul3A_1045, %shift_right_logical3A_949 : i32
      %add3A_1047 = vector.broadcast %add3A_1046 : i32 to vector<16xi32>
      %add3A_1048 = arith.addi %mul3A_7, %add3A_1047 : vector<16xi32>
      %gather3A_1049 = tpu.vector_load_idx %arg5[%add3A_1048] : memref<13312xi32, #tpu.memory_space<vmem>>[vector<16xi32>], vector<16xi32>,
      %add3A_1050 = vector.broadcast %mul3A_955 : i32 to vector<16xi32>
      %add3A_1051 = arith.addi %gather3A_1049, %add3A_1050 : vector<16xi32>
      %swap3A_1052 = arith.index_cast %and3A_953 : i32 to index
      %swap3A_1053 = arith.constant 64 : index
      %swap3A_1054 = tpu.vector_load %arg6[%swap3A_1052, %swap3A_1053] {strides = array<i32>} : memref<4x128xi32, #tpu.memory_space<vmem>>, vector<16xi32>,
      tpu.vector_store %arg6[%swap3A_1052, %swap3A_1053], %add3A_1051 {strides = array<i32>} : memref<4x128xi32, #tpu.memory_space<vmem>>, vector<16xi32>,
      %shift_right_logical3A_1055 = arith.constant 3 : i32
      %shift_right_logical3A_1056 = vector.broadcast %shift_right_logical3A_1055 : i32 to vector<16xi32>
      %shift_right_logical3A_1057 = arith.shrui %add3A_1051, %shift_right_logical3A_1056 : vector<16xi32>
      %swap3A_1058 = arith.index_cast %and3A_953 : i32 to index
      %swap3A_1059 = arith.constant 64 : index
      %swap3A_1060 = tpu.vector_load %arg7[%swap3A_1058, %swap3A_1059] {strides = array<i32>} : memref<4x128xi32, #tpu.memory_space<vmem>>, vector<16xi32>,
      tpu.vector_store %arg7[%swap3A_1058, %swap3A_1059], %shift_right_logical3A_1057 {strides = array<i32>} : memref<4x128xi32, #tpu.memory_space<vmem>>, vector<16xi32>,
      %mul3A_1061 = arith.constant 128 : i32
      %mul3A_1062 = arith.muli %and3A_951, %mul3A_1061 : i32
      %add3A_1063 = arith.constant 80 : i32
      %add3A_1064 = arith.addi %mul3A_1062, %add3A_1063 : i32
      %mul3A_1065 = arith.constant 26 : i32
      %mul3A_1066 = arith.muli %add3A_1064, %mul3A_1065 : i32
      %add3A_1067 = arith.addi %mul3A_1066, %shift_right_logical3A_949 : i32
      %add3A_1068 = vector.broadcast %add3A_1067 : i32 to vector<16xi32>
      %add3A_1069 = arith.addi %mul3A_7, %add3A_1068 : vector<16xi32>
      %gather3A_1070 = tpu.vector_load_idx %arg5[%add3A_1069] : memref<13312xi32, #tpu.memory_space<vmem>>[vector<16xi32>], vector<16xi32>,
      %add3A_1071 = vector.broadcast %mul3A_955 : i32 to vector<16xi32>
      %add3A_1072 = arith.addi %gather3A_1070, %add3A_1071 : vector<16xi32>
      %swap3A_1073 = arith.index_cast %and3A_953 : i32 to index
      %swap3A_1074 = arith.constant 80 : index
      %swap3A_1075 = tpu.vector_load %arg6[%swap3A_1073, %swap3A_1074] {strides = array<i32>} : memref<4x128xi32, #tpu.memory_space<vmem>>, vector<16xi32>,
      tpu.vector_store %arg6[%swap3A_1073, %swap3A_1074], %add3A_1072 {strides = array<i32>} : memref<4x128xi32, #tpu.memory_space<vmem>>, vector<16xi32>,
      %shift_right_logical3A_1076 = arith.constant 3 : i32
      %shift_right_logical3A_1077 = vector.broadcast %shift_right_logical3A_1076 : i32 to vector<16xi32>
      %shift_right_logical3A_1078 = arith.shrui %add3A_1072, %shift_right_logical3A_1077 : vector<16xi32>
      %swap3A_1079 = arith.index_cast %and3A_953 : i32 to index
      %swap3A_1080 = arith.constant 80 : index
      %swap3A_1081 = tpu.vector_load %arg7[%swap3A_1079, %swap3A_1080] {strides = array<i32>} : memref<4x128xi32, #tpu.memory_space<vmem>>, vector<16xi32>,
      tpu.vector_store %arg7[%swap3A_1079, %swap3A_1080], %shift_right_logical3A_1078 {strides = array<i32>} : memref<4x128xi32, #tpu.memory_space<vmem>>, vector<16xi32>,
      %mul3A_1082 = arith.constant 128 : i32
      %mul3A_1083 = arith.muli %and3A_951, %mul3A_1082 : i32
      %add3A_1084 = arith.constant 96 : i32
      %add3A_1085 = arith.addi %mul3A_1083, %add3A_1084 : i32
      %mul3A_1086 = arith.constant 26 : i32
      %mul3A_1087 = arith.muli %add3A_1085, %mul3A_1086 : i32
      %add3A_1088 = arith.addi %mul3A_1087, %shift_right_logical3A_949 : i32
      %add3A_1089 = vector.broadcast %add3A_1088 : i32 to vector<16xi32>
      %add3A_1090 = arith.addi %mul3A_7, %add3A_1089 : vector<16xi32>
      %gather3A_1091 = tpu.vector_load_idx %arg5[%add3A_1090] : memref<13312xi32, #tpu.memory_space<vmem>>[vector<16xi32>], vector<16xi32>,
      %add3A_1092 = vector.broadcast %mul3A_955 : i32 to vector<16xi32>
      %add3A_1093 = arith.addi %gather3A_1091, %add3A_1092 : vector<16xi32>
      %swap3A_1094 = arith.index_cast %and3A_953 : i32 to index
      %swap3A_1095 = arith.constant 96 : index
      %swap3A_1096 = tpu.vector_load %arg6[%swap3A_1094, %swap3A_1095] {strides = array<i32>} : memref<4x128xi32, #tpu.memory_space<vmem>>, vector<16xi32>,
      tpu.vector_store %arg6[%swap3A_1094, %swap3A_1095], %add3A_1093 {strides = array<i32>} : memref<4x128xi32, #tpu.memory_space<vmem>>, vector<16xi32>,
      %shift_right_logical3A_1097 = arith.constant 3 : i32
      %shift_right_logical3A_1098 = vector.broadcast %shift_right_logical3A_1097 : i32 to vector<16xi32>
      %shift_right_logical3A_1099 = arith.shrui %add3A_1093, %shift_right_logical3A_1098 : vector<16xi32>
      %swap3A_1100 = arith.index_cast %and3A_953 : i32 to index
      %swap3A_1101 = arith.constant 96 : index
      %swap3A_1102 = tpu.vector_load %arg7[%swap3A_1100, %swap3A_1101] {strides = array<i32>} : memref<4x128xi32, #tpu.memory_space<vmem>>, vector<16xi32>,
      tpu.vector_store %arg7[%swap3A_1100, %swap3A_1101], %shift_right_logical3A_1099 {strides = array<i32>} : memref<4x128xi32, #tpu.memory_space<vmem>>, vector<16xi32>,
      %mul3A_1103 = arith.constant 128 : i32
      %mul3A_1104 = arith.muli %and3A_951, %mul3A_1103 : i32
      %add3A_1105 = arith.constant 112 : i32
      %add3A_1106 = arith.addi %mul3A_1104, %add3A_1105 : i32
      %mul3A_1107 = arith.constant 26 : i32
      %mul3A_1108 = arith.muli %add3A_1106, %mul3A_1107 : i32
      %add3A_1109 = arith.addi %mul3A_1108, %shift_right_logical3A_949 : i32
      %add3A_1110 = vector.broadcast %add3A_1109 : i32 to vector<16xi32>
      %add3A_1111 = arith.addi %mul3A_7, %add3A_1110 : vector<16xi32>
      %gather3A_1112 = tpu.vector_load_idx %arg5[%add3A_1111] : memref<13312xi32, #tpu.memory_space<vmem>>[vector<16xi32>], vector<16xi32>,
      %add3A_1113 = vector.broadcast %mul3A_955 : i32 to vector<16xi32>
      %add3A_1114 = arith.addi %gather3A_1112, %add3A_1113 : vector<16xi32>
      %swap3A_1115 = arith.index_cast %and3A_953 : i32 to index
      %swap3A_1116 = arith.constant 112 : index
      %swap3A_1117 = tpu.vector_load %arg6[%swap3A_1115, %swap3A_1116] {strides = array<i32>} : memref<4x128xi32, #tpu.memory_space<vmem>>, vector<16xi32>,
      tpu.vector_store %arg6[%swap3A_1115, %swap3A_1116], %add3A_1114 {strides = array<i32>} : memref<4x128xi32, #tpu.memory_space<vmem>>, vector<16xi32>,
      %shift_right_logical3A_1118 = arith.constant 3 : i32
      %shift_right_logical3A_1119 = vector.broadcast %shift_right_logical3A_1118 : i32 to vector<16xi32>
      %shift_right_logical3A_1120 = arith.shrui %add3A_1114, %shift_right_logical3A_1119 : vector<16xi32>
      %swap3A_1121 = arith.index_cast %and3A_953 : i32 to index
      %swap3A_1122 = arith.constant 112 : index
      %swap3A_1123 = tpu.vector_load %arg7[%swap3A_1121, %swap3A_1122] {strides = array<i32>} : memref<4x128xi32, #tpu.memory_space<vmem>>, vector<16xi32>,
      tpu.vector_store %arg7[%swap3A_1121, %swap3A_1122], %shift_right_logical3A_1120 {strides = array<i32>} : memref<4x128xi32, #tpu.memory_space<vmem>>, vector<16xi32>,
      %dma_start3A_1124 = arith.constant 0 : i32
      %dma_start3A_1125 = arith.constant 0 : i32
      %dma_start3A_1126 = tpu.memref_slice %arg8[%and3A_953, %dma_start3A_1124, %dma_start3A_1125] : memref<4x128x128xf32, #tpu.memory_space<vmem>> -> memref<1x128x128xf32, #tpu.memory_space<vmem>>
      %dma_start3A_1127 = tpu.memref_squeeze %dma_start3A_1126 : memref<1x128x128xf32, #tpu.memory_space<vmem>> -> memref<128x128xf32, #tpu.memory_space<vmem>>
      %dma_start3A_1128 = arith.constant 0 : i32
      %dma_start3A_1129 = tpu.memref_slice %arg7[%and3A_953, %dma_start3A_1128] : memref<4x128xi32, #tpu.memory_space<vmem>> -> memref<1x128xi32, #tpu.memory_space<vmem>>
      %dma_start3A_1130 = tpu.memref_squeeze %dma_start3A_1129 : memref<1x128xi32, #tpu.memory_space<vmem>> -> memref<128xi32, #tpu.memory_space<vmem>>
      %dma_start3A_1131 = arith.constant 0 : i32
      %dma_start3A_1132 = arith.constant 0 : i32
      %dma_start3A_1133 = tpu.memref_slice %arg3[%dma_start3A_1131, %dma_start3A_1132] : memref<325000x128xf32, #tpu.memory_space<hbm>> -> memref<325000x128xf32, #tpu.memory_space<hbm>>
      tpu.enqueue_indirect_dma source(%dma_start3A_1133 : memref<325000x128xf32, #tpu.memory_space<hbm>>) target(%dma_start3A_1127 : memref<128x128xf32, #tpu.memory_space<vmem>>) offsets(%dma_start3A_1130 : memref<128xi32, #tpu.memory_space<vmem>>) semaphore(%arg10 : memref<!tpu.dma_semaphore, #tpu.memory_space<semaphore_mem>>)
      %sub3A = arith.constant 3 : i32
      %sub3A_1134 = arith.subi %scan3A_947, %sub3A : i32
      %shift_right_logical3A_1135 = arith.constant 2 : i32
      %shift_right_logical3A_1136 = arith.shrui %sub3A_1134, %shift_right_logical3A_1135 : i32
      %and3A_1137 = arith.constant 3 : i32
      %and3A_1138 = arith.andi %sub3A_1134, %and3A_1137 : i32
      %and3A_1139 = arith.constant 3 : i32
      %and3A_1140 = arith.andi %sub3A_1134, %and3A_1139 : i32
      %mul3A_1141 = arith.constant 4 : i32
      %mul3A_1142 = arith.muli %add3A, %mul3A_1141 : i32
      %add3A_1143 = arith.addi %mul3A_1142, %and3A_1138 : i32
      %dma_wait3A_1144 = arith.constant 0 : i32
      %dma_wait3A_1145 = arith.constant 0 : i32
      %dma_wait3A_1146 = tpu.memref_slice %arg8[%and3A_1140, %dma_wait3A_1144, %dma_wait3A_1145] : memref<4x128x128xf32, #tpu.memory_space<vmem>> -> memref<1x128x128xf32, #tpu.memory_space<vmem>>
      %dma_wait3A_1147 = tpu.memref_squeeze %dma_wait3A_1146 : memref<1x128x128xf32, #tpu.memory_space<vmem>> -> memref<128x128xf32, #tpu.memory_space<vmem>>
      %dma_wait3A_1148 = arith.constant 0 : i32
      %dma_wait3A_1149 = arith.constant 0 : i32
      %dma_wait3A_1150 = tpu.memref_slice %arg3[%dma_wait3A_1148, %dma_wait3A_1149] : memref<325000x128xf32, #tpu.memory_space<hbm>> -> memref<128x128xf32, #tpu.memory_space<hbm>>
      %dma_wait3A_1151 = arith.constant 0 : i32
      %dma_wait3A_1152 = arith.constant 0 : i32
      %dma_wait3A_1153 = tpu.memref_slice %arg8[%and3A_1140, %dma_wait3A_1151, %dma_wait3A_1152] : memref<4x128x128xf32, #tpu.memory_space<vmem>> -> memref<1x128x128xf32, #tpu.memory_space<vmem>>
      %dma_wait3A_1154 = tpu.memref_squeeze %dma_wait3A_1153 : memref<1x128x128xf32, #tpu.memory_space<vmem>> -> memref<128x128xf32, #tpu.memory_space<vmem>>
      %dma_wait3A_1155 = arith.constant 0 : i32
      %dma_wait3A_1156 = arith.constant 0 : i32
      %dma_wait3A_1157 = tpu.memref_slice %arg3[%dma_wait3A_1155, %dma_wait3A_1156] : memref<325000x128xf32, #tpu.memory_space<hbm>> -> memref<128x128xf32, #tpu.memory_space<hbm>>
      tpu.wait_dma2 semaphore(%arg10 : memref<!tpu.dma_semaphore, #tpu.memory_space<semaphore_mem>>) src(%dma_wait3A_1157 : memref<128x128xf32, #tpu.memory_space<hbm>>) dst(%dma_wait3A_1154 : memref<128x128xf32, #tpu.memory_space<vmem>>)
      %ge3A_1158 = arith.constant 4 : i32
      %ge3A_1159 = arith.cmpi sge, %sub3A_1134, %ge3A_1158 : i32
      %convert_element_type3A_1160 = arith.extui %ge3A_1159 : i1 to i32
      %cond3A_1161 = arith.constant 0 : i32
      %cond3A_1162 = arith.cmpi ne, %convert_element_type3A_1160, %cond3A_1161 : i32
      scf.if %cond3A_1162 {
        %dma_wait3A_1203 = arith.constant 0 : i32
        %dma_wait3A_1204 = arith.constant 0 : i32
        %dma_wait3A_1205 = arith.constant 0 : i32
        %dma_wait3A_1206 = arith.constant 0 : i32
        %dma_wait3A_1207 = arith.constant 0 : i32
        %dma_wait3A_1208 = tpu.memref_slice %arg9[%and3A_1140, %dma_wait3A_1206, %dma_wait3A_1207] : memref<4x16x128xf32, #tpu.memory_space<vmem>> -> memref<1x8x128xf32, #tpu.memory_space<vmem>>
        %dma_wait3A_1209 = tpu.memref_squeeze %dma_wait3A_1208 : memref<1x8x128xf32, #tpu.memory_space<vmem>> -> memref<8x128xf32, #tpu.memory_space<vmem>>
        %dma_wait3A_1210 = arith.constant 0 : i32
        %dma_wait3A_1211 = arith.constant 0 : i32
        %dma_wait3A_1212 = tpu.memref_slice %arg4[%dma_wait3A_1203, %dma_wait3A_1204, %dma_wait3A_1205, %dma_wait3A_1210, %dma_wait3A_1211] : memref<26x2x128x8x128xf32, #tpu.memory_space<hbm>> -> memref<1x1x1x8x128xf32, #tpu.memory_space<hbm>>
        %dma_wait3A_1213 = tpu.memref_squeeze %dma_wait3A_1212 : memref<1x1x1x8x128xf32, #tpu.memory_space<hbm>> -> memref<8x128xf32, #tpu.memory_space<hbm>>
        %dma_wait3A_1214 = arith.constant 0 : i32
        %dma_wait3A_1215 = arith.constant 0 : i32
        %dma_wait3A_1216 = tpu.memref_slice %arg9[%and3A_1140, %dma_wait3A_1214, %dma_wait3A_1215] : memref<4x16x128xf32, #tpu.memory_space<vmem>> -> memref<1x8x128xf32, #tpu.memory_space<vmem>>
        %dma_wait3A_1217 = tpu.memref_squeeze %dma_wait3A_1216 : memref<1x8x128xf32, #tpu.memory_space<vmem>> -> memref<8x128xf32, #tpu.memory_space<vmem>>
        %dma_wait3A_1218 = arith.constant 0 : i32
        %dma_wait3A_1219 = arith.constant 0 : i32
        %dma_wait3A_1220 = tpu.memref_slice %arg4[%dma_wait3A_1203, %dma_wait3A_1204, %dma_wait3A_1205, %dma_wait3A_1218, %dma_wait3A_1219] : memref<26x2x128x8x128xf32, #tpu.memory_space<hbm>> -> memref<1x1x1x8x128xf32, #tpu.memory_space<hbm>>
        %dma_wait3A_1221 = tpu.memref_squeeze %dma_wait3A_1220 : memref<1x1x1x8x128xf32, #tpu.memory_space<hbm>> -> memref<8x128xf32, #tpu.memory_space<hbm>>
        tpu.wait_dma2 semaphore(%arg11 : memref<!tpu.dma_semaphore, #tpu.memory_space<semaphore_mem>>) src(%dma_wait3A_1221 : memref<8x128xf32, #tpu.memory_space<hbm>>) dst(%dma_wait3A_1217 : memref<8x128xf32, #tpu.memory_space<vmem>>)
        %dma_wait3A_1222 = arith.constant 0 : i32
        %dma_wait3A_1223 = arith.constant 0 : i32
        %dma_wait3A_1224 = arith.constant 0 : i32
        %dma_wait3A_1225 = arith.constant 8 : i32
        %dma_wait3A_1226 = arith.constant 0 : i32
        %dma_wait3A_1227 = tpu.memref_slice %arg9[%and3A_1140, %dma_wait3A_1225, %dma_wait3A_1226] : memref<4x16x128xf32, #tpu.memory_space<vmem>> -> memref<1x8x128xf32, #tpu.memory_space<vmem>>
        %dma_wait3A_1228 = tpu.memref_squeeze %dma_wait3A_1227 : memref<1x8x128xf32, #tpu.memory_space<vmem>> -> memref<8x128xf32, #tpu.memory_space<vmem>>
        %dma_wait3A_1229 = arith.constant 0 : i32
        %dma_wait3A_1230 = arith.constant 0 : i32
        %dma_wait3A_1231 = tpu.memref_slice %arg4[%dma_wait3A_1222, %dma_wait3A_1223, %dma_wait3A_1224, %dma_wait3A_1229, %dma_wait3A_1230] : memref<26x2x128x8x128xf32, #tpu.memory_space<hbm>> -> memref<1x1x1x8x128xf32, #tpu.memory_space<hbm>>
        %dma_wait3A_1232 = tpu.memref_squeeze %dma_wait3A_1231 : memref<1x1x1x8x128xf32, #tpu.memory_space<hbm>> -> memref<8x128xf32, #tpu.memory_space<hbm>>
        %dma_wait3A_1233 = arith.constant 8 : i32
        %dma_wait3A_1234 = arith.constant 0 : i32
        %dma_wait3A_1235 = tpu.memref_slice %arg9[%and3A_1140, %dma_wait3A_1233, %dma_wait3A_1234] : memref<4x16x128xf32, #tpu.memory_space<vmem>> -> memref<1x8x128xf32, #tpu.memory_space<vmem>>
        %dma_wait3A_1236 = tpu.memref_squeeze %dma_wait3A_1235 : memref<1x8x128xf32, #tpu.memory_space<vmem>> -> memref<8x128xf32, #tpu.memory_space<vmem>>
        %dma_wait3A_1237 = arith.constant 0 : i32
        %dma_wait3A_1238 = arith.constant 0 : i32
        %dma_wait3A_1239 = tpu.memref_slice %arg4[%dma_wait3A_1222, %dma_wait3A_1223, %dma_wait3A_1224, %dma_wait3A_1237, %dma_wait3A_1238] : memref<26x2x128x8x128xf32, #tpu.memory_space<hbm>> -> memref<1x1x1x8x128xf32, #tpu.memory_space<hbm>>
        %dma_wait3A_1240 = tpu.memref_squeeze %dma_wait3A_1239 : memref<1x1x1x8x128xf32, #tpu.memory_space<hbm>> -> memref<8x128xf32, #tpu.memory_space<hbm>>
        tpu.wait_dma2 semaphore(%arg11 : memref<!tpu.dma_semaphore, #tpu.memory_space<semaphore_mem>>) src(%dma_wait3A_1240 : memref<8x128xf32, #tpu.memory_space<hbm>>) dst(%dma_wait3A_1236 : memref<8x128xf32, #tpu.memory_space<vmem>>)
      } else {
      }
      %scan3A_1163 = arith.constant 0 : i32
      %scan3A_1164 = arith.constant 0 : i32
      %scan3A_1165 = arith.constant 8 : i32
      %scan3A_1166 = arith.addi %scan3A_1164, %scan3A_1165 : i32
      %scan3A_1167 = arith.constant 1 : i32
      scf.for %scan3A_1203 = %scan3A_1164 to %scan3A_1166 step %scan3A_1167  : i32 {
        %mul3A_1204 = arith.constant 16 : i32
        %mul3A_1205 = arith.muli %scan3A_1203, %mul3A_1204 : i32
        %get3A = arith.index_cast %and3A_1140 : i32 to index
        %get3A_1206 = arith.index_cast %mul3A_1205 : i32 to index
        %get3A_1207 = tpu.vector_load %arg6[%get3A, %get3A_1206] {strides = array<i32>} : memref<4x128xi32, #tpu.memory_space<vmem>>, vector<16xi32>,
        %and3A_1208 = arith.constant 7 : i32
        %and3A_1209 = vector.broadcast %and3A_1208 : i32 to vector<16xi32>
        %and3A_1210 = arith.andi %get3A_1207, %and3A_1209 : vector<16xi32>
        %mul3A_1211 = arith.constant 16 : i32
        %mul3A_1212 = vector.broadcast %mul3A_1211 : i32 to vector<16xi32>
        %mul3A_1213 = arith.muli %and3A_1210, %mul3A_1212 : vector<16xi32>
        %mul3A_1214 = arith.constant 16 : i32
        %mul3A_1215 = arith.muli %scan3A_1203, %mul3A_1214 : i32
        %add3A_1216 = vector.broadcast %mul3A_1215 : i32 to vector<16xi32>
        %add3A_1217 = arith.addi %iota3A, %add3A_1216 : vector<16xi32>
        %add3A_1218 = arith.constant 0 : i32
        %add3A_1219 = vector.broadcast %add3A_1218 : i32 to vector<16xi32>
        %add3A_1220 = arith.addi %mul3A_1213, %add3A_1219 : vector<16xi32>
        %gather3A_1221 = arith.constant 0 : i32
        %gather3A_1222 = arith.constant 0 : i32
        %gather3A_1223 = tpu.memref_slice %arg8[%and3A_1140, %gather3A_1221, %gather3A_1222] : memref<4x128x128xf32, #tpu.memory_space<vmem>> -> memref<1x128x128xf32, #tpu.memory_space<vmem>>
        %gather3A_1224 = tpu.memref_squeeze %gather3A_1223 : memref<1x128x128xf32, #tpu.memory_space<vmem>> -> memref<128x128xf32, #tpu.memory_space<vmem>>
        %gather3A_1225 = tpu.vector_load_idx %gather3A_1224[%add3A_1217, %add3A_1220] : memref<128x128xf32, #tpu.memory_space<vmem>>[vector<16xi32>, vector<16xi32>], vector<16xf32>,
        %mul3A_1226 = arith.constant 16 : i32
        %mul3A_1227 = arith.muli %scan3A_1203, %mul3A_1226 : i32
        %swap3A_1228 = arith.constant 0 : i32
        %swap3A_1229 = arith.index_cast %and3A_1140 : i32 to index
        %swap3A_1230 = arith.index_cast %swap3A_1228 : i32 to index
        %swap3A_1231 = arith.index_cast %mul3A_1227 : i32 to index
        %swap3A_1232 = tpu.vector_load %arg9[%swap3A_1229, %swap3A_1230, %swap3A_1231] {strides = array<i32>} : memref<4x16x128xf32, #tpu.memory_space<vmem>>, vector<16xf32>,
        tpu.vector_store %arg9[%swap3A_1229, %swap3A_1230, %swap3A_1231], %gather3A_1225 {strides = array<i32>} : memref<4x16x128xf32, #tpu.memory_space<vmem>>, vector<16xf32>,
        %add3A_1233 = arith.constant 1 : i32
        %add3A_1234 = vector.broadcast %add3A_1233 : i32 to vector<16xi32>
        %add3A_1235 = arith.addi %mul3A_1213, %add3A_1234 : vector<16xi32>
        %gather3A_1236 = arith.constant 0 : i32
        %gather3A_1237 = arith.constant 0 : i32
        %gather3A_1238 = tpu.memref_slice %arg8[%and3A_1140, %gather3A_1236, %gather3A_1237] : memref<4x128x128xf32, #tpu.memory_space<vmem>> -> memref<1x128x128xf32, #tpu.memory_space<vmem>>
        %gather3A_1239 = tpu.memref_squeeze %gather3A_1238 : memref<1x128x128xf32, #tpu.memory_space<vmem>> -> memref<128x128xf32, #tpu.memory_space<vmem>>
        %gather3A_1240 = tpu.vector_load_idx %gather3A_1239[%add3A_1217, %add3A_1235] : memref<128x128xf32, #tpu.memory_space<vmem>>[vector<16xi32>, vector<16xi32>], vector<16xf32>,
        %mul3A_1241 = arith.constant 16 : i32
        %mul3A_1242 = arith.muli %scan3A_1203, %mul3A_1241 : i32
        %swap3A_1243 = arith.constant 1 : i32
        %swap3A_1244 = arith.index_cast %and3A_1140 : i32 to index
        %swap3A_1245 = arith.index_cast %swap3A_1243 : i32 to index
        %swap3A_1246 = arith.index_cast %mul3A_1242 : i32 to index
        %swap3A_1247 = tpu.vector_load %arg9[%swap3A_1244, %swap3A_1245, %swap3A_1246] {strides = array<i32>} : memref<4x16x128xf32, #tpu.memory_space<vmem>>, vector<16xf32>,
        tpu.vector_store %arg9[%swap3A_1244, %swap3A_1245, %swap3A_1246], %gather3A_1240 {strides = array<i32>} : memref<4x16x128xf32, #tpu.memory_space<vmem>>, vector<16xf32>,
        %add3A_1248 = arith.constant 2 : i32
        %add3A_1249 = vector.broadcast %add3A_1248 : i32 to vector<16xi32>
        %add3A_1250 = arith.addi %mul3A_1213, %add3A_1249 : vector<16xi32>
        %gather3A_1251 = arith.constant 0 : i32
        %gather3A_1252 = arith.constant 0 : i32
        %gather3A_1253 = tpu.memref_slice %arg8[%and3A_1140, %gather3A_1251, %gather3A_1252] : memref<4x128x128xf32, #tpu.memory_space<vmem>> -> memref<1x128x128xf32, #tpu.memory_space<vmem>>
        %gather3A_1254 = tpu.memref_squeeze %gather3A_1253 : memref<1x128x128xf32, #tpu.memory_space<vmem>> -> memref<128x128xf32, #tpu.memory_space<vmem>>
        %gather3A_1255 = tpu.vector_load_idx %gather3A_1254[%add3A_1217, %add3A_1250] : memref<128x128xf32, #tpu.memory_space<vmem>>[vector<16xi32>, vector<16xi32>], vector<16xf32>,
        %mul3A_1256 = arith.constant 16 : i32
        %mul3A_1257 = arith.muli %scan3A_1203, %mul3A_1256 : i32
        %swap3A_1258 = arith.constant 2 : i32
        %swap3A_1259 = arith.index_cast %and3A_1140 : i32 to index
        %swap3A_1260 = arith.index_cast %swap3A_1258 : i32 to index
        %swap3A_1261 = arith.index_cast %mul3A_1257 : i32 to index
        %swap3A_1262 = tpu.vector_load %arg9[%swap3A_1259, %swap3A_1260, %swap3A_1261] {strides = array<i32>} : memref<4x16x128xf32, #tpu.memory_space<vmem>>, vector<16xf32>,
        tpu.vector_store %arg9[%swap3A_1259, %swap3A_1260, %swap3A_1261], %gather3A_1255 {strides = array<i32>} : memref<4x16x128xf32, #tpu.memory_space<vmem>>, vector<16xf32>,
        %add3A_1263 = arith.constant 3 : i32
        %add3A_1264 = vector.broadcast %add3A_1263 : i32 to vector<16xi32>
        %add3A_1265 = arith.addi %mul3A_1213, %add3A_1264 : vector<16xi32>
        %gather3A_1266 = arith.constant 0 : i32
        %gather3A_1267 = arith.constant 0 : i32
        %gather3A_1268 = tpu.memref_slice %arg8[%and3A_1140, %gather3A_1266, %gather3A_1267] : memref<4x128x128xf32, #tpu.memory_space<vmem>> -> memref<1x128x128xf32, #tpu.memory_space<vmem>>
        %gather3A_1269 = tpu.memref_squeeze %gather3A_1268 : memref<1x128x128xf32, #tpu.memory_space<vmem>> -> memref<128x128xf32, #tpu.memory_space<vmem>>
        %gather3A_1270 = tpu.vector_load_idx %gather3A_1269[%add3A_1217, %add3A_1265] : memref<128x128xf32, #tpu.memory_space<vmem>>[vector<16xi32>, vector<16xi32>], vector<16xf32>,
        %mul3A_1271 = arith.constant 16 : i32
        %mul3A_1272 = arith.muli %scan3A_1203, %mul3A_1271 : i32
        %swap3A_1273 = arith.constant 3 : i32
        %swap3A_1274 = arith.index_cast %and3A_1140 : i32 to index
        %swap3A_1275 = arith.index_cast %swap3A_1273 : i32 to index
        %swap3A_1276 = arith.index_cast %mul3A_1272 : i32 to index
        %swap3A_1277 = tpu.vector_load %arg9[%swap3A_1274, %swap3A_1275, %swap3A_1276] {strides = array<i32>} : memref<4x16x128xf32, #tpu.memory_space<vmem>>, vector<16xf32>,
        tpu.vector_store %arg9[%swap3A_1274, %swap3A_1275, %swap3A_1276], %gather3A_1270 {strides = array<i32>} : memref<4x16x128xf32, #tpu.memory_space<vmem>>, vector<16xf32>,
        %add3A_1278 = arith.constant 4 : i32
        %add3A_1279 = vector.broadcast %add3A_1278 : i32 to vector<16xi32>
        %add3A_1280 = arith.addi %mul3A_1213, %add3A_1279 : vector<16xi32>
        %gather3A_1281 = arith.constant 0 : i32
        %gather3A_1282 = arith.constant 0 : i32
        %gather3A_1283 = tpu.memref_slice %arg8[%and3A_1140, %gather3A_1281, %gather3A_1282] : memref<4x128x128xf32, #tpu.memory_space<vmem>> -> memref<1x128x128xf32, #tpu.memory_space<vmem>>
        %gather3A_1284 = tpu.memref_squeeze %gather3A_1283 : memref<1x128x128xf32, #tpu.memory_space<vmem>> -> memref<128x128xf32, #tpu.memory_space<vmem>>
        %gather3A_1285 = tpu.vector_load_idx %gather3A_1284[%add3A_1217, %add3A_1280] : memref<128x128xf32, #tpu.memory_space<vmem>>[vector<16xi32>, vector<16xi32>], vector<16xf32>,
        %mul3A_1286 = arith.constant 16 : i32
        %mul3A_1287 = arith.muli %scan3A_1203, %mul3A_1286 : i32
        %swap3A_1288 = arith.constant 4 : i32
        %swap3A_1289 = arith.index_cast %and3A_1140 : i32 to index
        %swap3A_1290 = arith.index_cast %swap3A_1288 : i32 to index
        %swap3A_1291 = arith.index_cast %mul3A_1287 : i32 to index
        %swap3A_1292 = tpu.vector_load %arg9[%swap3A_1289, %swap3A_1290, %swap3A_1291] {strides = array<i32>} : memref<4x16x128xf32, #tpu.memory_space<vmem>>, vector<16xf32>,
        tpu.vector_store %arg9[%swap3A_1289, %swap3A_1290, %swap3A_1291], %gather3A_1285 {strides = array<i32>} : memref<4x16x128xf32, #tpu.memory_space<vmem>>, vector<16xf32>,
        %add3A_1293 = arith.constant 5 : i32
        %add3A_1294 = vector.broadcast %add3A_1293 : i32 to vector<16xi32>
        %add3A_1295 = arith.addi %mul3A_1213, %add3A_1294 : vector<16xi32>
        %gather3A_1296 = arith.constant 0 : i32
        %gather3A_1297 = arith.constant 0 : i32
        %gather3A_1298 = tpu.memref_slice %arg8[%and3A_1140, %gather3A_1296, %gather3A_1297] : memref<4x128x128xf32, #tpu.memory_space<vmem>> -> memref<1x128x128xf32, #tpu.memory_space<vmem>>
        %gather3A_1299 = tpu.memref_squeeze %gather3A_1298 : memref<1x128x128xf32, #tpu.memory_space<vmem>> -> memref<128x128xf32, #tpu.memory_space<vmem>>
        %gather3A_1300 = tpu.vector_load_idx %gather3A_1299[%add3A_1217, %add3A_1295] : memref<128x128xf32, #tpu.memory_space<vmem>>[vector<16xi32>, vector<16xi32>], vector<16xf32>,
        %mul3A_1301 = arith.constant 16 : i32
        %mul3A_1302 = arith.muli %scan3A_1203, %mul3A_1301 : i32
        %swap3A_1303 = arith.constant 5 : i32
        %swap3A_1304 = arith.index_cast %and3A_1140 : i32 to index
        %swap3A_1305 = arith.index_cast %swap3A_1303 : i32 to index
        %swap3A_1306 = arith.index_cast %mul3A_1302 : i32 to index
        %swap3A_1307 = tpu.vector_load %arg9[%swap3A_1304, %swap3A_1305, %swap3A_1306] {strides = array<i32>} : memref<4x16x128xf32, #tpu.memory_space<vmem>>, vector<16xf32>,
        tpu.vector_store %arg9[%swap3A_1304, %swap3A_1305, %swap3A_1306], %gather3A_1300 {strides = array<i32>} : memref<4x16x128xf32, #tpu.memory_space<vmem>>, vector<16xf32>,
        %add3A_1308 = arith.constant 6 : i32
        %add3A_1309 = vector.broadcast %add3A_1308 : i32 to vector<16xi32>
        %add3A_1310 = arith.addi %mul3A_1213, %add3A_1309 : vector<16xi32>
        %gather3A_1311 = arith.constant 0 : i32
        %gather3A_1312 = arith.constant 0 : i32
        %gather3A_1313 = tpu.memref_slice %arg8[%and3A_1140, %gather3A_1311, %gather3A_1312] : memref<4x128x128xf32, #tpu.memory_space<vmem>> -> memref<1x128x128xf32, #tpu.memory_space<vmem>>
        %gather3A_1314 = tpu.memref_squeeze %gather3A_1313 : memref<1x128x128xf32, #tpu.memory_space<vmem>> -> memref<128x128xf32, #tpu.memory_space<vmem>>
        %gather3A_1315 = tpu.vector_load_idx %gather3A_1314[%add3A_1217, %add3A_1310] : memref<128x128xf32, #tpu.memory_space<vmem>>[vector<16xi32>, vector<16xi32>], vector<16xf32>,
        %mul3A_1316 = arith.constant 16 : i32
        %mul3A_1317 = arith.muli %scan3A_1203, %mul3A_1316 : i32
        %swap3A_1318 = arith.constant 6 : i32
        %swap3A_1319 = arith.index_cast %and3A_1140 : i32 to index
        %swap3A_1320 = arith.index_cast %swap3A_1318 : i32 to index
        %swap3A_1321 = arith.index_cast %mul3A_1317 : i32 to index
        %swap3A_1322 = tpu.vector_load %arg9[%swap3A_1319, %swap3A_1320, %swap3A_1321] {strides = array<i32>} : memref<4x16x128xf32, #tpu.memory_space<vmem>>, vector<16xf32>,
        tpu.vector_store %arg9[%swap3A_1319, %swap3A_1320, %swap3A_1321], %gather3A_1315 {strides = array<i32>} : memref<4x16x128xf32, #tpu.memory_space<vmem>>, vector<16xf32>,
        %add3A_1323 = arith.constant 7 : i32
        %add3A_1324 = vector.broadcast %add3A_1323 : i32 to vector<16xi32>
        %add3A_1325 = arith.addi %mul3A_1213, %add3A_1324 : vector<16xi32>
        %gather3A_1326 = arith.constant 0 : i32
        %gather3A_1327 = arith.constant 0 : i32
        %gather3A_1328 = tpu.memref_slice %arg8[%and3A_1140, %gather3A_1326, %gather3A_1327] : memref<4x128x128xf32, #tpu.memory_space<vmem>> -> memref<1x128x128xf32, #tpu.memory_space<vmem>>
        %gather3A_1329 = tpu.memref_squeeze %gather3A_1328 : memref<1x128x128xf32, #tpu.memory_space<vmem>> -> memref<128x128xf32, #tpu.memory_space<vmem>>
        %gather3A_1330 = tpu.vector_load_idx %gather3A_1329[%add3A_1217, %add3A_1325] : memref<128x128xf32, #tpu.memory_space<vmem>>[vector<16xi32>, vector<16xi32>], vector<16xf32>,
        %mul3A_1331 = arith.constant 16 : i32
        %mul3A_1332 = arith.muli %scan3A_1203, %mul3A_1331 : i32
        %swap3A_1333 = arith.constant 7 : i32
        %swap3A_1334 = arith.index_cast %and3A_1140 : i32 to index
        %swap3A_1335 = arith.index_cast %swap3A_1333 : i32 to index
        %swap3A_1336 = arith.index_cast %mul3A_1332 : i32 to index
        %swap3A_1337 = tpu.vector_load %arg9[%swap3A_1334, %swap3A_1335, %swap3A_1336] {strides = array<i32>} : memref<4x16x128xf32, #tpu.memory_space<vmem>>, vector<16xf32>,
        tpu.vector_store %arg9[%swap3A_1334, %swap3A_1335, %swap3A_1336], %gather3A_1330 {strides = array<i32>} : memref<4x16x128xf32, #tpu.memory_space<vmem>>, vector<16xf32>,
        %add3A_1338 = arith.constant 8 : i32
        %add3A_1339 = vector.broadcast %add3A_1338 : i32 to vector<16xi32>
        %add3A_1340 = arith.addi %mul3A_1213, %add3A_1339 : vector<16xi32>
        %gather3A_1341 = arith.constant 0 : i32
        %gather3A_1342 = arith.constant 0 : i32
        %gather3A_1343 = tpu.memref_slice %arg8[%and3A_1140, %gather3A_1341, %gather3A_1342] : memref<4x128x128xf32, #tpu.memory_space<vmem>> -> memref<1x128x128xf32, #tpu.memory_space<vmem>>
        %gather3A_1344 = tpu.memref_squeeze %gather3A_1343 : memref<1x128x128xf32, #tpu.memory_space<vmem>> -> memref<128x128xf32, #tpu.memory_space<vmem>>
        %gather3A_1345 = tpu.vector_load_idx %gather3A_1344[%add3A_1217, %add3A_1340] : memref<128x128xf32, #tpu.memory_space<vmem>>[vector<16xi32>, vector<16xi32>], vector<16xf32>,
        %mul3A_1346 = arith.constant 16 : i32
        %mul3A_1347 = arith.muli %scan3A_1203, %mul3A_1346 : i32
        %swap3A_1348 = arith.constant 8 : i32
        %swap3A_1349 = arith.index_cast %and3A_1140 : i32 to index
        %swap3A_1350 = arith.index_cast %swap3A_1348 : i32 to index
        %swap3A_1351 = arith.index_cast %mul3A_1347 : i32 to index
        %swap3A_1352 = tpu.vector_load %arg9[%swap3A_1349, %swap3A_1350, %swap3A_1351] {strides = array<i32>} : memref<4x16x128xf32, #tpu.memory_space<vmem>>, vector<16xf32>,
        tpu.vector_store %arg9[%swap3A_1349, %swap3A_1350, %swap3A_1351], %gather3A_1345 {strides = array<i32>} : memref<4x16x128xf32, #tpu.memory_space<vmem>>, vector<16xf32>,
        %add3A_1353 = arith.constant 9 : i32
        %add3A_1354 = vector.broadcast %add3A_1353 : i32 to vector<16xi32>
        %add3A_1355 = arith.addi %mul3A_1213, %add3A_1354 : vector<16xi32>
        %gather3A_1356 = arith.constant 0 : i32
        %gather3A_1357 = arith.constant 0 : i32
        %gather3A_1358 = tpu.memref_slice %arg8[%and3A_1140, %gather3A_1356, %gather3A_1357] : memref<4x128x128xf32, #tpu.memory_space<vmem>> -> memref<1x128x128xf32, #tpu.memory_space<vmem>>
        %gather3A_1359 = tpu.memref_squeeze %gather3A_1358 : memref<1x128x128xf32, #tpu.memory_space<vmem>> -> memref<128x128xf32, #tpu.memory_space<vmem>>
        %gather3A_1360 = tpu.vector_load_idx %gather3A_1359[%add3A_1217, %add3A_1355] : memref<128x128xf32, #tpu.memory_space<vmem>>[vector<16xi32>, vector<16xi32>], vector<16xf32>,
        %mul3A_1361 = arith.constant 16 : i32
        %mul3A_1362 = arith.muli %scan3A_1203, %mul3A_1361 : i32
        %swap3A_1363 = arith.constant 9 : i32
        %swap3A_1364 = arith.index_cast %and3A_1140 : i32 to index
        %swap3A_1365 = arith.index_cast %swap3A_1363 : i32 to index
        %swap3A_1366 = arith.index_cast %mul3A_1362 : i32 to index
        %swap3A_1367 = tpu.vector_load %arg9[%swap3A_1364, %swap3A_1365, %swap3A_1366] {strides = array<i32>} : memref<4x16x128xf32, #tpu.memory_space<vmem>>, vector<16xf32>,
        tpu.vector_store %arg9[%swap3A_1364, %swap3A_1365, %swap3A_1366], %gather3A_1360 {strides = array<i32>} : memref<4x16x128xf32, #tpu.memory_space<vmem>>, vector<16xf32>,
        %add3A_1368 = arith.constant 10 : i32
        %add3A_1369 = vector.broadcast %add3A_1368 : i32 to vector<16xi32>
        %add3A_1370 = arith.addi %mul3A_1213, %add3A_1369 : vector<16xi32>
        %gather3A_1371 = arith.constant 0 : i32
        %gather3A_1372 = arith.constant 0 : i32
        %gather3A_1373 = tpu.memref_slice %arg8[%and3A_1140, %gather3A_1371, %gather3A_1372] : memref<4x128x128xf32, #tpu.memory_space<vmem>> -> memref<1x128x128xf32, #tpu.memory_space<vmem>>
        %gather3A_1374 = tpu.memref_squeeze %gather3A_1373 : memref<1x128x128xf32, #tpu.memory_space<vmem>> -> memref<128x128xf32, #tpu.memory_space<vmem>>
        %gather3A_1375 = tpu.vector_load_idx %gather3A_1374[%add3A_1217, %add3A_1370] : memref<128x128xf32, #tpu.memory_space<vmem>>[vector<16xi32>, vector<16xi32>], vector<16xf32>,
        %mul3A_1376 = arith.constant 16 : i32
        %mul3A_1377 = arith.muli %scan3A_1203, %mul3A_1376 : i32
        %swap3A_1378 = arith.constant 10 : i32
        %swap3A_1379 = arith.index_cast %and3A_1140 : i32 to index
        %swap3A_1380 = arith.index_cast %swap3A_1378 : i32 to index
        %swap3A_1381 = arith.index_cast %mul3A_1377 : i32 to index
        %swap3A_1382 = tpu.vector_load %arg9[%swap3A_1379, %swap3A_1380, %swap3A_1381] {strides = array<i32>} : memref<4x16x128xf32, #tpu.memory_space<vmem>>, vector<16xf32>,
        tpu.vector_store %arg9[%swap3A_1379, %swap3A_1380, %swap3A_1381], %gather3A_1375 {strides = array<i32>} : memref<4x16x128xf32, #tpu.memory_space<vmem>>, vector<16xf32>,
        %add3A_1383 = arith.constant 11 : i32
        %add3A_1384 = vector.broadcast %add3A_1383 : i32 to vector<16xi32>
        %add3A_1385 = arith.addi %mul3A_1213, %add3A_1384 : vector<16xi32>
        %gather3A_1386 = arith.constant 0 : i32
        %gather3A_1387 = arith.constant 0 : i32
        %gather3A_1388 = tpu.memref_slice %arg8[%and3A_1140, %gather3A_1386, %gather3A_1387] : memref<4x128x128xf32, #tpu.memory_space<vmem>> -> memref<1x128x128xf32, #tpu.memory_space<vmem>>
        %gather3A_1389 = tpu.memref_squeeze %gather3A_1388 : memref<1x128x128xf32, #tpu.memory_space<vmem>> -> memref<128x128xf32, #tpu.memory_space<vmem>>
        %gather3A_1390 = tpu.vector_load_idx %gather3A_1389[%add3A_1217, %add3A_1385] : memref<128x128xf32, #tpu.memory_space<vmem>>[vector<16xi32>, vector<16xi32>], vector<16xf32>,
        %mul3A_1391 = arith.constant 16 : i32
        %mul3A_1392 = arith.muli %scan3A_1203, %mul3A_1391 : i32
        %swap3A_1393 = arith.constant 11 : i32
        %swap3A_1394 = arith.index_cast %and3A_1140 : i32 to index
        %swap3A_1395 = arith.index_cast %swap3A_1393 : i32 to index
        %swap3A_1396 = arith.index_cast %mul3A_1392 : i32 to index
        %swap3A_1397 = tpu.vector_load %arg9[%swap3A_1394, %swap3A_1395, %swap3A_1396] {strides = array<i32>} : memref<4x16x128xf32, #tpu.memory_space<vmem>>, vector<16xf32>,
        tpu.vector_store %arg9[%swap3A_1394, %swap3A_1395, %swap3A_1396], %gather3A_1390 {strides = array<i32>} : memref<4x16x128xf32, #tpu.memory_space<vmem>>, vector<16xf32>,
        %add3A_1398 = arith.constant 12 : i32
        %add3A_1399 = vector.broadcast %add3A_1398 : i32 to vector<16xi32>
        %add3A_1400 = arith.addi %mul3A_1213, %add3A_1399 : vector<16xi32>
        %gather3A_1401 = arith.constant 0 : i32
        %gather3A_1402 = arith.constant 0 : i32
        %gather3A_1403 = tpu.memref_slice %arg8[%and3A_1140, %gather3A_1401, %gather3A_1402] : memref<4x128x128xf32, #tpu.memory_space<vmem>> -> memref<1x128x128xf32, #tpu.memory_space<vmem>>
        %gather3A_1404 = tpu.memref_squeeze %gather3A_1403 : memref<1x128x128xf32, #tpu.memory_space<vmem>> -> memref<128x128xf32, #tpu.memory_space<vmem>>
        %gather3A_1405 = tpu.vector_load_idx %gather3A_1404[%add3A_1217, %add3A_1400] : memref<128x128xf32, #tpu.memory_space<vmem>>[vector<16xi32>, vector<16xi32>], vector<16xf32>,
        %mul3A_1406 = arith.constant 16 : i32
        %mul3A_1407 = arith.muli %scan3A_1203, %mul3A_1406 : i32
        %swap3A_1408 = arith.constant 12 : i32
        %swap3A_1409 = arith.index_cast %and3A_1140 : i32 to index
        %swap3A_1410 = arith.index_cast %swap3A_1408 : i32 to index
        %swap3A_1411 = arith.index_cast %mul3A_1407 : i32 to index
        %swap3A_1412 = tpu.vector_load %arg9[%swap3A_1409, %swap3A_1410, %swap3A_1411] {strides = array<i32>} : memref<4x16x128xf32, #tpu.memory_space<vmem>>, vector<16xf32>,
        tpu.vector_store %arg9[%swap3A_1409, %swap3A_1410, %swap3A_1411], %gather3A_1405 {strides = array<i32>} : memref<4x16x128xf32, #tpu.memory_space<vmem>>, vector<16xf32>,
        %add3A_1413 = arith.constant 13 : i32
        %add3A_1414 = vector.broadcast %add3A_1413 : i32 to vector<16xi32>
        %add3A_1415 = arith.addi %mul3A_1213, %add3A_1414 : vector<16xi32>
        %gather3A_1416 = arith.constant 0 : i32
        %gather3A_1417 = arith.constant 0 : i32
        %gather3A_1418 = tpu.memref_slice %arg8[%and3A_1140, %gather3A_1416, %gather3A_1417] : memref<4x128x128xf32, #tpu.memory_space<vmem>> -> memref<1x128x128xf32, #tpu.memory_space<vmem>>
        %gather3A_1419 = tpu.memref_squeeze %gather3A_1418 : memref<1x128x128xf32, #tpu.memory_space<vmem>> -> memref<128x128xf32, #tpu.memory_space<vmem>>
        %gather3A_1420 = tpu.vector_load_idx %gather3A_1419[%add3A_1217, %add3A_1415] : memref<128x128xf32, #tpu.memory_space<vmem>>[vector<16xi32>, vector<16xi32>], vector<16xf32>,
        %mul3A_1421 = arith.constant 16 : i32
        %mul3A_1422 = arith.muli %scan3A_1203, %mul3A_1421 : i32
        %swap3A_1423 = arith.constant 13 : i32
        %swap3A_1424 = arith.index_cast %and3A_1140 : i32 to index
        %swap3A_1425 = arith.index_cast %swap3A_1423 : i32 to index
        %swap3A_1426 = arith.index_cast %mul3A_1422 : i32 to index
        %swap3A_1427 = tpu.vector_load %arg9[%swap3A_1424, %swap3A_1425, %swap3A_1426] {strides = array<i32>} : memref<4x16x128xf32, #tpu.memory_space<vmem>>, vector<16xf32>,
        tpu.vector_store %arg9[%swap3A_1424, %swap3A_1425, %swap3A_1426], %gather3A_1420 {strides = array<i32>} : memref<4x16x128xf32, #tpu.memory_space<vmem>>, vector<16xf32>,
        %add3A_1428 = arith.constant 14 : i32
        %add3A_1429 = vector.broadcast %add3A_1428 : i32 to vector<16xi32>
        %add3A_1430 = arith.addi %mul3A_1213, %add3A_1429 : vector<16xi32>
        %gather3A_1431 = arith.constant 0 : i32
        %gather3A_1432 = arith.constant 0 : i32
        %gather3A_1433 = tpu.memref_slice %arg8[%and3A_1140, %gather3A_1431, %gather3A_1432] : memref<4x128x128xf32, #tpu.memory_space<vmem>> -> memref<1x128x128xf32, #tpu.memory_space<vmem>>
        %gather3A_1434 = tpu.memref_squeeze %gather3A_1433 : memref<1x128x128xf32, #tpu.memory_space<vmem>> -> memref<128x128xf32, #tpu.memory_space<vmem>>
        %gather3A_1435 = tpu.vector_load_idx %gather3A_1434[%add3A_1217, %add3A_1430] : memref<128x128xf32, #tpu.memory_space<vmem>>[vector<16xi32>, vector<16xi32>], vector<16xf32>,
        %mul3A_1436 = arith.constant 16 : i32
        %mul3A_1437 = arith.muli %scan3A_1203, %mul3A_1436 : i32
        %swap3A_1438 = arith.constant 14 : i32
        %swap3A_1439 = arith.index_cast %and3A_1140 : i32 to index
        %swap3A_1440 = arith.index_cast %swap3A_1438 : i32 to index
        %swap3A_1441 = arith.index_cast %mul3A_1437 : i32 to index
        %swap3A_1442 = tpu.vector_load %arg9[%swap3A_1439, %swap3A_1440, %swap3A_1441] {strides = array<i32>} : memref<4x16x128xf32, #tpu.memory_space<vmem>>, vector<16xf32>,
        tpu.vector_store %arg9[%swap3A_1439, %swap3A_1440, %swap3A_1441], %gather3A_1435 {strides = array<i32>} : memref<4x16x128xf32, #tpu.memory_space<vmem>>, vector<16xf32>,
        %add3A_1443 = arith.constant 15 : i32
        %add3A_1444 = vector.broadcast %add3A_1443 : i32 to vector<16xi32>
        %add3A_1445 = arith.addi %mul3A_1213, %add3A_1444 : vector<16xi32>
        %gather3A_1446 = arith.constant 0 : i32
        %gather3A_1447 = arith.constant 0 : i32
        %gather3A_1448 = tpu.memref_slice %arg8[%and3A_1140, %gather3A_1446, %gather3A_1447] : memref<4x128x128xf32, #tpu.memory_space<vmem>> -> memref<1x128x128xf32, #tpu.memory_space<vmem>>
        %gather3A_1449 = tpu.memref_squeeze %gather3A_1448 : memref<1x128x128xf32, #tpu.memory_space<vmem>> -> memref<128x128xf32, #tpu.memory_space<vmem>>
        %gather3A_1450 = tpu.vector_load_idx %gather3A_1449[%add3A_1217, %add3A_1445] : memref<128x128xf32, #tpu.memory_space<vmem>>[vector<16xi32>, vector<16xi32>], vector<16xf32>,
        %mul3A_1451 = arith.constant 16 : i32
        %mul3A_1452 = arith.muli %scan3A_1203, %mul3A_1451 : i32
        %swap3A_1453 = arith.constant 15 : i32
        %swap3A_1454 = arith.index_cast %and3A_1140 : i32 to index
        %swap3A_1455 = arith.index_cast %swap3A_1453 : i32 to index
        %swap3A_1456 = arith.index_cast %mul3A_1452 : i32 to index
        %swap3A_1457 = tpu.vector_load %arg9[%swap3A_1454, %swap3A_1455, %swap3A_1456] {strides = array<i32>} : memref<4x16x128xf32, #tpu.memory_space<vmem>>, vector<16xf32>,
        tpu.vector_store %arg9[%swap3A_1454, %swap3A_1455, %swap3A_1456], %gather3A_1450 {strides = array<i32>} : memref<4x16x128xf32, #tpu.memory_space<vmem>>, vector<16xf32>,
      }
      %scan3A_1168 = arith.constant 8 : i32
      %dma_start3A_1169 = arith.constant 0 : i32
      %dma_start3A_1170 = arith.constant 0 : i32
      %dma_start3A_1171 = arith.constant 0 : i32
      %dma_start3A_1172 = tpu.memref_slice %arg9[%and3A_1140, %dma_start3A_1170, %dma_start3A_1171] : memref<4x16x128xf32, #tpu.memory_space<vmem>> -> memref<1x8x128xf32, #tpu.memory_space<vmem>>
      %dma_start3A_1173 = tpu.memref_squeeze %dma_start3A_1172 : memref<1x8x128xf32, #tpu.memory_space<vmem>> -> memref<8x128xf32, #tpu.memory_space<vmem>>
      %dma_start3A_1174 = arith.constant 0 : i32
      %dma_start3A_1175 = arith.constant 0 : i32
      %dma_start3A_1176 = tpu.memref_slice %arg4[%shift_right_logical3A_1136, %dma_start3A_1169, %add3A_1143, %dma_start3A_1174, %dma_start3A_1175] : memref<26x2x128x8x128xf32, #tpu.memory_space<hbm>> -> memref<1x1x1x8x128xf32, #tpu.memory_space<hbm>>
      %dma_start3A_1177 = tpu.memref_squeeze %dma_start3A_1176 : memref<1x1x1x8x128xf32, #tpu.memory_space<hbm>> -> memref<8x128xf32, #tpu.memory_space<hbm>>
      %dma_start3A_1178 = arith.constant 0 : i32
      %dma_start3A_1179 = arith.constant 0 : i32
      %dma_start3A_1180 = tpu.memref_slice %arg4[%shift_right_logical3A_1136, %dma_start3A_1169, %add3A_1143, %dma_start3A_1178, %dma_start3A_1179] : memref<26x2x128x8x128xf32, #tpu.memory_space<hbm>> -> memref<1x1x1x8x128xf32, #tpu.memory_space<hbm>>
      %dma_start3A_1181 = tpu.memref_squeeze %dma_start3A_1180 : memref<1x1x1x8x128xf32, #tpu.memory_space<hbm>> -> memref<8x128xf32, #tpu.memory_space<hbm>>
      %dma_start3A_1182 = arith.constant 0 : i32
      %dma_start3A_1183 = arith.constant 0 : i32
      %dma_start3A_1184 = tpu.memref_slice %arg9[%and3A_1140, %dma_start3A_1182, %dma_start3A_1183] : memref<4x16x128xf32, #tpu.memory_space<vmem>> -> memref<1x8x128xf32, #tpu.memory_space<vmem>>
      %dma_start3A_1185 = tpu.memref_squeeze %dma_start3A_1184 : memref<1x8x128xf32, #tpu.memory_space<vmem>> -> memref<8x128xf32, #tpu.memory_space<vmem>>
      tpu.enqueue_dma source(%dma_start3A_1185 : memref<8x128xf32, #tpu.memory_space<vmem>>) target(%dma_start3A_1181 : memref<8x128xf32, #tpu.memory_space<hbm>>) target_semaphore(%arg11 : memref<!tpu.dma_semaphore, #tpu.memory_space<semaphore_mem>>)
      %dma_start3A_1186 = arith.constant 1 : i32
      %dma_start3A_1187 = arith.constant 8 : i32
      %dma_start3A_1188 = arith.constant 0 : i32
      %dma_start3A_1189 = tpu.memref_slice %arg9[%and3A_1140, %dma_start3A_1187, %dma_start3A_1188] : memref<4x16x128xf32, #tpu.memory_space<vmem>> -> memref<1x8x128xf32, #tpu.memory_space<vmem>>
      %dma_start3A_1190 = tpu.memref_squeeze %dma_start3A_1189 : memref<1x8x128xf32, #tpu.memory_space<vmem>> -> memref<8x128xf32, #tpu.memory_space<vmem>>
      %dma_start3A_1191 = arith.constant 0 : i32
      %dma_start3A_1192 = arith.constant 0 : i32
      %dma_start3A_1193 = tpu.memref_slice %arg4[%shift_right_logical3A_1136, %dma_start3A_1186, %add3A_1143, %dma_start3A_1191, %dma_start3A_1192] : memref<26x2x128x8x128xf32, #tpu.memory_space<hbm>> -> memref<1x1x1x8x128xf32, #tpu.memory_space<hbm>>
      %dma_start3A_1194 = tpu.memref_squeeze %dma_start3A_1193 : memref<1x1x1x8x128xf32, #tpu.memory_space<hbm>> -> memref<8x128xf32, #tpu.memory_space<hbm>>
      %dma_start3A_1195 = arith.constant 0 : i32
      %dma_start3A_1196 = arith.constant 0 : i32
      %dma_start3A_1197 = tpu.memref_slice %arg4[%shift_right_logical3A_1136, %dma_start3A_1186, %add3A_1143, %dma_start3A_1195, %dma_start3A_1196] : memref<26x2x128x8x128xf32, #tpu.memory_space<hbm>> -> memref<1x1x1x8x128xf32, #tpu.memory_space<hbm>>
      %dma_start3A_1198 = tpu.memref_squeeze %dma_start3A_1197 : memref<1x1x1x8x128xf32, #tpu.memory_space<hbm>> -> memref<8x128xf32, #tpu.memory_space<hbm>>
      %dma_start3A_1199 = arith.constant 8 : i32
      %dma_start3A_1200 = arith.constant 0 : i32
      %dma_start3A_1201 = tpu.memref_slice %arg9[%and3A_1140, %dma_start3A_1199, %dma_start3A_1200] : memref<4x16x128xf32, #tpu.memory_space<vmem>> -> memref<1x8x128xf32, #tpu.memory_space<vmem>>
      %dma_start3A_1202 = tpu.memref_squeeze %dma_start3A_1201 : memref<1x8x128xf32, #tpu.memory_space<vmem>> -> memref<8x128xf32, #tpu.memory_space<vmem>>
      tpu.enqueue_dma source(%dma_start3A_1202 : memref<8x128xf32, #tpu.memory_space<vmem>>) target(%dma_start3A_1198 : memref<8x128xf32, #tpu.memory_space<hbm>>) target_semaphore(%arg11 : memref<!tpu.dma_semaphore, #tpu.memory_space<semaphore_mem>>)
    }
    %scan3A_574 = arith.constant 101 : i32
    %shift_right_logical3A_575 = arith.constant 101 : i32
    %shift_right_logical3A_576 = arith.constant 2 : i32
    %shift_right_logical3A_577 = arith.shrui %shift_right_logical3A_575, %shift_right_logical3A_576 : i32
    %and3A_578 = arith.constant 101 : i32
    %and3A_579 = arith.constant 3 : i32
    %and3A_580 = arith.andi %and3A_578, %and3A_579 : i32
    %and3A_581 = arith.constant 101 : i32
    %and3A_582 = arith.constant 3 : i32
    %and3A_583 = arith.andi %and3A_581, %and3A_582 : i32
    %mul3A_584 = arith.constant 4 : i32
    %mul3A_585 = arith.muli %add3A, %mul3A_584 : i32
    %add3A_586 = arith.addi %mul3A_585, %and3A_580 : i32
    %dma_wait3A = arith.constant 0 : i32
    %dma_wait3A_587 = arith.constant 0 : i32
    %dma_wait3A_588 = tpu.memref_slice %arg8[%and3A_583, %dma_wait3A, %dma_wait3A_587] : memref<4x128x128xf32, #tpu.memory_space<vmem>> -> memref<1x128x128xf32, #tpu.memory_space<vmem>>
    %dma_wait3A_589 = tpu.memref_squeeze %dma_wait3A_588 : memref<1x128x128xf32, #tpu.memory_space<vmem>> -> memref<128x128xf32, #tpu.memory_space<vmem>>
    %dma_wait3A_590 = arith.constant 0 : i32
    %dma_wait3A_591 = arith.constant 0 : i32
    %dma_wait3A_592 = tpu.memref_slice %arg3[%dma_wait3A_590, %dma_wait3A_591] : memref<325000x128xf32, #tpu.memory_space<hbm>> -> memref<128x128xf32, #tpu.memory_space<hbm>>
    %dma_wait3A_593 = arith.constant 0 : i32
    %dma_wait3A_594 = arith.constant 0 : i32
    %dma_wait3A_595 = tpu.memref_slice %arg8[%and3A_583, %dma_wait3A_593, %dma_wait3A_594] : memref<4x128x128xf32, #tpu.memory_space<vmem>> -> memref<1x128x128xf32, #tpu.memory_space<vmem>>
    %dma_wait3A_596 = tpu.memref_squeeze %dma_wait3A_595 : memref<1x128x128xf32, #tpu.memory_space<vmem>> -> memref<128x128xf32, #tpu.memory_space<vmem>>
    %dma_wait3A_597 = arith.constant 0 : i32
    %dma_wait3A_598 = arith.constant 0 : i32
    %dma_wait3A_599 = tpu.memref_slice %arg3[%dma_wait3A_597, %dma_wait3A_598] : memref<325000x128xf32, #tpu.memory_space<hbm>> -> memref<128x128xf32, #tpu.memory_space<hbm>>
    tpu.wait_dma2 semaphore(%arg10 : memref<!tpu.dma_semaphore, #tpu.memory_space<semaphore_mem>>) src(%dma_wait3A_599 : memref<128x128xf32, #tpu.memory_space<hbm>>) dst(%dma_wait3A_596 : memref<128x128xf32, #tpu.memory_space<vmem>>)
    %ge3A = arith.constant 101 : i32
    %ge3A_600 = arith.constant 4 : i32
    %ge3A_601 = arith.cmpi sge, %ge3A, %ge3A_600 : i32
    %convert_element_type3A = arith.extui %ge3A_601 : i1 to i32
    %cond3A = arith.constant 0 : i32
    %cond3A_602 = arith.cmpi ne, %convert_element_type3A, %cond3A : i32
    scf.if %cond3A_602 {
      %dma_wait3A_947 = arith.constant 0 : i32
      %dma_wait3A_948 = arith.constant 0 : i32
      %dma_wait3A_949 = arith.constant 0 : i32
      %dma_wait3A_950 = arith.constant 0 : i32
      %dma_wait3A_951 = arith.constant 0 : i32
      %dma_wait3A_952 = tpu.memref_slice %arg9[%and3A_583, %dma_wait3A_950, %dma_wait3A_951] : memref<4x16x128xf32, #tpu.memory_space<vmem>> -> memref<1x8x128xf32, #tpu.memory_space<vmem>>
      %dma_wait3A_953 = tpu.memref_squeeze %dma_wait3A_952 : memref<1x8x128xf32, #tpu.memory_space<vmem>> -> memref<8x128xf32, #tpu.memory_space<vmem>>
      %dma_wait3A_954 = arith.constant 0 : i32
      %dma_wait3A_955 = arith.constant 0 : i32
      %dma_wait3A_956 = tpu.memref_slice %arg4[%dma_wait3A_947, %dma_wait3A_948, %dma_wait3A_949, %dma_wait3A_954, %dma_wait3A_955] : memref<26x2x128x8x128xf32, #tpu.memory_space<hbm>> -> memref<1x1x1x8x128xf32, #tpu.memory_space<hbm>>
      %dma_wait3A_957 = tpu.memref_squeeze %dma_wait3A_956 : memref<1x1x1x8x128xf32, #tpu.memory_space<hbm>> -> memref<8x128xf32, #tpu.memory_space<hbm>>
      %dma_wait3A_958 = arith.constant 0 : i32
      %dma_wait3A_959 = arith.constant 0 : i32
      %dma_wait3A_960 = tpu.memref_slice %arg9[%and3A_583, %dma_wait3A_958, %dma_wait3A_959] : memref<4x16x128xf32, #tpu.memory_space<vmem>> -> memref<1x8x128xf32, #tpu.memory_space<vmem>>
      %dma_wait3A_961 = tpu.memref_squeeze %dma_wait3A_960 : memref<1x8x128xf32, #tpu.memory_space<vmem>> -> memref<8x128xf32, #tpu.memory_space<vmem>>
      %dma_wait3A_962 = arith.constant 0 : i32
      %dma_wait3A_963 = arith.constant 0 : i32
      %dma_wait3A_964 = tpu.memref_slice %arg4[%dma_wait3A_947, %dma_wait3A_948, %dma_wait3A_949, %dma_wait3A_962, %dma_wait3A_963] : memref<26x2x128x8x128xf32, #tpu.memory_space<hbm>> -> memref<1x1x1x8x128xf32, #tpu.memory_space<hbm>>
      %dma_wait3A_965 = tpu.memref_squeeze %dma_wait3A_964 : memref<1x1x1x8x128xf32, #tpu.memory_space<hbm>> -> memref<8x128xf32, #tpu.memory_space<hbm>>
      tpu.wait_dma2 semaphore(%arg11 : memref<!tpu.dma_semaphore, #tpu.memory_space<semaphore_mem>>) src(%dma_wait3A_965 : memref<8x128xf32, #tpu.memory_space<hbm>>) dst(%dma_wait3A_961 : memref<8x128xf32, #tpu.memory_space<vmem>>)
      %dma_wait3A_966 = arith.constant 0 : i32
      %dma_wait3A_967 = arith.constant 0 : i32
      %dma_wait3A_968 = arith.constant 0 : i32
      %dma_wait3A_969 = arith.constant 8 : i32
      %dma_wait3A_970 = arith.constant 0 : i32
      %dma_wait3A_971 = tpu.memref_slice %arg9[%and3A_583, %dma_wait3A_969, %dma_wait3A_970] : memref<4x16x128xf32, #tpu.memory_space<vmem>> -> memref<1x8x128xf32, #tpu.memory_space<vmem>>
      %dma_wait3A_972 = tpu.memref_squeeze %dma_wait3A_971 : memref<1x8x128xf32, #tpu.memory_space<vmem>> -> memref<8x128xf32, #tpu.memory_space<vmem>>
      %dma_wait3A_973 = arith.constant 0 : i32
      %dma_wait3A_974 = arith.constant 0 : i32
      %dma_wait3A_975 = tpu.memref_slice %arg4[%dma_wait3A_966, %dma_wait3A_967, %dma_wait3A_968, %dma_wait3A_973, %dma_wait3A_974] : memref<26x2x128x8x128xf32, #tpu.memory_space<hbm>> -> memref<1x1x1x8x128xf32, #tpu.memory_space<hbm>>
      %dma_wait3A_976 = tpu.memref_squeeze %dma_wait3A_975 : memref<1x1x1x8x128xf32, #tpu.memory_space<hbm>> -> memref<8x128xf32, #tpu.memory_space<hbm>>
      %dma_wait3A_977 = arith.constant 8 : i32
      %dma_wait3A_978 = arith.constant 0 : i32
      %dma_wait3A_979 = tpu.memref_slice %arg9[%and3A_583, %dma_wait3A_977, %dma_wait3A_978] : memref<4x16x128xf32, #tpu.memory_space<vmem>> -> memref<1x8x128xf32, #tpu.memory_space<vmem>>
      %dma_wait3A_980 = tpu.memref_squeeze %dma_wait3A_979 : memref<1x8x128xf32, #tpu.memory_space<vmem>> -> memref<8x128xf32, #tpu.memory_space<vmem>>
      %dma_wait3A_981 = arith.constant 0 : i32
      %dma_wait3A_982 = arith.constant 0 : i32
      %dma_wait3A_983 = tpu.memref_slice %arg4[%dma_wait3A_966, %dma_wait3A_967, %dma_wait3A_968, %dma_wait3A_981, %dma_wait3A_982] : memref<26x2x128x8x128xf32, #tpu.memory_space<hbm>> -> memref<1x1x1x8x128xf32, #tpu.memory_space<hbm>>
      %dma_wait3A_984 = tpu.memref_squeeze %dma_wait3A_983 : memref<1x1x1x8x128xf32, #tpu.memory_space<hbm>> -> memref<8x128xf32, #tpu.memory_space<hbm>>
      tpu.wait_dma2 semaphore(%arg11 : memref<!tpu.dma_semaphore, #tpu.memory_space<semaphore_mem>>) src(%dma_wait3A_984 : memref<8x128xf32, #tpu.memory_space<hbm>>) dst(%dma_wait3A_980 : memref<8x128xf32, #tpu.memory_space<vmem>>)
    } else {
    }
    %scan3A_603 = arith.constant 0 : i32
    %scan3A_604 = arith.constant 0 : i32
    %scan3A_605 = arith.constant 8 : i32
    %scan3A_606 = arith.addi %scan3A_604, %scan3A_605 : i32
    %scan3A_607 = arith.constant 1 : i32
    scf.for %scan3A_947 = %scan3A_604 to %scan3A_606 step %scan3A_607  : i32 {
      %mul3A_948 = arith.constant 16 : i32
      %mul3A_949 = arith.muli %scan3A_947, %mul3A_948 : i32
      %get3A = arith.index_cast %and3A_583 : i32 to index
      %get3A_950 = arith.index_cast %mul3A_949 : i32 to index
      %get3A_951 = tpu.vector_load %arg6[%get3A, %get3A_950] {strides = array<i32>} : memref<4x128xi32, #tpu.memory_space<vmem>>, vector<16xi32>,
      %and3A_952 = arith.constant 7 : i32
      %and3A_953 = vector.broadcast %and3A_952 : i32 to vector<16xi32>
      %and3A_954 = arith.andi %get3A_951, %and3A_953 : vector<16xi32>
      %mul3A_955 = arith.constant 16 : i32
      %mul3A_956 = vector.broadcast %mul3A_955 : i32 to vector<16xi32>
      %mul3A_957 = arith.muli %and3A_954, %mul3A_956 : vector<16xi32>
      %mul3A_958 = arith.constant 16 : i32
      %mul3A_959 = arith.muli %scan3A_947, %mul3A_958 : i32
      %add3A_960 = vector.broadcast %mul3A_959 : i32 to vector<16xi32>
      %add3A_961 = arith.addi %iota3A, %add3A_960 : vector<16xi32>
      %add3A_962 = arith.constant 0 : i32
      %add3A_963 = vector.broadcast %add3A_962 : i32 to vector<16xi32>
      %add3A_964 = arith.addi %mul3A_957, %add3A_963 : vector<16xi32>
      %gather3A_965 = arith.constant 0 : i32
      %gather3A_966 = arith.constant 0 : i32
      %gather3A_967 = tpu.memref_slice %arg8[%and3A_583, %gather3A_965, %gather3A_966] : memref<4x128x128xf32, #tpu.memory_space<vmem>> -> memref<1x128x128xf32, #tpu.memory_space<vmem>>
      %gather3A_968 = tpu.memref_squeeze %gather3A_967 : memref<1x128x128xf32, #tpu.memory_space<vmem>> -> memref<128x128xf32, #tpu.memory_space<vmem>>
      %gather3A_969 = tpu.vector_load_idx %gather3A_968[%add3A_961, %add3A_964] : memref<128x128xf32, #tpu.memory_space<vmem>>[vector<16xi32>, vector<16xi32>], vector<16xf32>,
      %mul3A_970 = arith.constant 16 : i32
      %mul3A_971 = arith.muli %scan3A_947, %mul3A_970 : i32
      %swap3A_972 = arith.constant 0 : i32
      %swap3A_973 = arith.index_cast %and3A_583 : i32 to index
      %swap3A_974 = arith.index_cast %swap3A_972 : i32 to index
      %swap3A_975 = arith.index_cast %mul3A_971 : i32 to index
      %swap3A_976 = tpu.vector_load %arg9[%swap3A_973, %swap3A_974, %swap3A_975] {strides = array<i32>} : memref<4x16x128xf32, #tpu.memory_space<vmem>>, vector<16xf32>,
      tpu.vector_store %arg9[%swap3A_973, %swap3A_974, %swap3A_975], %gather3A_969 {strides = array<i32>} : memref<4x16x128xf32, #tpu.memory_space<vmem>>, vector<16xf32>,
      %add3A_977 = arith.constant 1 : i32
      %add3A_978 = vector.broadcast %add3A_977 : i32 to vector<16xi32>
      %add3A_979 = arith.addi %mul3A_957, %add3A_978 : vector<16xi32>
      %gather3A_980 = arith.constant 0 : i32
      %gather3A_981 = arith.constant 0 : i32
      %gather3A_982 = tpu.memref_slice %arg8[%and3A_583, %gather3A_980, %gather3A_981] : memref<4x128x128xf32, #tpu.memory_space<vmem>> -> memref<1x128x128xf32, #tpu.memory_space<vmem>>
      %gather3A_983 = tpu.memref_squeeze %gather3A_982 : memref<1x128x128xf32, #tpu.memory_space<vmem>> -> memref<128x128xf32, #tpu.memory_space<vmem>>
      %gather3A_984 = tpu.vector_load_idx %gather3A_983[%add3A_961, %add3A_979] : memref<128x128xf32, #tpu.memory_space<vmem>>[vector<16xi32>, vector<16xi32>], vector<16xf32>,
      %mul3A_985 = arith.constant 16 : i32
      %mul3A_986 = arith.muli %scan3A_947, %mul3A_985 : i32
      %swap3A_987 = arith.constant 1 : i32
      %swap3A_988 = arith.index_cast %and3A_583 : i32 to index
      %swap3A_989 = arith.index_cast %swap3A_987 : i32 to index
      %swap3A_990 = arith.index_cast %mul3A_986 : i32 to index
      %swap3A_991 = tpu.vector_load %arg9[%swap3A_988, %swap3A_989, %swap3A_990] {strides = array<i32>} : memref<4x16x128xf32, #tpu.memory_space<vmem>>, vector<16xf32>,
      tpu.vector_store %arg9[%swap3A_988, %swap3A_989, %swap3A_990], %gather3A_984 {strides = array<i32>} : memref<4x16x128xf32, #tpu.memory_space<vmem>>, vector<16xf32>,
      %add3A_992 = arith.constant 2 : i32
      %add3A_993 = vector.broadcast %add3A_992 : i32 to vector<16xi32>
      %add3A_994 = arith.addi %mul3A_957, %add3A_993 : vector<16xi32>
      %gather3A_995 = arith.constant 0 : i32
      %gather3A_996 = arith.constant 0 : i32
      %gather3A_997 = tpu.memref_slice %arg8[%and3A_583, %gather3A_995, %gather3A_996] : memref<4x128x128xf32, #tpu.memory_space<vmem>> -> memref<1x128x128xf32, #tpu.memory_space<vmem>>
      %gather3A_998 = tpu.memref_squeeze %gather3A_997 : memref<1x128x128xf32, #tpu.memory_space<vmem>> -> memref<128x128xf32, #tpu.memory_space<vmem>>
      %gather3A_999 = tpu.vector_load_idx %gather3A_998[%add3A_961, %add3A_994] : memref<128x128xf32, #tpu.memory_space<vmem>>[vector<16xi32>, vector<16xi32>], vector<16xf32>,
      %mul3A_1000 = arith.constant 16 : i32
      %mul3A_1001 = arith.muli %scan3A_947, %mul3A_1000 : i32
      %swap3A_1002 = arith.constant 2 : i32
      %swap3A_1003 = arith.index_cast %and3A_583 : i32 to index
      %swap3A_1004 = arith.index_cast %swap3A_1002 : i32 to index
      %swap3A_1005 = arith.index_cast %mul3A_1001 : i32 to index
      %swap3A_1006 = tpu.vector_load %arg9[%swap3A_1003, %swap3A_1004, %swap3A_1005] {strides = array<i32>} : memref<4x16x128xf32, #tpu.memory_space<vmem>>, vector<16xf32>,
      tpu.vector_store %arg9[%swap3A_1003, %swap3A_1004, %swap3A_1005], %gather3A_999 {strides = array<i32>} : memref<4x16x128xf32, #tpu.memory_space<vmem>>, vector<16xf32>,
      %add3A_1007 = arith.constant 3 : i32
      %add3A_1008 = vector.broadcast %add3A_1007 : i32 to vector<16xi32>
      %add3A_1009 = arith.addi %mul3A_957, %add3A_1008 : vector<16xi32>
      %gather3A_1010 = arith.constant 0 : i32
      %gather3A_1011 = arith.constant 0 : i32
      %gather3A_1012 = tpu.memref_slice %arg8[%and3A_583, %gather3A_1010, %gather3A_1011] : memref<4x128x128xf32, #tpu.memory_space<vmem>> -> memref<1x128x128xf32, #tpu.memory_space<vmem>>
      %gather3A_1013 = tpu.memref_squeeze %gather3A_1012 : memref<1x128x128xf32, #tpu.memory_space<vmem>> -> memref<128x128xf32, #tpu.memory_space<vmem>>
      %gather3A_1014 = tpu.vector_load_idx %gather3A_1013[%add3A_961, %add3A_1009] : memref<128x128xf32, #tpu.memory_space<vmem>>[vector<16xi32>, vector<16xi32>], vector<16xf32>,
      %mul3A_1015 = arith.constant 16 : i32
      %mul3A_1016 = arith.muli %scan3A_947, %mul3A_1015 : i32
      %swap3A_1017 = arith.constant 3 : i32
      %swap3A_1018 = arith.index_cast %and3A_583 : i32 to index
      %swap3A_1019 = arith.index_cast %swap3A_1017 : i32 to index
      %swap3A_1020 = arith.index_cast %mul3A_1016 : i32 to index
      %swap3A_1021 = tpu.vector_load %arg9[%swap3A_1018, %swap3A_1019, %swap3A_1020] {strides = array<i32>} : memref<4x16x128xf32, #tpu.memory_space<vmem>>, vector<16xf32>,
      tpu.vector_store %arg9[%swap3A_1018, %swap3A_1019, %swap3A_1020], %gather3A_1014 {strides = array<i32>} : memref<4x16x128xf32, #tpu.memory_space<vmem>>, vector<16xf32>,
      %add3A_1022 = arith.constant 4 : i32
      %add3A_1023 = vector.broadcast %add3A_1022 : i32 to vector<16xi32>
      %add3A_1024 = arith.addi %mul3A_957, %add3A_1023 : vector<16xi32>
      %gather3A_1025 = arith.constant 0 : i32
      %gather3A_1026 = arith.constant 0 : i32
      %gather3A_1027 = tpu.memref_slice %arg8[%and3A_583, %gather3A_1025, %gather3A_1026] : memref<4x128x128xf32, #tpu.memory_space<vmem>> -> memref<1x128x128xf32, #tpu.memory_space<vmem>>
      %gather3A_1028 = tpu.memref_squeeze %gather3A_1027 : memref<1x128x128xf32, #tpu.memory_space<vmem>> -> memref<128x128xf32, #tpu.memory_space<vmem>>
      %gather3A_1029 = tpu.vector_load_idx %gather3A_1028[%add3A_961, %add3A_1024] : memref<128x128xf32, #tpu.memory_space<vmem>>[vector<16xi32>, vector<16xi32>], vector<16xf32>,
      %mul3A_1030 = arith.constant 16 : i32
      %mul3A_1031 = arith.muli %scan3A_947, %mul3A_1030 : i32
      %swap3A_1032 = arith.constant 4 : i32
      %swap3A_1033 = arith.index_cast %and3A_583 : i32 to index
      %swap3A_1034 = arith.index_cast %swap3A_1032 : i32 to index
      %swap3A_1035 = arith.index_cast %mul3A_1031 : i32 to index
      %swap3A_1036 = tpu.vector_load %arg9[%swap3A_1033, %swap3A_1034, %swap3A_1035] {strides = array<i32>} : memref<4x16x128xf32, #tpu.memory_space<vmem>>, vector<16xf32>,
      tpu.vector_store %arg9[%swap3A_1033, %swap3A_1034, %swap3A_1035], %gather3A_1029 {strides = array<i32>} : memref<4x16x128xf32, #tpu.memory_space<vmem>>, vector<16xf32>,
      %add3A_1037 = arith.constant 5 : i32
      %add3A_1038 = vector.broadcast %add3A_1037 : i32 to vector<16xi32>
      %add3A_1039 = arith.addi %mul3A_957, %add3A_1038 : vector<16xi32>
      %gather3A_1040 = arith.constant 0 : i32
      %gather3A_1041 = arith.constant 0 : i32
      %gather3A_1042 = tpu.memref_slice %arg8[%and3A_583, %gather3A_1040, %gather3A_1041] : memref<4x128x128xf32, #tpu.memory_space<vmem>> -> memref<1x128x128xf32, #tpu.memory_space<vmem>>
      %gather3A_1043 = tpu.memref_squeeze %gather3A_1042 : memref<1x128x128xf32, #tpu.memory_space<vmem>> -> memref<128x128xf32, #tpu.memory_space<vmem>>
      %gather3A_1044 = tpu.vector_load_idx %gather3A_1043[%add3A_961, %add3A_1039] : memref<128x128xf32, #tpu.memory_space<vmem>>[vector<16xi32>, vector<16xi32>], vector<16xf32>,
      %mul3A_1045 = arith.constant 16 : i32
      %mul3A_1046 = arith.muli %scan3A_947, %mul3A_1045 : i32
      %swap3A_1047 = arith.constant 5 : i32
      %swap3A_1048 = arith.index_cast %and3A_583 : i32 to index
      %swap3A_1049 = arith.index_cast %swap3A_1047 : i32 to index
      %swap3A_1050 = arith.index_cast %mul3A_1046 : i32 to index
      %swap3A_1051 = tpu.vector_load %arg9[%swap3A_1048, %swap3A_1049, %swap3A_1050] {strides = array<i32>} : memref<4x16x128xf32, #tpu.memory_space<vmem>>, vector<16xf32>,
      tpu.vector_store %arg9[%swap3A_1048, %swap3A_1049, %swap3A_1050], %gather3A_1044 {strides = array<i32>} : memref<4x16x128xf32, #tpu.memory_space<vmem>>, vector<16xf32>,
      %add3A_1052 = arith.constant 6 : i32
      %add3A_1053 = vector.broadcast %add3A_1052 : i32 to vector<16xi32>
      %add3A_1054 = arith.addi %mul3A_957, %add3A_1053 : vector<16xi32>
      %gather3A_1055 = arith.constant 0 : i32
      %gather3A_1056 = arith.constant 0 : i32
      %gather3A_1057 = tpu.memref_slice %arg8[%and3A_583, %gather3A_1055, %gather3A_1056] : memref<4x128x128xf32, #tpu.memory_space<vmem>> -> memref<1x128x128xf32, #tpu.memory_space<vmem>>
      %gather3A_1058 = tpu.memref_squeeze %gather3A_1057 : memref<1x128x128xf32, #tpu.memory_space<vmem>> -> memref<128x128xf32, #tpu.memory_space<vmem>>
      %gather3A_1059 = tpu.vector_load_idx %gather3A_1058[%add3A_961, %add3A_1054] : memref<128x128xf32, #tpu.memory_space<vmem>>[vector<16xi32>, vector<16xi32>], vector<16xf32>,
      %mul3A_1060 = arith.constant 16 : i32
      %mul3A_1061 = arith.muli %scan3A_947, %mul3A_1060 : i32
      %swap3A_1062 = arith.constant 6 : i32
      %swap3A_1063 = arith.index_cast %and3A_583 : i32 to index
      %swap3A_1064 = arith.index_cast %swap3A_1062 : i32 to index
      %swap3A_1065 = arith.index_cast %mul3A_1061 : i32 to index
      %swap3A_1066 = tpu.vector_load %arg9[%swap3A_1063, %swap3A_1064, %swap3A_1065] {strides = array<i32>} : memref<4x16x128xf32, #tpu.memory_space<vmem>>, vector<16xf32>,
      tpu.vector_store %arg9[%swap3A_1063, %swap3A_1064, %swap3A_1065], %gather3A_1059 {strides = array<i32>} : memref<4x16x128xf32, #tpu.memory_space<vmem>>, vector<16xf32>,
      %add3A_1067 = arith.constant 7 : i32
      %add3A_1068 = vector.broadcast %add3A_1067 : i32 to vector<16xi32>
      %add3A_1069 = arith.addi %mul3A_957, %add3A_1068 : vector<16xi32>
      %gather3A_1070 = arith.constant 0 : i32
      %gather3A_1071 = arith.constant 0 : i32
      %gather3A_1072 = tpu.memref_slice %arg8[%and3A_583, %gather3A_1070, %gather3A_1071] : memref<4x128x128xf32, #tpu.memory_space<vmem>> -> memref<1x128x128xf32, #tpu.memory_space<vmem>>
      %gather3A_1073 = tpu.memref_squeeze %gather3A_1072 : memref<1x128x128xf32, #tpu.memory_space<vmem>> -> memref<128x128xf32, #tpu.memory_space<vmem>>
      %gather3A_1074 = tpu.vector_load_idx %gather3A_1073[%add3A_961, %add3A_1069] : memref<128x128xf32, #tpu.memory_space<vmem>>[vector<16xi32>, vector<16xi32>], vector<16xf32>,
      %mul3A_1075 = arith.constant 16 : i32
      %mul3A_1076 = arith.muli %scan3A_947, %mul3A_1075 : i32
      %swap3A_1077 = arith.constant 7 : i32
      %swap3A_1078 = arith.index_cast %and3A_583 : i32 to index
      %swap3A_1079 = arith.index_cast %swap3A_1077 : i32 to index
      %swap3A_1080 = arith.index_cast %mul3A_1076 : i32 to index
      %swap3A_1081 = tpu.vector_load %arg9[%swap3A_1078, %swap3A_1079, %swap3A_1080] {strides = array<i32>} : memref<4x16x128xf32, #tpu.memory_space<vmem>>, vector<16xf32>,
      tpu.vector_store %arg9[%swap3A_1078, %swap3A_1079, %swap3A_1080], %gather3A_1074 {strides = array<i32>} : memref<4x16x128xf32, #tpu.memory_space<vmem>>, vector<16xf32>,
      %add3A_1082 = arith.constant 8 : i32
      %add3A_1083 = vector.broadcast %add3A_1082 : i32 to vector<16xi32>
      %add3A_1084 = arith.addi %mul3A_957, %add3A_1083 : vector<16xi32>
      %gather3A_1085 = arith.constant 0 : i32
      %gather3A_1086 = arith.constant 0 : i32
      %gather3A_1087 = tpu.memref_slice %arg8[%and3A_583, %gather3A_1085, %gather3A_1086] : memref<4x128x128xf32, #tpu.memory_space<vmem>> -> memref<1x128x128xf32, #tpu.memory_space<vmem>>
      %gather3A_1088 = tpu.memref_squeeze %gather3A_1087 : memref<1x128x128xf32, #tpu.memory_space<vmem>> -> memref<128x128xf32, #tpu.memory_space<vmem>>
      %gather3A_1089 = tpu.vector_load_idx %gather3A_1088[%add3A_961, %add3A_1084] : memref<128x128xf32, #tpu.memory_space<vmem>>[vector<16xi32>, vector<16xi32>], vector<16xf32>,
      %mul3A_1090 = arith.constant 16 : i32
      %mul3A_1091 = arith.muli %scan3A_947, %mul3A_1090 : i32
      %swap3A_1092 = arith.constant 8 : i32
      %swap3A_1093 = arith.index_cast %and3A_583 : i32 to index
      %swap3A_1094 = arith.index_cast %swap3A_1092 : i32 to index
      %swap3A_1095 = arith.index_cast %mul3A_1091 : i32 to index
      %swap3A_1096 = tpu.vector_load %arg9[%swap3A_1093, %swap3A_1094, %swap3A_1095] {strides = array<i32>} : memref<4x16x128xf32, #tpu.memory_space<vmem>>, vector<16xf32>,
      tpu.vector_store %arg9[%swap3A_1093, %swap3A_1094, %swap3A_1095], %gather3A_1089 {strides = array<i32>} : memref<4x16x128xf32, #tpu.memory_space<vmem>>, vector<16xf32>,
      %add3A_1097 = arith.constant 9 : i32
      %add3A_1098 = vector.broadcast %add3A_1097 : i32 to vector<16xi32>
      %add3A_1099 = arith.addi %mul3A_957, %add3A_1098 : vector<16xi32>
      %gather3A_1100 = arith.constant 0 : i32
      %gather3A_1101 = arith.constant 0 : i32
      %gather3A_1102 = tpu.memref_slice %arg8[%and3A_583, %gather3A_1100, %gather3A_1101] : memref<4x128x128xf32, #tpu.memory_space<vmem>> -> memref<1x128x128xf32, #tpu.memory_space<vmem>>
      %gather3A_1103 = tpu.memref_squeeze %gather3A_1102 : memref<1x128x128xf32, #tpu.memory_space<vmem>> -> memref<128x128xf32, #tpu.memory_space<vmem>>
      %gather3A_1104 = tpu.vector_load_idx %gather3A_1103[%add3A_961, %add3A_1099] : memref<128x128xf32, #tpu.memory_space<vmem>>[vector<16xi32>, vector<16xi32>], vector<16xf32>,
      %mul3A_1105 = arith.constant 16 : i32
      %mul3A_1106 = arith.muli %scan3A_947, %mul3A_1105 : i32
      %swap3A_1107 = arith.constant 9 : i32
      %swap3A_1108 = arith.index_cast %and3A_583 : i32 to index
      %swap3A_1109 = arith.index_cast %swap3A_1107 : i32 to index
      %swap3A_1110 = arith.index_cast %mul3A_1106 : i32 to index
      %swap3A_1111 = tpu.vector_load %arg9[%swap3A_1108, %swap3A_1109, %swap3A_1110] {strides = array<i32>} : memref<4x16x128xf32, #tpu.memory_space<vmem>>, vector<16xf32>,
      tpu.vector_store %arg9[%swap3A_1108, %swap3A_1109, %swap3A_1110], %gather3A_1104 {strides = array<i32>} : memref<4x16x128xf32, #tpu.memory_space<vmem>>, vector<16xf32>,
      %add3A_1112 = arith.constant 10 : i32
      %add3A_1113 = vector.broadcast %add3A_1112 : i32 to vector<16xi32>
      %add3A_1114 = arith.addi %mul3A_957, %add3A_1113 : vector<16xi32>
      %gather3A_1115 = arith.constant 0 : i32
      %gather3A_1116 = arith.constant 0 : i32
      %gather3A_1117 = tpu.memref_slice %arg8[%and3A_583, %gather3A_1115, %gather3A_1116] : memref<4x128x128xf32, #tpu.memory_space<vmem>> -> memref<1x128x128xf32, #tpu.memory_space<vmem>>
      %gather3A_1118 = tpu.memref_squeeze %gather3A_1117 : memref<1x128x128xf32, #tpu.memory_space<vmem>> -> memref<128x128xf32, #tpu.memory_space<vmem>>
      %gather3A_1119 = tpu.vector_load_idx %gather3A_1118[%add3A_961, %add3A_1114] : memref<128x128xf32, #tpu.memory_space<vmem>>[vector<16xi32>, vector<16xi32>], vector<16xf32>,
      %mul3A_1120 = arith.constant 16 : i32
      %mul3A_1121 = arith.muli %scan3A_947, %mul3A_1120 : i32
      %swap3A_1122 = arith.constant 10 : i32
      %swap3A_1123 = arith.index_cast %and3A_583 : i32 to index
      %swap3A_1124 = arith.index_cast %swap3A_1122 : i32 to index
      %swap3A_1125 = arith.index_cast %mul3A_1121 : i32 to index
      %swap3A_1126 = tpu.vector_load %arg9[%swap3A_1123, %swap3A_1124, %swap3A_1125] {strides = array<i32>} : memref<4x16x128xf32, #tpu.memory_space<vmem>>, vector<16xf32>,
      tpu.vector_store %arg9[%swap3A_1123, %swap3A_1124, %swap3A_1125], %gather3A_1119 {strides = array<i32>} : memref<4x16x128xf32, #tpu.memory_space<vmem>>, vector<16xf32>,
      %add3A_1127 = arith.constant 11 : i32
      %add3A_1128 = vector.broadcast %add3A_1127 : i32 to vector<16xi32>
      %add3A_1129 = arith.addi %mul3A_957, %add3A_1128 : vector<16xi32>
      %gather3A_1130 = arith.constant 0 : i32
      %gather3A_1131 = arith.constant 0 : i32
      %gather3A_1132 = tpu.memref_slice %arg8[%and3A_583, %gather3A_1130, %gather3A_1131] : memref<4x128x128xf32, #tpu.memory_space<vmem>> -> memref<1x128x128xf32, #tpu.memory_space<vmem>>
      %gather3A_1133 = tpu.memref_squeeze %gather3A_1132 : memref<1x128x128xf32, #tpu.memory_space<vmem>> -> memref<128x128xf32, #tpu.memory_space<vmem>>
      %gather3A_1134 = tpu.vector_load_idx %gather3A_1133[%add3A_961, %add3A_1129] : memref<128x128xf32, #tpu.memory_space<vmem>>[vector<16xi32>, vector<16xi32>], vector<16xf32>,
      %mul3A_1135 = arith.constant 16 : i32
      %mul3A_1136 = arith.muli %scan3A_947, %mul3A_1135 : i32
      %swap3A_1137 = arith.constant 11 : i32
      %swap3A_1138 = arith.index_cast %and3A_583 : i32 to index
      %swap3A_1139 = arith.index_cast %swap3A_1137 : i32 to index
      %swap3A_1140 = arith.index_cast %mul3A_1136 : i32 to index
      %swap3A_1141 = tpu.vector_load %arg9[%swap3A_1138, %swap3A_1139, %swap3A_1140] {strides = array<i32>} : memref<4x16x128xf32, #tpu.memory_space<vmem>>, vector<16xf32>,
      tpu.vector_store %arg9[%swap3A_1138, %swap3A_1139, %swap3A_1140], %gather3A_1134 {strides = array<i32>} : memref<4x16x128xf32, #tpu.memory_space<vmem>>, vector<16xf32>,
      %add3A_1142 = arith.constant 12 : i32
      %add3A_1143 = vector.broadcast %add3A_1142 : i32 to vector<16xi32>
      %add3A_1144 = arith.addi %mul3A_957, %add3A_1143 : vector<16xi32>
      %gather3A_1145 = arith.constant 0 : i32
      %gather3A_1146 = arith.constant 0 : i32
      %gather3A_1147 = tpu.memref_slice %arg8[%and3A_583, %gather3A_1145, %gather3A_1146] : memref<4x128x128xf32, #tpu.memory_space<vmem>> -> memref<1x128x128xf32, #tpu.memory_space<vmem>>
      %gather3A_1148 = tpu.memref_squeeze %gather3A_1147 : memref<1x128x128xf32, #tpu.memory_space<vmem>> -> memref<128x128xf32, #tpu.memory_space<vmem>>
      %gather3A_1149 = tpu.vector_load_idx %gather3A_1148[%add3A_961, %add3A_1144] : memref<128x128xf32, #tpu.memory_space<vmem>>[vector<16xi32>, vector<16xi32>], vector<16xf32>,
      %mul3A_1150 = arith.constant 16 : i32
      %mul3A_1151 = arith.muli %scan3A_947, %mul3A_1150 : i32
      %swap3A_1152 = arith.constant 12 : i32
      %swap3A_1153 = arith.index_cast %and3A_583 : i32 to index
      %swap3A_1154 = arith.index_cast %swap3A_1152 : i32 to index
      %swap3A_1155 = arith.index_cast %mul3A_1151 : i32 to index
      %swap3A_1156 = tpu.vector_load %arg9[%swap3A_1153, %swap3A_1154, %swap3A_1155] {strides = array<i32>} : memref<4x16x128xf32, #tpu.memory_space<vmem>>, vector<16xf32>,
      tpu.vector_store %arg9[%swap3A_1153, %swap3A_1154, %swap3A_1155], %gather3A_1149 {strides = array<i32>} : memref<4x16x128xf32, #tpu.memory_space<vmem>>, vector<16xf32>,
      %add3A_1157 = arith.constant 13 : i32
      %add3A_1158 = vector.broadcast %add3A_1157 : i32 to vector<16xi32>
      %add3A_1159 = arith.addi %mul3A_957, %add3A_1158 : vector<16xi32>
      %gather3A_1160 = arith.constant 0 : i32
      %gather3A_1161 = arith.constant 0 : i32
      %gather3A_1162 = tpu.memref_slice %arg8[%and3A_583, %gather3A_1160, %gather3A_1161] : memref<4x128x128xf32, #tpu.memory_space<vmem>> -> memref<1x128x128xf32, #tpu.memory_space<vmem>>
      %gather3A_1163 = tpu.memref_squeeze %gather3A_1162 : memref<1x128x128xf32, #tpu.memory_space<vmem>> -> memref<128x128xf32, #tpu.memory_space<vmem>>
      %gather3A_1164 = tpu.vector_load_idx %gather3A_1163[%add3A_961, %add3A_1159] : memref<128x128xf32, #tpu.memory_space<vmem>>[vector<16xi32>, vector<16xi32>], vector<16xf32>,
      %mul3A_1165 = arith.constant 16 : i32
      %mul3A_1166 = arith.muli %scan3A_947, %mul3A_1165 : i32
      %swap3A_1167 = arith.constant 13 : i32
      %swap3A_1168 = arith.index_cast %and3A_583 : i32 to index
      %swap3A_1169 = arith.index_cast %swap3A_1167 : i32 to index
      %swap3A_1170 = arith.index_cast %mul3A_1166 : i32 to index
      %swap3A_1171 = tpu.vector_load %arg9[%swap3A_1168, %swap3A_1169, %swap3A_1170] {strides = array<i32>} : memref<4x16x128xf32, #tpu.memory_space<vmem>>, vector<16xf32>,
      tpu.vector_store %arg9[%swap3A_1168, %swap3A_1169, %swap3A_1170], %gather3A_1164 {strides = array<i32>} : memref<4x16x128xf32, #tpu.memory_space<vmem>>, vector<16xf32>,
      %add3A_1172 = arith.constant 14 : i32
      %add3A_1173 = vector.broadcast %add3A_1172 : i32 to vector<16xi32>
      %add3A_1174 = arith.addi %mul3A_957, %add3A_1173 : vector<16xi32>
      %gather3A_1175 = arith.constant 0 : i32
      %gather3A_1176 = arith.constant 0 : i32
      %gather3A_1177 = tpu.memref_slice %arg8[%and3A_583, %gather3A_1175, %gather3A_1176] : memref<4x128x128xf32, #tpu.memory_space<vmem>> -> memref<1x128x128xf32, #tpu.memory_space<vmem>>
      %gather3A_1178 = tpu.memref_squeeze %gather3A_1177 : memref<1x128x128xf32, #tpu.memory_space<vmem>> -> memref<128x128xf32, #tpu.memory_space<vmem>>
      %gather3A_1179 = tpu.vector_load_idx %gather3A_1178[%add3A_961, %add3A_1174] : memref<128x128xf32, #tpu.memory_space<vmem>>[vector<16xi32>, vector<16xi32>], vector<16xf32>,
      %mul3A_1180 = arith.constant 16 : i32
      %mul3A_1181 = arith.muli %scan3A_947, %mul3A_1180 : i32
      %swap3A_1182 = arith.constant 14 : i32
      %swap3A_1183 = arith.index_cast %and3A_583 : i32 to index
      %swap3A_1184 = arith.index_cast %swap3A_1182 : i32 to index
      %swap3A_1185 = arith.index_cast %mul3A_1181 : i32 to index
      %swap3A_1186 = tpu.vector_load %arg9[%swap3A_1183, %swap3A_1184, %swap3A_1185] {strides = array<i32>} : memref<4x16x128xf32, #tpu.memory_space<vmem>>, vector<16xf32>,
      tpu.vector_store %arg9[%swap3A_1183, %swap3A_1184, %swap3A_1185], %gather3A_1179 {strides = array<i32>} : memref<4x16x128xf32, #tpu.memory_space<vmem>>, vector<16xf32>,
      %add3A_1187 = arith.constant 15 : i32
      %add3A_1188 = vector.broadcast %add3A_1187 : i32 to vector<16xi32>
      %add3A_1189 = arith.addi %mul3A_957, %add3A_1188 : vector<16xi32>
      %gather3A_1190 = arith.constant 0 : i32
      %gather3A_1191 = arith.constant 0 : i32
      %gather3A_1192 = tpu.memref_slice %arg8[%and3A_583, %gather3A_1190, %gather3A_1191] : memref<4x128x128xf32, #tpu.memory_space<vmem>> -> memref<1x128x128xf32, #tpu.memory_space<vmem>>
      %gather3A_1193 = tpu.memref_squeeze %gather3A_1192 : memref<1x128x128xf32, #tpu.memory_space<vmem>> -> memref<128x128xf32, #tpu.memory_space<vmem>>
      %gather3A_1194 = tpu.vector_load_idx %gather3A_1193[%add3A_961, %add3A_1189] : memref<128x128xf32, #tpu.memory_space<vmem>>[vector<16xi32>, vector<16xi32>], vector<16xf32>,
      %mul3A_1195 = arith.constant 16 : i32
      %mul3A_1196 = arith.muli %scan3A_947, %mul3A_1195 : i32
      %swap3A_1197 = arith.constant 15 : i32
      %swap3A_1198 = arith.index_cast %and3A_583 : i32 to index
      %swap3A_1199 = arith.index_cast %swap3A_1197 : i32 to index
      %swap3A_1200 = arith.index_cast %mul3A_1196 : i32 to index
      %swap3A_1201 = tpu.vector_load %arg9[%swap3A_1198, %swap3A_1199, %swap3A_1200] {strides = array<i32>} : memref<4x16x128xf32, #tpu.memory_space<vmem>>, vector<16xf32>,
      tpu.vector_store %arg9[%swap3A_1198, %swap3A_1199, %swap3A_1200], %gather3A_1194 {strides = array<i32>} : memref<4x16x128xf32, #tpu.memory_space<vmem>>, vector<16xf32>,
    }
    %scan3A_608 = arith.constant 8 : i32
    %dma_start3A_609 = arith.constant 0 : i32
    %dma_start3A_610 = arith.constant 0 : i32
    %dma_start3A_611 = arith.constant 0 : i32
    %dma_start3A_612 = tpu.memref_slice %arg9[%and3A_583, %dma_start3A_610, %dma_start3A_611] : memref<4x16x128xf32, #tpu.memory_space<vmem>> -> memref<1x8x128xf32, #tpu.memory_space<vmem>>
    %dma_start3A_613 = tpu.memref_squeeze %dma_start3A_612 : memref<1x8x128xf32, #tpu.memory_space<vmem>> -> memref<8x128xf32, #tpu.memory_space<vmem>>
    %dma_start3A_614 = arith.constant 0 : i32
    %dma_start3A_615 = arith.constant 0 : i32
    %dma_start3A_616 = tpu.memref_slice %arg4[%shift_right_logical3A_577, %dma_start3A_609, %add3A_586, %dma_start3A_614, %dma_start3A_615] : memref<26x2x128x8x128xf32, #tpu.memory_space<hbm>> -> memref<1x1x1x8x128xf32, #tpu.memory_space<hbm>>
    %dma_start3A_617 = tpu.memref_squeeze %dma_start3A_616 : memref<1x1x1x8x128xf32, #tpu.memory_space<hbm>> -> memref<8x128xf32, #tpu.memory_space<hbm>>
    %dma_start3A_618 = arith.constant 0 : i32
    %dma_start3A_619 = arith.constant 0 : i32
    %dma_start3A_620 = tpu.memref_slice %arg4[%shift_right_logical3A_577, %dma_start3A_609, %add3A_586, %dma_start3A_618, %dma_start3A_619] : memref<26x2x128x8x128xf32, #tpu.memory_space<hbm>> -> memref<1x1x1x8x128xf32, #tpu.memory_space<hbm>>
    %dma_start3A_621 = tpu.memref_squeeze %dma_start3A_620 : memref<1x1x1x8x128xf32, #tpu.memory_space<hbm>> -> memref<8x128xf32, #tpu.memory_space<hbm>>
    %dma_start3A_622 = arith.constant 0 : i32
    %dma_start3A_623 = arith.constant 0 : i32
    %dma_start3A_624 = tpu.memref_slice %arg9[%and3A_583, %dma_start3A_622, %dma_start3A_623] : memref<4x16x128xf32, #tpu.memory_space<vmem>> -> memref<1x8x128xf32, #tpu.memory_space<vmem>>
    %dma_start3A_625 = tpu.memref_squeeze %dma_start3A_624 : memref<1x8x128xf32, #tpu.memory_space<vmem>> -> memref<8x128xf32, #tpu.memory_space<vmem>>
    tpu.enqueue_dma source(%dma_start3A_625 : memref<8x128xf32, #tpu.memory_space<vmem>>) target(%dma_start3A_621 : memref<8x128xf32, #tpu.memory_space<hbm>>) target_semaphore(%arg11 : memref<!tpu.dma_semaphore, #tpu.memory_space<semaphore_mem>>)
    %dma_start3A_626 = arith.constant 1 : i32
    %dma_start3A_627 = arith.constant 8 : i32
    %dma_start3A_628 = arith.constant 0 : i32
    %dma_start3A_629 = tpu.memref_slice %arg9[%and3A_583, %dma_start3A_627, %dma_start3A_628] : memref<4x16x128xf32, #tpu.memory_space<vmem>> -> memref<1x8x128xf32, #tpu.memory_space<vmem>>
    %dma_start3A_630 = tpu.memref_squeeze %dma_start3A_629 : memref<1x8x128xf32, #tpu.memory_space<vmem>> -> memref<8x128xf32, #tpu.memory_space<vmem>>
    %dma_start3A_631 = arith.constant 0 : i32
    %dma_start3A_632 = arith.constant 0 : i32
    %dma_start3A_633 = tpu.memref_slice %arg4[%shift_right_logical3A_577, %dma_start3A_626, %add3A_586, %dma_start3A_631, %dma_start3A_632] : memref<26x2x128x8x128xf32, #tpu.memory_space<hbm>> -> memref<1x1x1x8x128xf32, #tpu.memory_space<hbm>>
    %dma_start3A_634 = tpu.memref_squeeze %dma_start3A_633 : memref<1x1x1x8x128xf32, #tpu.memory_space<hbm>> -> memref<8x128xf32, #tpu.memory_space<hbm>>
    %dma_start3A_635 = arith.constant 0 : i32
    %dma_start3A_636 = arith.constant 0 : i32
    %dma_start3A_637 = tpu.memref_slice %arg4[%shift_right_logical3A_577, %dma_start3A_626, %add3A_586, %dma_start3A_635, %dma_start3A_636] : memref<26x2x128x8x128xf32, #tpu.memory_space<hbm>> -> memref<1x1x1x8x128xf32, #tpu.memory_space<hbm>>
    %dma_start3A_638 = tpu.memref_squeeze %dma_start3A_637 : memref<1x1x1x8x128xf32, #tpu.memory_space<hbm>> -> memref<8x128xf32, #tpu.memory_space<hbm>>
    %dma_start3A_639 = arith.constant 8 : i32
    %dma_start3A_640 = arith.constant 0 : i32
    %dma_start3A_641 = tpu.memref_slice %arg9[%and3A_583, %dma_start3A_639, %dma_start3A_640] : memref<4x16x128xf32, #tpu.memory_space<vmem>> -> memref<1x8x128xf32, #tpu.memory_space<vmem>>
    %dma_start3A_642 = tpu.memref_squeeze %dma_start3A_641 : memref<1x8x128xf32, #tpu.memory_space<vmem>> -> memref<8x128xf32, #tpu.memory_space<vmem>>
    tpu.enqueue_dma source(%dma_start3A_642 : memref<8x128xf32, #tpu.memory_space<vmem>>) target(%dma_start3A_638 : memref<8x128xf32, #tpu.memory_space<hbm>>) target_semaphore(%arg11 : memref<!tpu.dma_semaphore, #tpu.memory_space<semaphore_mem>>)
    %shift_right_logical3A_643 = arith.constant 102 : i32
    %shift_right_logical3A_644 = arith.constant 2 : i32
    %shift_right_logical3A_645 = arith.shrui %shift_right_logical3A_643, %shift_right_logical3A_644 : i32
    %and3A_646 = arith.constant 102 : i32
    %and3A_647 = arith.constant 3 : i32
    %and3A_648 = arith.andi %and3A_646, %and3A_647 : i32
    %and3A_649 = arith.constant 102 : i32
    %and3A_650 = arith.constant 3 : i32
    %and3A_651 = arith.andi %and3A_649, %and3A_650 : i32
    %mul3A_652 = arith.constant 4 : i32
    %mul3A_653 = arith.muli %add3A, %mul3A_652 : i32
    %add3A_654 = arith.addi %mul3A_653, %and3A_648 : i32
    %dma_wait3A_655 = arith.constant 0 : i32
    %dma_wait3A_656 = arith.constant 0 : i32
    %dma_wait3A_657 = tpu.memref_slice %arg8[%and3A_651, %dma_wait3A_655, %dma_wait3A_656] : memref<4x128x128xf32, #tpu.memory_space<vmem>> -> memref<1x128x128xf32, #tpu.memory_space<vmem>>
    %dma_wait3A_658 = tpu.memref_squeeze %dma_wait3A_657 : memref<1x128x128xf32, #tpu.memory_space<vmem>> -> memref<128x128xf32, #tpu.memory_space<vmem>>
    %dma_wait3A_659 = arith.constant 0 : i32
    %dma_wait3A_660 = arith.constant 0 : i32
    %dma_wait3A_661 = tpu.memref_slice %arg3[%dma_wait3A_659, %dma_wait3A_660] : memref<325000x128xf32, #tpu.memory_space<hbm>> -> memref<128x128xf32, #tpu.memory_space<hbm>>
    %dma_wait3A_662 = arith.constant 0 : i32
    %dma_wait3A_663 = arith.constant 0 : i32
    %dma_wait3A_664 = tpu.memref_slice %arg8[%and3A_651, %dma_wait3A_662, %dma_wait3A_663] : memref<4x128x128xf32, #tpu.memory_space<vmem>> -> memref<1x128x128xf32, #tpu.memory_space<vmem>>
    %dma_wait3A_665 = tpu.memref_squeeze %dma_wait3A_664 : memref<1x128x128xf32, #tpu.memory_space<vmem>> -> memref<128x128xf32, #tpu.memory_space<vmem>>
    %dma_wait3A_666 = arith.constant 0 : i32
    %dma_wait3A_667 = arith.constant 0 : i32
    %dma_wait3A_668 = tpu.memref_slice %arg3[%dma_wait3A_666, %dma_wait3A_667] : memref<325000x128xf32, #tpu.memory_space<hbm>> -> memref<128x128xf32, #tpu.memory_space<hbm>>
    tpu.wait_dma2 semaphore(%arg10 : memref<!tpu.dma_semaphore, #tpu.memory_space<semaphore_mem>>) src(%dma_wait3A_668 : memref<128x128xf32, #tpu.memory_space<hbm>>) dst(%dma_wait3A_665 : memref<128x128xf32, #tpu.memory_space<vmem>>)
    %ge3A_669 = arith.constant 102 : i32
    %ge3A_670 = arith.constant 4 : i32
    %ge3A_671 = arith.cmpi sge, %ge3A_669, %ge3A_670 : i32
    %convert_element_type3A_672 = arith.extui %ge3A_671 : i1 to i32
    %cond3A_673 = arith.constant 0 : i32
    %cond3A_674 = arith.cmpi ne, %convert_element_type3A_672, %cond3A_673 : i32
    scf.if %cond3A_674 {
      %dma_wait3A_947 = arith.constant 0 : i32
      %dma_wait3A_948 = arith.constant 0 : i32
      %dma_wait3A_949 = arith.constant 0 : i32
      %dma_wait3A_950 = arith.constant 0 : i32
      %dma_wait3A_951 = arith.constant 0 : i32
      %dma_wait3A_952 = tpu.memref_slice %arg9[%and3A_651, %dma_wait3A_950, %dma_wait3A_951] : memref<4x16x128xf32, #tpu.memory_space<vmem>> -> memref<1x8x128xf32, #tpu.memory_space<vmem>>
      %dma_wait3A_953 = tpu.memref_squeeze %dma_wait3A_952 : memref<1x8x128xf32, #tpu.memory_space<vmem>> -> memref<8x128xf32, #tpu.memory_space<vmem>>
      %dma_wait3A_954 = arith.constant 0 : i32
      %dma_wait3A_955 = arith.constant 0 : i32
      %dma_wait3A_956 = tpu.memref_slice %arg4[%dma_wait3A_947, %dma_wait3A_948, %dma_wait3A_949, %dma_wait3A_954, %dma_wait3A_955] : memref<26x2x128x8x128xf32, #tpu.memory_space<hbm>> -> memref<1x1x1x8x128xf32, #tpu.memory_space<hbm>>
      %dma_wait3A_957 = tpu.memref_squeeze %dma_wait3A_956 : memref<1x1x1x8x128xf32, #tpu.memory_space<hbm>> -> memref<8x128xf32, #tpu.memory_space<hbm>>
      %dma_wait3A_958 = arith.constant 0 : i32
      %dma_wait3A_959 = arith.constant 0 : i32
      %dma_wait3A_960 = tpu.memref_slice %arg9[%and3A_651, %dma_wait3A_958, %dma_wait3A_959] : memref<4x16x128xf32, #tpu.memory_space<vmem>> -> memref<1x8x128xf32, #tpu.memory_space<vmem>>
      %dma_wait3A_961 = tpu.memref_squeeze %dma_wait3A_960 : memref<1x8x128xf32, #tpu.memory_space<vmem>> -> memref<8x128xf32, #tpu.memory_space<vmem>>
      %dma_wait3A_962 = arith.constant 0 : i32
      %dma_wait3A_963 = arith.constant 0 : i32
      %dma_wait3A_964 = tpu.memref_slice %arg4[%dma_wait3A_947, %dma_wait3A_948, %dma_wait3A_949, %dma_wait3A_962, %dma_wait3A_963] : memref<26x2x128x8x128xf32, #tpu.memory_space<hbm>> -> memref<1x1x1x8x128xf32, #tpu.memory_space<hbm>>
      %dma_wait3A_965 = tpu.memref_squeeze %dma_wait3A_964 : memref<1x1x1x8x128xf32, #tpu.memory_space<hbm>> -> memref<8x128xf32, #tpu.memory_space<hbm>>
      tpu.wait_dma2 semaphore(%arg11 : memref<!tpu.dma_semaphore, #tpu.memory_space<semaphore_mem>>) src(%dma_wait3A_965 : memref<8x128xf32, #tpu.memory_space<hbm>>) dst(%dma_wait3A_961 : memref<8x128xf32, #tpu.memory_space<vmem>>)
      %dma_wait3A_966 = arith.constant 0 : i32
      %dma_wait3A_967 = arith.constant 0 : i32
      %dma_wait3A_968 = arith.constant 0 : i32
      %dma_wait3A_969 = arith.constant 8 : i32
      %dma_wait3A_970 = arith.constant 0 : i32
      %dma_wait3A_971 = tpu.memref_slice %arg9[%and3A_651, %dma_wait3A_969, %dma_wait3A_970] : memref<4x16x128xf32, #tpu.memory_space<vmem>> -> memref<1x8x128xf32, #tpu.memory_space<vmem>>
      %dma_wait3A_972 = tpu.memref_squeeze %dma_wait3A_971 : memref<1x8x128xf32, #tpu.memory_space<vmem>> -> memref<8x128xf32, #tpu.memory_space<vmem>>
      %dma_wait3A_973 = arith.constant 0 : i32
      %dma_wait3A_974 = arith.constant 0 : i32
      %dma_wait3A_975 = tpu.memref_slice %arg4[%dma_wait3A_966, %dma_wait3A_967, %dma_wait3A_968, %dma_wait3A_973, %dma_wait3A_974] : memref<26x2x128x8x128xf32, #tpu.memory_space<hbm>> -> memref<1x1x1x8x128xf32, #tpu.memory_space<hbm>>
      %dma_wait3A_976 = tpu.memref_squeeze %dma_wait3A_975 : memref<1x1x1x8x128xf32, #tpu.memory_space<hbm>> -> memref<8x128xf32, #tpu.memory_space<hbm>>
      %dma_wait3A_977 = arith.constant 8 : i32
      %dma_wait3A_978 = arith.constant 0 : i32
      %dma_wait3A_979 = tpu.memref_slice %arg9[%and3A_651, %dma_wait3A_977, %dma_wait3A_978] : memref<4x16x128xf32, #tpu.memory_space<vmem>> -> memref<1x8x128xf32, #tpu.memory_space<vmem>>
      %dma_wait3A_980 = tpu.memref_squeeze %dma_wait3A_979 : memref<1x8x128xf32, #tpu.memory_space<vmem>> -> memref<8x128xf32, #tpu.memory_space<vmem>>
      %dma_wait3A_981 = arith.constant 0 : i32
      %dma_wait3A_982 = arith.constant 0 : i32
      %dma_wait3A_983 = tpu.memref_slice %arg4[%dma_wait3A_966, %dma_wait3A_967, %dma_wait3A_968, %dma_wait3A_981, %dma_wait3A_982] : memref<26x2x128x8x128xf32, #tpu.memory_space<hbm>> -> memref<1x1x1x8x128xf32, #tpu.memory_space<hbm>>
      %dma_wait3A_984 = tpu.memref_squeeze %dma_wait3A_983 : memref<1x1x1x8x128xf32, #tpu.memory_space<hbm>> -> memref<8x128xf32, #tpu.memory_space<hbm>>
      tpu.wait_dma2 semaphore(%arg11 : memref<!tpu.dma_semaphore, #tpu.memory_space<semaphore_mem>>) src(%dma_wait3A_984 : memref<8x128xf32, #tpu.memory_space<hbm>>) dst(%dma_wait3A_980 : memref<8x128xf32, #tpu.memory_space<vmem>>)
    } else {
    }
    %scan3A_675 = arith.constant 0 : i32
    %scan3A_676 = arith.constant 0 : i32
    %scan3A_677 = arith.constant 8 : i32
    %scan3A_678 = arith.addi %scan3A_676, %scan3A_677 : i32
    %scan3A_679 = arith.constant 1 : i32
    scf.for %scan3A_947 = %scan3A_676 to %scan3A_678 step %scan3A_679  : i32 {
      %mul3A_948 = arith.constant 16 : i32
      %mul3A_949 = arith.muli %scan3A_947, %mul3A_948 : i32
      %get3A = arith.index_cast %and3A_651 : i32 to index
      %get3A_950 = arith.index_cast %mul3A_949 : i32 to index
      %get3A_951 = tpu.vector_load %arg6[%get3A, %get3A_950] {strides = array<i32>} : memref<4x128xi32, #tpu.memory_space<vmem>>, vector<16xi32>,
      %and3A_952 = arith.constant 7 : i32
      %and3A_953 = vector.broadcast %and3A_952 : i32 to vector<16xi32>
      %and3A_954 = arith.andi %get3A_951, %and3A_953 : vector<16xi32>
      %mul3A_955 = arith.constant 16 : i32
      %mul3A_956 = vector.broadcast %mul3A_955 : i32 to vector<16xi32>
      %mul3A_957 = arith.muli %and3A_954, %mul3A_956 : vector<16xi32>
      %mul3A_958 = arith.constant 16 : i32
      %mul3A_959 = arith.muli %scan3A_947, %mul3A_958 : i32
      %add3A_960 = vector.broadcast %mul3A_959 : i32 to vector<16xi32>
      %add3A_961 = arith.addi %iota3A, %add3A_960 : vector<16xi32>
      %add3A_962 = arith.constant 0 : i32
      %add3A_963 = vector.broadcast %add3A_962 : i32 to vector<16xi32>
      %add3A_964 = arith.addi %mul3A_957, %add3A_963 : vector<16xi32>
      %gather3A_965 = arith.constant 0 : i32
      %gather3A_966 = arith.constant 0 : i32
      %gather3A_967 = tpu.memref_slice %arg8[%and3A_651, %gather3A_965, %gather3A_966] : memref<4x128x128xf32, #tpu.memory_space<vmem>> -> memref<1x128x128xf32, #tpu.memory_space<vmem>>
      %gather3A_968 = tpu.memref_squeeze %gather3A_967 : memref<1x128x128xf32, #tpu.memory_space<vmem>> -> memref<128x128xf32, #tpu.memory_space<vmem>>
      %gather3A_969 = tpu.vector_load_idx %gather3A_968[%add3A_961, %add3A_964] : memref<128x128xf32, #tpu.memory_space<vmem>>[vector<16xi32>, vector<16xi32>], vector<16xf32>,
      %mul3A_970 = arith.constant 16 : i32
      %mul3A_971 = arith.muli %scan3A_947, %mul3A_970 : i32
      %swap3A_972 = arith.constant 0 : i32
      %swap3A_973 = arith.index_cast %and3A_651 : i32 to index
      %swap3A_974 = arith.index_cast %swap3A_972 : i32 to index
      %swap3A_975 = arith.index_cast %mul3A_971 : i32 to index
      %swap3A_976 = tpu.vector_load %arg9[%swap3A_973, %swap3A_974, %swap3A_975] {strides = array<i32>} : memref<4x16x128xf32, #tpu.memory_space<vmem>>, vector<16xf32>,
      tpu.vector_store %arg9[%swap3A_973, %swap3A_974, %swap3A_975], %gather3A_969 {strides = array<i32>} : memref<4x16x128xf32, #tpu.memory_space<vmem>>, vector<16xf32>,
      %add3A_977 = arith.constant 1 : i32
      %add3A_978 = vector.broadcast %add3A_977 : i32 to vector<16xi32>
      %add3A_979 = arith.addi %mul3A_957, %add3A_978 : vector<16xi32>
      %gather3A_980 = arith.constant 0 : i32
      %gather3A_981 = arith.constant 0 : i32
      %gather3A_982 = tpu.memref_slice %arg8[%and3A_651, %gather3A_980, %gather3A_981] : memref<4x128x128xf32, #tpu.memory_space<vmem>> -> memref<1x128x128xf32, #tpu.memory_space<vmem>>
      %gather3A_983 = tpu.memref_squeeze %gather3A_982 : memref<1x128x128xf32, #tpu.memory_space<vmem>> -> memref<128x128xf32, #tpu.memory_space<vmem>>
      %gather3A_984 = tpu.vector_load_idx %gather3A_983[%add3A_961, %add3A_979] : memref<128x128xf32, #tpu.memory_space<vmem>>[vector<16xi32>, vector<16xi32>], vector<16xf32>,
      %mul3A_985 = arith.constant 16 : i32
      %mul3A_986 = arith.muli %scan3A_947, %mul3A_985 : i32
      %swap3A_987 = arith.constant 1 : i32
      %swap3A_988 = arith.index_cast %and3A_651 : i32 to index
      %swap3A_989 = arith.index_cast %swap3A_987 : i32 to index
      %swap3A_990 = arith.index_cast %mul3A_986 : i32 to index
      %swap3A_991 = tpu.vector_load %arg9[%swap3A_988, %swap3A_989, %swap3A_990] {strides = array<i32>} : memref<4x16x128xf32, #tpu.memory_space<vmem>>, vector<16xf32>,
      tpu.vector_store %arg9[%swap3A_988, %swap3A_989, %swap3A_990], %gather3A_984 {strides = array<i32>} : memref<4x16x128xf32, #tpu.memory_space<vmem>>, vector<16xf32>,
      %add3A_992 = arith.constant 2 : i32
      %add3A_993 = vector.broadcast %add3A_992 : i32 to vector<16xi32>
      %add3A_994 = arith.addi %mul3A_957, %add3A_993 : vector<16xi32>
      %gather3A_995 = arith.constant 0 : i32
      %gather3A_996 = arith.constant 0 : i32
      %gather3A_997 = tpu.memref_slice %arg8[%and3A_651, %gather3A_995, %gather3A_996] : memref<4x128x128xf32, #tpu.memory_space<vmem>> -> memref<1x128x128xf32, #tpu.memory_space<vmem>>
      %gather3A_998 = tpu.memref_squeeze %gather3A_997 : memref<1x128x128xf32, #tpu.memory_space<vmem>> -> memref<128x128xf32, #tpu.memory_space<vmem>>
      %gather3A_999 = tpu.vector_load_idx %gather3A_998[%add3A_961, %add3A_994] : memref<128x128xf32, #tpu.memory_space<vmem>>[vector<16xi32>, vector<16xi32>], vector<16xf32>,
      %mul3A_1000 = arith.constant 16 : i32
      %mul3A_1001 = arith.muli %scan3A_947, %mul3A_1000 : i32
      %swap3A_1002 = arith.constant 2 : i32
      %swap3A_1003 = arith.index_cast %and3A_651 : i32 to index
      %swap3A_1004 = arith.index_cast %swap3A_1002 : i32 to index
      %swap3A_1005 = arith.index_cast %mul3A_1001 : i32 to index
      %swap3A_1006 = tpu.vector_load %arg9[%swap3A_1003, %swap3A_1004, %swap3A_1005] {strides = array<i32>} : memref<4x16x128xf32, #tpu.memory_space<vmem>>, vector<16xf32>,
      tpu.vector_store %arg9[%swap3A_1003, %swap3A_1004, %swap3A_1005], %gather3A_999 {strides = array<i32>} : memref<4x16x128xf32, #tpu.memory_space<vmem>>, vector<16xf32>,
      %add3A_1007 = arith.constant 3 : i32
      %add3A_1008 = vector.broadcast %add3A_1007 : i32 to vector<16xi32>
      %add3A_1009 = arith.addi %mul3A_957, %add3A_1008 : vector<16xi32>
      %gather3A_1010 = arith.constant 0 : i32
      %gather3A_1011 = arith.constant 0 : i32
      %gather3A_1012 = tpu.memref_slice %arg8[%and3A_651, %gather3A_1010, %gather3A_1011] : memref<4x128x128xf32, #tpu.memory_space<vmem>> -> memref<1x128x128xf32, #tpu.memory_space<vmem>>
      %gather3A_1013 = tpu.memref_squeeze %gather3A_1012 : memref<1x128x128xf32, #tpu.memory_space<vmem>> -> memref<128x128xf32, #tpu.memory_space<vmem>>
      %gather3A_1014 = tpu.vector_load_idx %gather3A_1013[%add3A_961, %add3A_1009] : memref<128x128xf32, #tpu.memory_space<vmem>>[vector<16xi32>, vector<16xi32>], vector<16xf32>,
      %mul3A_1015 = arith.constant 16 : i32
      %mul3A_1016 = arith.muli %scan3A_947, %mul3A_1015 : i32
      %swap3A_1017 = arith.constant 3 : i32
      %swap3A_1018 = arith.index_cast %and3A_651 : i32 to index
      %swap3A_1019 = arith.index_cast %swap3A_1017 : i32 to index
      %swap3A_1020 = arith.index_cast %mul3A_1016 : i32 to index
      %swap3A_1021 = tpu.vector_load %arg9[%swap3A_1018, %swap3A_1019, %swap3A_1020] {strides = array<i32>} : memref<4x16x128xf32, #tpu.memory_space<vmem>>, vector<16xf32>,
      tpu.vector_store %arg9[%swap3A_1018, %swap3A_1019, %swap3A_1020], %gather3A_1014 {strides = array<i32>} : memref<4x16x128xf32, #tpu.memory_space<vmem>>, vector<16xf32>,
      %add3A_1022 = arith.constant 4 : i32
      %add3A_1023 = vector.broadcast %add3A_1022 : i32 to vector<16xi32>
      %add3A_1024 = arith.addi %mul3A_957, %add3A_1023 : vector<16xi32>
      %gather3A_1025 = arith.constant 0 : i32
      %gather3A_1026 = arith.constant 0 : i32
      %gather3A_1027 = tpu.memref_slice %arg8[%and3A_651, %gather3A_1025, %gather3A_1026] : memref<4x128x128xf32, #tpu.memory_space<vmem>> -> memref<1x128x128xf32, #tpu.memory_space<vmem>>
      %gather3A_1028 = tpu.memref_squeeze %gather3A_1027 : memref<1x128x128xf32, #tpu.memory_space<vmem>> -> memref<128x128xf32, #tpu.memory_space<vmem>>
      %gather3A_1029 = tpu.vector_load_idx %gather3A_1028[%add3A_961, %add3A_1024] : memref<128x128xf32, #tpu.memory_space<vmem>>[vector<16xi32>, vector<16xi32>], vector<16xf32>,
      %mul3A_1030 = arith.constant 16 : i32
      %mul3A_1031 = arith.muli %scan3A_947, %mul3A_1030 : i32
      %swap3A_1032 = arith.constant 4 : i32
      %swap3A_1033 = arith.index_cast %and3A_651 : i32 to index
      %swap3A_1034 = arith.index_cast %swap3A_1032 : i32 to index
      %swap3A_1035 = arith.index_cast %mul3A_1031 : i32 to index
      %swap3A_1036 = tpu.vector_load %arg9[%swap3A_1033, %swap3A_1034, %swap3A_1035] {strides = array<i32>} : memref<4x16x128xf32, #tpu.memory_space<vmem>>, vector<16xf32>,
      tpu.vector_store %arg9[%swap3A_1033, %swap3A_1034, %swap3A_1035], %gather3A_1029 {strides = array<i32>} : memref<4x16x128xf32, #tpu.memory_space<vmem>>, vector<16xf32>,
      %add3A_1037 = arith.constant 5 : i32
      %add3A_1038 = vector.broadcast %add3A_1037 : i32 to vector<16xi32>
      %add3A_1039 = arith.addi %mul3A_957, %add3A_1038 : vector<16xi32>
      %gather3A_1040 = arith.constant 0 : i32
      %gather3A_1041 = arith.constant 0 : i32
      %gather3A_1042 = tpu.memref_slice %arg8[%and3A_651, %gather3A_1040, %gather3A_1041] : memref<4x128x128xf32, #tpu.memory_space<vmem>> -> memref<1x128x128xf32, #tpu.memory_space<vmem>>
      %gather3A_1043 = tpu.memref_squeeze %gather3A_1042 : memref<1x128x128xf32, #tpu.memory_space<vmem>> -> memref<128x128xf32, #tpu.memory_space<vmem>>
      %gather3A_1044 = tpu.vector_load_idx %gather3A_1043[%add3A_961, %add3A_1039] : memref<128x128xf32, #tpu.memory_space<vmem>>[vector<16xi32>, vector<16xi32>], vector<16xf32>,
      %mul3A_1045 = arith.constant 16 : i32
      %mul3A_1046 = arith.muli %scan3A_947, %mul3A_1045 : i32
      %swap3A_1047 = arith.constant 5 : i32
      %swap3A_1048 = arith.index_cast %and3A_651 : i32 to index
      %swap3A_1049 = arith.index_cast %swap3A_1047 : i32 to index
      %swap3A_1050 = arith.index_cast %mul3A_1046 : i32 to index
      %swap3A_1051 = tpu.vector_load %arg9[%swap3A_1048, %swap3A_1049, %swap3A_1050] {strides = array<i32>} : memref<4x16x128xf32, #tpu.memory_space<vmem>>, vector<16xf32>,
      tpu.vector_store %arg9[%swap3A_1048, %swap3A_1049, %swap3A_1050], %gather3A_1044 {strides = array<i32>} : memref<4x16x128xf32, #tpu.memory_space<vmem>>, vector<16xf32>,
      %add3A_1052 = arith.constant 6 : i32
      %add3A_1053 = vector.broadcast %add3A_1052 : i32 to vector<16xi32>
      %add3A_1054 = arith.addi %mul3A_957, %add3A_1053 : vector<16xi32>
      %gather3A_1055 = arith.constant 0 : i32
      %gather3A_1056 = arith.constant 0 : i32
      %gather3A_1057 = tpu.memref_slice %arg8[%and3A_651, %gather3A_1055, %gather3A_1056] : memref<4x128x128xf32, #tpu.memory_space<vmem>> -> memref<1x128x128xf32, #tpu.memory_space<vmem>>
      %gather3A_1058 = tpu.memref_squeeze %gather3A_1057 : memref<1x128x128xf32, #tpu.memory_space<vmem>> -> memref<128x128xf32, #tpu.memory_space<vmem>>
      %gather3A_1059 = tpu.vector_load_idx %gather3A_1058[%add3A_961, %add3A_1054] : memref<128x128xf32, #tpu.memory_space<vmem>>[vector<16xi32>, vector<16xi32>], vector<16xf32>,
      %mul3A_1060 = arith.constant 16 : i32
      %mul3A_1061 = arith.muli %scan3A_947, %mul3A_1060 : i32
      %swap3A_1062 = arith.constant 6 : i32
      %swap3A_1063 = arith.index_cast %and3A_651 : i32 to index
      %swap3A_1064 = arith.index_cast %swap3A_1062 : i32 to index
      %swap3A_1065 = arith.index_cast %mul3A_1061 : i32 to index
      %swap3A_1066 = tpu.vector_load %arg9[%swap3A_1063, %swap3A_1064, %swap3A_1065] {strides = array<i32>} : memref<4x16x128xf32, #tpu.memory_space<vmem>>, vector<16xf32>,
      tpu.vector_store %arg9[%swap3A_1063, %swap3A_1064, %swap3A_1065], %gather3A_1059 {strides = array<i32>} : memref<4x16x128xf32, #tpu.memory_space<vmem>>, vector<16xf32>,
      %add3A_1067 = arith.constant 7 : i32
      %add3A_1068 = vector.broadcast %add3A_1067 : i32 to vector<16xi32>
      %add3A_1069 = arith.addi %mul3A_957, %add3A_1068 : vector<16xi32>
      %gather3A_1070 = arith.constant 0 : i32
      %gather3A_1071 = arith.constant 0 : i32
      %gather3A_1072 = tpu.memref_slice %arg8[%and3A_651, %gather3A_1070, %gather3A_1071] : memref<4x128x128xf32, #tpu.memory_space<vmem>> -> memref<1x128x128xf32, #tpu.memory_space<vmem>>
      %gather3A_1073 = tpu.memref_squeeze %gather3A_1072 : memref<1x128x128xf32, #tpu.memory_space<vmem>> -> memref<128x128xf32, #tpu.memory_space<vmem>>
      %gather3A_1074 = tpu.vector_load_idx %gather3A_1073[%add3A_961, %add3A_1069] : memref<128x128xf32, #tpu.memory_space<vmem>>[vector<16xi32>, vector<16xi32>], vector<16xf32>,
      %mul3A_1075 = arith.constant 16 : i32
      %mul3A_1076 = arith.muli %scan3A_947, %mul3A_1075 : i32
      %swap3A_1077 = arith.constant 7 : i32
      %swap3A_1078 = arith.index_cast %and3A_651 : i32 to index
      %swap3A_1079 = arith.index_cast %swap3A_1077 : i32 to index
      %swap3A_1080 = arith.index_cast %mul3A_1076 : i32 to index
      %swap3A_1081 = tpu.vector_load %arg9[%swap3A_1078, %swap3A_1079, %swap3A_1080] {strides = array<i32>} : memref<4x16x128xf32, #tpu.memory_space<vmem>>, vector<16xf32>,
      tpu.vector_store %arg9[%swap3A_1078, %swap3A_1079, %swap3A_1080], %gather3A_1074 {strides = array<i32>} : memref<4x16x128xf32, #tpu.memory_space<vmem>>, vector<16xf32>,
      %add3A_1082 = arith.constant 8 : i32
      %add3A_1083 = vector.broadcast %add3A_1082 : i32 to vector<16xi32>
      %add3A_1084 = arith.addi %mul3A_957, %add3A_1083 : vector<16xi32>
      %gather3A_1085 = arith.constant 0 : i32
      %gather3A_1086 = arith.constant 0 : i32
      %gather3A_1087 = tpu.memref_slice %arg8[%and3A_651, %gather3A_1085, %gather3A_1086] : memref<4x128x128xf32, #tpu.memory_space<vmem>> -> memref<1x128x128xf32, #tpu.memory_space<vmem>>
      %gather3A_1088 = tpu.memref_squeeze %gather3A_1087 : memref<1x128x128xf32, #tpu.memory_space<vmem>> -> memref<128x128xf32, #tpu.memory_space<vmem>>
      %gather3A_1089 = tpu.vector_load_idx %gather3A_1088[%add3A_961, %add3A_1084] : memref<128x128xf32, #tpu.memory_space<vmem>>[vector<16xi32>, vector<16xi32>], vector<16xf32>,
      %mul3A_1090 = arith.constant 16 : i32
      %mul3A_1091 = arith.muli %scan3A_947, %mul3A_1090 : i32
      %swap3A_1092 = arith.constant 8 : i32
      %swap3A_1093 = arith.index_cast %and3A_651 : i32 to index
      %swap3A_1094 = arith.index_cast %swap3A_1092 : i32 to index
      %swap3A_1095 = arith.index_cast %mul3A_1091 : i32 to index
      %swap3A_1096 = tpu.vector_load %arg9[%swap3A_1093, %swap3A_1094, %swap3A_1095] {strides = array<i32>} : memref<4x16x128xf32, #tpu.memory_space<vmem>>, vector<16xf32>,
      tpu.vector_store %arg9[%swap3A_1093, %swap3A_1094, %swap3A_1095], %gather3A_1089 {strides = array<i32>} : memref<4x16x128xf32, #tpu.memory_space<vmem>>, vector<16xf32>,
      %add3A_1097 = arith.constant 9 : i32
      %add3A_1098 = vector.broadcast %add3A_1097 : i32 to vector<16xi32>
      %add3A_1099 = arith.addi %mul3A_957, %add3A_1098 : vector<16xi32>
      %gather3A_1100 = arith.constant 0 : i32
      %gather3A_1101 = arith.constant 0 : i32
      %gather3A_1102 = tpu.memref_slice %arg8[%and3A_651, %gather3A_1100, %gather3A_1101] : memref<4x128x128xf32, #tpu.memory_space<vmem>> -> memref<1x128x128xf32, #tpu.memory_space<vmem>>
      %gather3A_1103 = tpu.memref_squeeze %gather3A_1102 : memref<1x128x128xf32, #tpu.memory_space<vmem>> -> memref<128x128xf32, #tpu.memory_space<vmem>>
      %gather3A_1104 = tpu.vector_load_idx %gather3A_1103[%add3A_961, %add3A_1099] : memref<128x128xf32, #tpu.memory_space<vmem>>[vector<16xi32>, vector<16xi32>], vector<16xf32>,
      %mul3A_1105 = arith.constant 16 : i32
      %mul3A_1106 = arith.muli %scan3A_947, %mul3A_1105 : i32
      %swap3A_1107 = arith.constant 9 : i32
      %swap3A_1108 = arith.index_cast %and3A_651 : i32 to index
      %swap3A_1109 = arith.index_cast %swap3A_1107 : i32 to index
      %swap3A_1110 = arith.index_cast %mul3A_1106 : i32 to index
      %swap3A_1111 = tpu.vector_load %arg9[%swap3A_1108, %swap3A_1109, %swap3A_1110] {strides = array<i32>} : memref<4x16x128xf32, #tpu.memory_space<vmem>>, vector<16xf32>,
      tpu.vector_store %arg9[%swap3A_1108, %swap3A_1109, %swap3A_1110], %gather3A_1104 {strides = array<i32>} : memref<4x16x128xf32, #tpu.memory_space<vmem>>, vector<16xf32>,
      %add3A_1112 = arith.constant 10 : i32
      %add3A_1113 = vector.broadcast %add3A_1112 : i32 to vector<16xi32>
      %add3A_1114 = arith.addi %mul3A_957, %add3A_1113 : vector<16xi32>
      %gather3A_1115 = arith.constant 0 : i32
      %gather3A_1116 = arith.constant 0 : i32
      %gather3A_1117 = tpu.memref_slice %arg8[%and3A_651, %gather3A_1115, %gather3A_1116] : memref<4x128x128xf32, #tpu.memory_space<vmem>> -> memref<1x128x128xf32, #tpu.memory_space<vmem>>
      %gather3A_1118 = tpu.memref_squeeze %gather3A_1117 : memref<1x128x128xf32, #tpu.memory_space<vmem>> -> memref<128x128xf32, #tpu.memory_space<vmem>>
      %gather3A_1119 = tpu.vector_load_idx %gather3A_1118[%add3A_961, %add3A_1114] : memref<128x128xf32, #tpu.memory_space<vmem>>[vector<16xi32>, vector<16xi32>], vector<16xf32>,
      %mul3A_1120 = arith.constant 16 : i32
      %mul3A_1121 = arith.muli %scan3A_947, %mul3A_1120 : i32
      %swap3A_1122 = arith.constant 10 : i32
      %swap3A_1123 = arith.index_cast %and3A_651 : i32 to index
      %swap3A_1124 = arith.index_cast %swap3A_1122 : i32 to index
      %swap3A_1125 = arith.index_cast %mul3A_1121 : i32 to index
      %swap3A_1126 = tpu.vector_load %arg9[%swap3A_1123, %swap3A_1124, %swap3A_1125] {strides = array<i32>} : memref<4x16x128xf32, #tpu.memory_space<vmem>>, vector<16xf32>,
      tpu.vector_store %arg9[%swap3A_1123, %swap3A_1124, %swap3A_1125], %gather3A_1119 {strides = array<i32>} : memref<4x16x128xf32, #tpu.memory_space<vmem>>, vector<16xf32>,
      %add3A_1127 = arith.constant 11 : i32
      %add3A_1128 = vector.broadcast %add3A_1127 : i32 to vector<16xi32>
      %add3A_1129 = arith.addi %mul3A_957, %add3A_1128 : vector<16xi32>
      %gather3A_1130 = arith.constant 0 : i32
      %gather3A_1131 = arith.constant 0 : i32
      %gather3A_1132 = tpu.memref_slice %arg8[%and3A_651, %gather3A_1130, %gather3A_1131] : memref<4x128x128xf32, #tpu.memory_space<vmem>> -> memref<1x128x128xf32, #tpu.memory_space<vmem>>
      %gather3A_1133 = tpu.memref_squeeze %gather3A_1132 : memref<1x128x128xf32, #tpu.memory_space<vmem>> -> memref<128x128xf32, #tpu.memory_space<vmem>>
      %gather3A_1134 = tpu.vector_load_idx %gather3A_1133[%add3A_961, %add3A_1129] : memref<128x128xf32, #tpu.memory_space<vmem>>[vector<16xi32>, vector<16xi32>], vector<16xf32>,
      %mul3A_1135 = arith.constant 16 : i32
      %mul3A_1136 = arith.muli %scan3A_947, %mul3A_1135 : i32
      %swap3A_1137 = arith.constant 11 : i32
      %swap3A_1138 = arith.index_cast %and3A_651 : i32 to index
      %swap3A_1139 = arith.index_cast %swap3A_1137 : i32 to index
      %swap3A_1140 = arith.index_cast %mul3A_1136 : i32 to index
      %swap3A_1141 = tpu.vector_load %arg9[%swap3A_1138, %swap3A_1139, %swap3A_1140] {strides = array<i32>} : memref<4x16x128xf32, #tpu.memory_space<vmem>>, vector<16xf32>,
      tpu.vector_store %arg9[%swap3A_1138, %swap3A_1139, %swap3A_1140], %gather3A_1134 {strides = array<i32>} : memref<4x16x128xf32, #tpu.memory_space<vmem>>, vector<16xf32>,
      %add3A_1142 = arith.constant 12 : i32
      %add3A_1143 = vector.broadcast %add3A_1142 : i32 to vector<16xi32>
      %add3A_1144 = arith.addi %mul3A_957, %add3A_1143 : vector<16xi32>
      %gather3A_1145 = arith.constant 0 : i32
      %gather3A_1146 = arith.constant 0 : i32
      %gather3A_1147 = tpu.memref_slice %arg8[%and3A_651, %gather3A_1145, %gather3A_1146] : memref<4x128x128xf32, #tpu.memory_space<vmem>> -> memref<1x128x128xf32, #tpu.memory_space<vmem>>
      %gather3A_1148 = tpu.memref_squeeze %gather3A_1147 : memref<1x128x128xf32, #tpu.memory_space<vmem>> -> memref<128x128xf32, #tpu.memory_space<vmem>>
      %gather3A_1149 = tpu.vector_load_idx %gather3A_1148[%add3A_961, %add3A_1144] : memref<128x128xf32, #tpu.memory_space<vmem>>[vector<16xi32>, vector<16xi32>], vector<16xf32>,
      %mul3A_1150 = arith.constant 16 : i32
      %mul3A_1151 = arith.muli %scan3A_947, %mul3A_1150 : i32
      %swap3A_1152 = arith.constant 12 : i32
      %swap3A_1153 = arith.index_cast %and3A_651 : i32 to index
      %swap3A_1154 = arith.index_cast %swap3A_1152 : i32 to index
      %swap3A_1155 = arith.index_cast %mul3A_1151 : i32 to index
      %swap3A_1156 = tpu.vector_load %arg9[%swap3A_1153, %swap3A_1154, %swap3A_1155] {strides = array<i32>} : memref<4x16x128xf32, #tpu.memory_space<vmem>>, vector<16xf32>,
      tpu.vector_store %arg9[%swap3A_1153, %swap3A_1154, %swap3A_1155], %gather3A_1149 {strides = array<i32>} : memref<4x16x128xf32, #tpu.memory_space<vmem>>, vector<16xf32>,
      %add3A_1157 = arith.constant 13 : i32
      %add3A_1158 = vector.broadcast %add3A_1157 : i32 to vector<16xi32>
      %add3A_1159 = arith.addi %mul3A_957, %add3A_1158 : vector<16xi32>
      %gather3A_1160 = arith.constant 0 : i32
      %gather3A_1161 = arith.constant 0 : i32
      %gather3A_1162 = tpu.memref_slice %arg8[%and3A_651, %gather3A_1160, %gather3A_1161] : memref<4x128x128xf32, #tpu.memory_space<vmem>> -> memref<1x128x128xf32, #tpu.memory_space<vmem>>
      %gather3A_1163 = tpu.memref_squeeze %gather3A_1162 : memref<1x128x128xf32, #tpu.memory_space<vmem>> -> memref<128x128xf32, #tpu.memory_space<vmem>>
      %gather3A_1164 = tpu.vector_load_idx %gather3A_1163[%add3A_961, %add3A_1159] : memref<128x128xf32, #tpu.memory_space<vmem>>[vector<16xi32>, vector<16xi32>], vector<16xf32>,
      %mul3A_1165 = arith.constant 16 : i32
      %mul3A_1166 = arith.muli %scan3A_947, %mul3A_1165 : i32
      %swap3A_1167 = arith.constant 13 : i32
      %swap3A_1168 = arith.index_cast %and3A_651 : i32 to index
      %swap3A_1169 = arith.index_cast %swap3A_1167 : i32 to index
      %swap3A_1170 = arith.index_cast %mul3A_1166 : i32 to index
      %swap3A_1171 = tpu.vector_load %arg9[%swap3A_1168, %swap3A_1169, %swap3A_1170] {strides = array<i32>} : memref<4x16x128xf32, #tpu.memory_space<vmem>>, vector<16xf32>,
      tpu.vector_store %arg9[%swap3A_1168, %swap3A_1169, %swap3A_1170], %gather3A_1164 {strides = array<i32>} : memref<4x16x128xf32, #tpu.memory_space<vmem>>, vector<16xf32>,
      %add3A_1172 = arith.constant 14 : i32
      %add3A_1173 = vector.broadcast %add3A_1172 : i32 to vector<16xi32>
      %add3A_1174 = arith.addi %mul3A_957, %add3A_1173 : vector<16xi32>
      %gather3A_1175 = arith.constant 0 : i32
      %gather3A_1176 = arith.constant 0 : i32
      %gather3A_1177 = tpu.memref_slice %arg8[%and3A_651, %gather3A_1175, %gather3A_1176] : memref<4x128x128xf32, #tpu.memory_space<vmem>> -> memref<1x128x128xf32, #tpu.memory_space<vmem>>
      %gather3A_1178 = tpu.memref_squeeze %gather3A_1177 : memref<1x128x128xf32, #tpu.memory_space<vmem>> -> memref<128x128xf32, #tpu.memory_space<vmem>>
      %gather3A_1179 = tpu.vector_load_idx %gather3A_1178[%add3A_961, %add3A_1174] : memref<128x128xf32, #tpu.memory_space<vmem>>[vector<16xi32>, vector<16xi32>], vector<16xf32>,
      %mul3A_1180 = arith.constant 16 : i32
      %mul3A_1181 = arith.muli %scan3A_947, %mul3A_1180 : i32
      %swap3A_1182 = arith.constant 14 : i32
      %swap3A_1183 = arith.index_cast %and3A_651 : i32 to index
      %swap3A_1184 = arith.index_cast %swap3A_1182 : i32 to index
      %swap3A_1185 = arith.index_cast %mul3A_1181 : i32 to index
      %swap3A_1186 = tpu.vector_load %arg9[%swap3A_1183, %swap3A_1184, %swap3A_1185] {strides = array<i32>} : memref<4x16x128xf32, #tpu.memory_space<vmem>>, vector<16xf32>,
      tpu.vector_store %arg9[%swap3A_1183, %swap3A_1184, %swap3A_1185], %gather3A_1179 {strides = array<i32>} : memref<4x16x128xf32, #tpu.memory_space<vmem>>, vector<16xf32>,
      %add3A_1187 = arith.constant 15 : i32
      %add3A_1188 = vector.broadcast %add3A_1187 : i32 to vector<16xi32>
      %add3A_1189 = arith.addi %mul3A_957, %add3A_1188 : vector<16xi32>
      %gather3A_1190 = arith.constant 0 : i32
      %gather3A_1191 = arith.constant 0 : i32
      %gather3A_1192 = tpu.memref_slice %arg8[%and3A_651, %gather3A_1190, %gather3A_1191] : memref<4x128x128xf32, #tpu.memory_space<vmem>> -> memref<1x128x128xf32, #tpu.memory_space<vmem>>
      %gather3A_1193 = tpu.memref_squeeze %gather3A_1192 : memref<1x128x128xf32, #tpu.memory_space<vmem>> -> memref<128x128xf32, #tpu.memory_space<vmem>>
      %gather3A_1194 = tpu.vector_load_idx %gather3A_1193[%add3A_961, %add3A_1189] : memref<128x128xf32, #tpu.memory_space<vmem>>[vector<16xi32>, vector<16xi32>], vector<16xf32>,
      %mul3A_1195 = arith.constant 16 : i32
      %mul3A_1196 = arith.muli %scan3A_947, %mul3A_1195 : i32
      %swap3A_1197 = arith.constant 15 : i32
      %swap3A_1198 = arith.index_cast %and3A_651 : i32 to index
      %swap3A_1199 = arith.index_cast %swap3A_1197 : i32 to index
      %swap3A_1200 = arith.index_cast %mul3A_1196 : i32 to index
      %swap3A_1201 = tpu.vector_load %arg9[%swap3A_1198, %swap3A_1199, %swap3A_1200] {strides = array<i32>} : memref<4x16x128xf32, #tpu.memory_space<vmem>>, vector<16xf32>,
      tpu.vector_store %arg9[%swap3A_1198, %swap3A_1199, %swap3A_1200], %gather3A_1194 {strides = array<i32>} : memref<4x16x128xf32, #tpu.memory_space<vmem>>, vector<16xf32>,
    }
    %scan3A_680 = arith.constant 8 : i32
    %dma_start3A_681 = arith.constant 0 : i32
    %dma_start3A_682 = arith.constant 0 : i32
    %dma_start3A_683 = arith.constant 0 : i32
    %dma_start3A_684 = tpu.memref_slice %arg9[%and3A_651, %dma_start3A_682, %dma_start3A_683] : memref<4x16x128xf32, #tpu.memory_space<vmem>> -> memref<1x8x128xf32, #tpu.memory_space<vmem>>
    %dma_start3A_685 = tpu.memref_squeeze %dma_start3A_684 : memref<1x8x128xf32, #tpu.memory_space<vmem>> -> memref<8x128xf32, #tpu.memory_space<vmem>>
    %dma_start3A_686 = arith.constant 0 : i32
    %dma_start3A_687 = arith.constant 0 : i32
    %dma_start3A_688 = tpu.memref_slice %arg4[%shift_right_logical3A_645, %dma_start3A_681, %add3A_654, %dma_start3A_686, %dma_start3A_687] : memref<26x2x128x8x128xf32, #tpu.memory_space<hbm>> -> memref<1x1x1x8x128xf32, #tpu.memory_space<hbm>>
    %dma_start3A_689 = tpu.memref_squeeze %dma_start3A_688 : memref<1x1x1x8x128xf32, #tpu.memory_space<hbm>> -> memref<8x128xf32, #tpu.memory_space<hbm>>
    %dma_start3A_690 = arith.constant 0 : i32
    %dma_start3A_691 = arith.constant 0 : i32
    %dma_start3A_692 = tpu.memref_slice %arg4[%shift_right_logical3A_645, %dma_start3A_681, %add3A_654, %dma_start3A_690, %dma_start3A_691] : memref<26x2x128x8x128xf32, #tpu.memory_space<hbm>> -> memref<1x1x1x8x128xf32, #tpu.memory_space<hbm>>
    %dma_start3A_693 = tpu.memref_squeeze %dma_start3A_692 : memref<1x1x1x8x128xf32, #tpu.memory_space<hbm>> -> memref<8x128xf32, #tpu.memory_space<hbm>>
    %dma_start3A_694 = arith.constant 0 : i32
    %dma_start3A_695 = arith.constant 0 : i32
    %dma_start3A_696 = tpu.memref_slice %arg9[%and3A_651, %dma_start3A_694, %dma_start3A_695] : memref<4x16x128xf32, #tpu.memory_space<vmem>> -> memref<1x8x128xf32, #tpu.memory_space<vmem>>
    %dma_start3A_697 = tpu.memref_squeeze %dma_start3A_696 : memref<1x8x128xf32, #tpu.memory_space<vmem>> -> memref<8x128xf32, #tpu.memory_space<vmem>>
    tpu.enqueue_dma source(%dma_start3A_697 : memref<8x128xf32, #tpu.memory_space<vmem>>) target(%dma_start3A_693 : memref<8x128xf32, #tpu.memory_space<hbm>>) target_semaphore(%arg11 : memref<!tpu.dma_semaphore, #tpu.memory_space<semaphore_mem>>)
    %dma_start3A_698 = arith.constant 1 : i32
    %dma_start3A_699 = arith.constant 8 : i32
    %dma_start3A_700 = arith.constant 0 : i32
    %dma_start3A_701 = tpu.memref_slice %arg9[%and3A_651, %dma_start3A_699, %dma_start3A_700] : memref<4x16x128xf32, #tpu.memory_space<vmem>> -> memref<1x8x128xf32, #tpu.memory_space<vmem>>
    %dma_start3A_702 = tpu.memref_squeeze %dma_start3A_701 : memref<1x8x128xf32, #tpu.memory_space<vmem>> -> memref<8x128xf32, #tpu.memory_space<vmem>>
    %dma_start3A_703 = arith.constant 0 : i32
    %dma_start3A_704 = arith.constant 0 : i32
    %dma_start3A_705 = tpu.memref_slice %arg4[%shift_right_logical3A_645, %dma_start3A_698, %add3A_654, %dma_start3A_703, %dma_start3A_704] : memref<26x2x128x8x128xf32, #tpu.memory_space<hbm>> -> memref<1x1x1x8x128xf32, #tpu.memory_space<hbm>>
    %dma_start3A_706 = tpu.memref_squeeze %dma_start3A_705 : memref<1x1x1x8x128xf32, #tpu.memory_space<hbm>> -> memref<8x128xf32, #tpu.memory_space<hbm>>
    %dma_start3A_707 = arith.constant 0 : i32
    %dma_start3A_708 = arith.constant 0 : i32
    %dma_start3A_709 = tpu.memref_slice %arg4[%shift_right_logical3A_645, %dma_start3A_698, %add3A_654, %dma_start3A_707, %dma_start3A_708] : memref<26x2x128x8x128xf32, #tpu.memory_space<hbm>> -> memref<1x1x1x8x128xf32, #tpu.memory_space<hbm>>
    %dma_start3A_710 = tpu.memref_squeeze %dma_start3A_709 : memref<1x1x1x8x128xf32, #tpu.memory_space<hbm>> -> memref<8x128xf32, #tpu.memory_space<hbm>>
    %dma_start3A_711 = arith.constant 8 : i32
    %dma_start3A_712 = arith.constant 0 : i32
    %dma_start3A_713 = tpu.memref_slice %arg9[%and3A_651, %dma_start3A_711, %dma_start3A_712] : memref<4x16x128xf32, #tpu.memory_space<vmem>> -> memref<1x8x128xf32, #tpu.memory_space<vmem>>
    %dma_start3A_714 = tpu.memref_squeeze %dma_start3A_713 : memref<1x8x128xf32, #tpu.memory_space<vmem>> -> memref<8x128xf32, #tpu.memory_space<vmem>>
    tpu.enqueue_dma source(%dma_start3A_714 : memref<8x128xf32, #tpu.memory_space<vmem>>) target(%dma_start3A_710 : memref<8x128xf32, #tpu.memory_space<hbm>>) target_semaphore(%arg11 : memref<!tpu.dma_semaphore, #tpu.memory_space<semaphore_mem>>)
    %shift_right_logical3A_715 = arith.constant 103 : i32
    %shift_right_logical3A_716 = arith.constant 2 : i32
    %shift_right_logical3A_717 = arith.shrui %shift_right_logical3A_715, %shift_right_logical3A_716 : i32
    %and3A_718 = arith.constant 103 : i32
    %and3A_719 = arith.constant 3 : i32
    %and3A_720 = arith.andi %and3A_718, %and3A_719 : i32
    %and3A_721 = arith.constant 103 : i32
    %and3A_722 = arith.constant 3 : i32
    %and3A_723 = arith.andi %and3A_721, %and3A_722 : i32
    %mul3A_724 = arith.constant 4 : i32
    %mul3A_725 = arith.muli %add3A, %mul3A_724 : i32
    %add3A_726 = arith.addi %mul3A_725, %and3A_720 : i32
    %dma_wait3A_727 = arith.constant 0 : i32
    %dma_wait3A_728 = arith.constant 0 : i32
    %dma_wait3A_729 = tpu.memref_slice %arg8[%and3A_723, %dma_wait3A_727, %dma_wait3A_728] : memref<4x128x128xf32, #tpu.memory_space<vmem>> -> memref<1x128x128xf32, #tpu.memory_space<vmem>>
    %dma_wait3A_730 = tpu.memref_squeeze %dma_wait3A_729 : memref<1x128x128xf32, #tpu.memory_space<vmem>> -> memref<128x128xf32, #tpu.memory_space<vmem>>
    %dma_wait3A_731 = arith.constant 0 : i32
    %dma_wait3A_732 = arith.constant 0 : i32
    %dma_wait3A_733 = tpu.memref_slice %arg3[%dma_wait3A_731, %dma_wait3A_732] : memref<325000x128xf32, #tpu.memory_space<hbm>> -> memref<128x128xf32, #tpu.memory_space<hbm>>
    %dma_wait3A_734 = arith.constant 0 : i32
    %dma_wait3A_735 = arith.constant 0 : i32
    %dma_wait3A_736 = tpu.memref_slice %arg8[%and3A_723, %dma_wait3A_734, %dma_wait3A_735] : memref<4x128x128xf32, #tpu.memory_space<vmem>> -> memref<1x128x128xf32, #tpu.memory_space<vmem>>
    %dma_wait3A_737 = tpu.memref_squeeze %dma_wait3A_736 : memref<1x128x128xf32, #tpu.memory_space<vmem>> -> memref<128x128xf32, #tpu.memory_space<vmem>>
    %dma_wait3A_738 = arith.constant 0 : i32
    %dma_wait3A_739 = arith.constant 0 : i32
    %dma_wait3A_740 = tpu.memref_slice %arg3[%dma_wait3A_738, %dma_wait3A_739] : memref<325000x128xf32, #tpu.memory_space<hbm>> -> memref<128x128xf32, #tpu.memory_space<hbm>>
    tpu.wait_dma2 semaphore(%arg10 : memref<!tpu.dma_semaphore, #tpu.memory_space<semaphore_mem>>) src(%dma_wait3A_740 : memref<128x128xf32, #tpu.memory_space<hbm>>) dst(%dma_wait3A_737 : memref<128x128xf32, #tpu.memory_space<vmem>>)
    %ge3A_741 = arith.constant 103 : i32
    %ge3A_742 = arith.constant 4 : i32
    %ge3A_743 = arith.cmpi sge, %ge3A_741, %ge3A_742 : i32
    %convert_element_type3A_744 = arith.extui %ge3A_743 : i1 to i32
    %cond3A_745 = arith.constant 0 : i32
    %cond3A_746 = arith.cmpi ne, %convert_element_type3A_744, %cond3A_745 : i32
    scf.if %cond3A_746 {
      %dma_wait3A_947 = arith.constant 0 : i32
      %dma_wait3A_948 = arith.constant 0 : i32
      %dma_wait3A_949 = arith.constant 0 : i32
      %dma_wait3A_950 = arith.constant 0 : i32
      %dma_wait3A_951 = arith.constant 0 : i32
      %dma_wait3A_952 = tpu.memref_slice %arg9[%and3A_723, %dma_wait3A_950, %dma_wait3A_951] : memref<4x16x128xf32, #tpu.memory_space<vmem>> -> memref<1x8x128xf32, #tpu.memory_space<vmem>>
      %dma_wait3A_953 = tpu.memref_squeeze %dma_wait3A_952 : memref<1x8x128xf32, #tpu.memory_space<vmem>> -> memref<8x128xf32, #tpu.memory_space<vmem>>
      %dma_wait3A_954 = arith.constant 0 : i32
      %dma_wait3A_955 = arith.constant 0 : i32
      %dma_wait3A_956 = tpu.memref_slice %arg4[%dma_wait3A_947, %dma_wait3A_948, %dma_wait3A_949, %dma_wait3A_954, %dma_wait3A_955] : memref<26x2x128x8x128xf32, #tpu.memory_space<hbm>> -> memref<1x1x1x8x128xf32, #tpu.memory_space<hbm>>
      %dma_wait3A_957 = tpu.memref_squeeze %dma_wait3A_956 : memref<1x1x1x8x128xf32, #tpu.memory_space<hbm>> -> memref<8x128xf32, #tpu.memory_space<hbm>>
      %dma_wait3A_958 = arith.constant 0 : i32
      %dma_wait3A_959 = arith.constant 0 : i32
      %dma_wait3A_960 = tpu.memref_slice %arg9[%and3A_723, %dma_wait3A_958, %dma_wait3A_959] : memref<4x16x128xf32, #tpu.memory_space<vmem>> -> memref<1x8x128xf32, #tpu.memory_space<vmem>>
      %dma_wait3A_961 = tpu.memref_squeeze %dma_wait3A_960 : memref<1x8x128xf32, #tpu.memory_space<vmem>> -> memref<8x128xf32, #tpu.memory_space<vmem>>
      %dma_wait3A_962 = arith.constant 0 : i32
      %dma_wait3A_963 = arith.constant 0 : i32
      %dma_wait3A_964 = tpu.memref_slice %arg4[%dma_wait3A_947, %dma_wait3A_948, %dma_wait3A_949, %dma_wait3A_962, %dma_wait3A_963] : memref<26x2x128x8x128xf32, #tpu.memory_space<hbm>> -> memref<1x1x1x8x128xf32, #tpu.memory_space<hbm>>
      %dma_wait3A_965 = tpu.memref_squeeze %dma_wait3A_964 : memref<1x1x1x8x128xf32, #tpu.memory_space<hbm>> -> memref<8x128xf32, #tpu.memory_space<hbm>>
      tpu.wait_dma2 semaphore(%arg11 : memref<!tpu.dma_semaphore, #tpu.memory_space<semaphore_mem>>) src(%dma_wait3A_965 : memref<8x128xf32, #tpu.memory_space<hbm>>) dst(%dma_wait3A_961 : memref<8x128xf32, #tpu.memory_space<vmem>>)
      %dma_wait3A_966 = arith.constant 0 : i32
      %dma_wait3A_967 = arith.constant 0 : i32
      %dma_wait3A_968 = arith.constant 0 : i32
      %dma_wait3A_969 = arith.constant 8 : i32
      %dma_wait3A_970 = arith.constant 0 : i32
      %dma_wait3A_971 = tpu.memref_slice %arg9[%and3A_723, %dma_wait3A_969, %dma_wait3A_970] : memref<4x16x128xf32, #tpu.memory_space<vmem>> -> memref<1x8x128xf32, #tpu.memory_space<vmem>>
      %dma_wait3A_972 = tpu.memref_squeeze %dma_wait3A_971 : memref<1x8x128xf32, #tpu.memory_space<vmem>> -> memref<8x128xf32, #tpu.memory_space<vmem>>
      %dma_wait3A_973 = arith.constant 0 : i32
      %dma_wait3A_974 = arith.constant 0 : i32
      %dma_wait3A_975 = tpu.memref_slice %arg4[%dma_wait3A_966, %dma_wait3A_967, %dma_wait3A_968, %dma_wait3A_973, %dma_wait3A_974] : memref<26x2x128x8x128xf32, #tpu.memory_space<hbm>> -> memref<1x1x1x8x128xf32, #tpu.memory_space<hbm>>
      %dma_wait3A_976 = tpu.memref_squeeze %dma_wait3A_975 : memref<1x1x1x8x128xf32, #tpu.memory_space<hbm>> -> memref<8x128xf32, #tpu.memory_space<hbm>>
      %dma_wait3A_977 = arith.constant 8 : i32
      %dma_wait3A_978 = arith.constant 0 : i32
      %dma_wait3A_979 = tpu.memref_slice %arg9[%and3A_723, %dma_wait3A_977, %dma_wait3A_978] : memref<4x16x128xf32, #tpu.memory_space<vmem>> -> memref<1x8x128xf32, #tpu.memory_space<vmem>>
      %dma_wait3A_980 = tpu.memref_squeeze %dma_wait3A_979 : memref<1x8x128xf32, #tpu.memory_space<vmem>> -> memref<8x128xf32, #tpu.memory_space<vmem>>
      %dma_wait3A_981 = arith.constant 0 : i32
      %dma_wait3A_982 = arith.constant 0 : i32
      %dma_wait3A_983 = tpu.memref_slice %arg4[%dma_wait3A_966, %dma_wait3A_967, %dma_wait3A_968, %dma_wait3A_981, %dma_wait3A_982] : memref<26x2x128x8x128xf32, #tpu.memory_space<hbm>> -> memref<1x1x1x8x128xf32, #tpu.memory_space<hbm>>
      %dma_wait3A_984 = tpu.memref_squeeze %dma_wait3A_983 : memref<1x1x1x8x128xf32, #tpu.memory_space<hbm>> -> memref<8x128xf32, #tpu.memory_space<hbm>>
      tpu.wait_dma2 semaphore(%arg11 : memref<!tpu.dma_semaphore, #tpu.memory_space<semaphore_mem>>) src(%dma_wait3A_984 : memref<8x128xf32, #tpu.memory_space<hbm>>) dst(%dma_wait3A_980 : memref<8x128xf32, #tpu.memory_space<vmem>>)
    } else {
    }
    %scan3A_747 = arith.constant 0 : i32
    %scan3A_748 = arith.constant 0 : i32
    %scan3A_749 = arith.constant 8 : i32
    %scan3A_750 = arith.addi %scan3A_748, %scan3A_749 : i32
    %scan3A_751 = arith.constant 1 : i32
    scf.for %scan3A_947 = %scan3A_748 to %scan3A_750 step %scan3A_751  : i32 {
      %mul3A_948 = arith.constant 16 : i32
      %mul3A_949 = arith.muli %scan3A_947, %mul3A_948 : i32
      %get3A = arith.index_cast %and3A_723 : i32 to index
      %get3A_950 = arith.index_cast %mul3A_949 : i32 to index
      %get3A_951 = tpu.vector_load %arg6[%get3A, %get3A_950] {strides = array<i32>} : memref<4x128xi32, #tpu.memory_space<vmem>>, vector<16xi32>,
      %and3A_952 = arith.constant 7 : i32
      %and3A_953 = vector.broadcast %and3A_952 : i32 to vector<16xi32>
      %and3A_954 = arith.andi %get3A_951, %and3A_953 : vector<16xi32>
      %mul3A_955 = arith.constant 16 : i32
      %mul3A_956 = vector.broadcast %mul3A_955 : i32 to vector<16xi32>
      %mul3A_957 = arith.muli %and3A_954, %mul3A_956 : vector<16xi32>
      %mul3A_958 = arith.constant 16 : i32
      %mul3A_959 = arith.muli %scan3A_947, %mul3A_958 : i32
      %add3A_960 = vector.broadcast %mul3A_959 : i32 to vector<16xi32>
      %add3A_961 = arith.addi %iota3A, %add3A_960 : vector<16xi32>
      %add3A_962 = arith.constant 0 : i32
      %add3A_963 = vector.broadcast %add3A_962 : i32 to vector<16xi32>
      %add3A_964 = arith.addi %mul3A_957, %add3A_963 : vector<16xi32>
      %gather3A_965 = arith.constant 0 : i32
      %gather3A_966 = arith.constant 0 : i32
      %gather3A_967 = tpu.memref_slice %arg8[%and3A_723, %gather3A_965, %gather3A_966] : memref<4x128x128xf32, #tpu.memory_space<vmem>> -> memref<1x128x128xf32, #tpu.memory_space<vmem>>
      %gather3A_968 = tpu.memref_squeeze %gather3A_967 : memref<1x128x128xf32, #tpu.memory_space<vmem>> -> memref<128x128xf32, #tpu.memory_space<vmem>>
      %gather3A_969 = tpu.vector_load_idx %gather3A_968[%add3A_961, %add3A_964] : memref<128x128xf32, #tpu.memory_space<vmem>>[vector<16xi32>, vector<16xi32>], vector<16xf32>,
      %mul3A_970 = arith.constant 16 : i32
      %mul3A_971 = arith.muli %scan3A_947, %mul3A_970 : i32
      %swap3A_972 = arith.constant 0 : i32
      %swap3A_973 = arith.index_cast %and3A_723 : i32 to index
      %swap3A_974 = arith.index_cast %swap3A_972 : i32 to index
      %swap3A_975 = arith.index_cast %mul3A_971 : i32 to index
      %swap3A_976 = tpu.vector_load %arg9[%swap3A_973, %swap3A_974, %swap3A_975] {strides = array<i32>} : memref<4x16x128xf32, #tpu.memory_space<vmem>>, vector<16xf32>,
      tpu.vector_store %arg9[%swap3A_973, %swap3A_974, %swap3A_975], %gather3A_969 {strides = array<i32>} : memref<4x16x128xf32, #tpu.memory_space<vmem>>, vector<16xf32>,
      %add3A_977 = arith.constant 1 : i32
      %add3A_978 = vector.broadcast %add3A_977 : i32 to vector<16xi32>
      %add3A_979 = arith.addi %mul3A_957, %add3A_978 : vector<16xi32>
      %gather3A_980 = arith.constant 0 : i32
      %gather3A_981 = arith.constant 0 : i32
      %gather3A_982 = tpu.memref_slice %arg8[%and3A_723, %gather3A_980, %gather3A_981] : memref<4x128x128xf32, #tpu.memory_space<vmem>> -> memref<1x128x128xf32, #tpu.memory_space<vmem>>
      %gather3A_983 = tpu.memref_squeeze %gather3A_982 : memref<1x128x128xf32, #tpu.memory_space<vmem>> -> memref<128x128xf32, #tpu.memory_space<vmem>>
      %gather3A_984 = tpu.vector_load_idx %gather3A_983[%add3A_961, %add3A_979] : memref<128x128xf32, #tpu.memory_space<vmem>>[vector<16xi32>, vector<16xi32>], vector<16xf32>,
      %mul3A_985 = arith.constant 16 : i32
      %mul3A_986 = arith.muli %scan3A_947, %mul3A_985 : i32
      %swap3A_987 = arith.constant 1 : i32
      %swap3A_988 = arith.index_cast %and3A_723 : i32 to index
      %swap3A_989 = arith.index_cast %swap3A_987 : i32 to index
      %swap3A_990 = arith.index_cast %mul3A_986 : i32 to index
      %swap3A_991 = tpu.vector_load %arg9[%swap3A_988, %swap3A_989, %swap3A_990] {strides = array<i32>} : memref<4x16x128xf32, #tpu.memory_space<vmem>>, vector<16xf32>,
      tpu.vector_store %arg9[%swap3A_988, %swap3A_989, %swap3A_990], %gather3A_984 {strides = array<i32>} : memref<4x16x128xf32, #tpu.memory_space<vmem>>, vector<16xf32>,
      %add3A_992 = arith.constant 2 : i32
      %add3A_993 = vector.broadcast %add3A_992 : i32 to vector<16xi32>
      %add3A_994 = arith.addi %mul3A_957, %add3A_993 : vector<16xi32>
      %gather3A_995 = arith.constant 0 : i32
      %gather3A_996 = arith.constant 0 : i32
      %gather3A_997 = tpu.memref_slice %arg8[%and3A_723, %gather3A_995, %gather3A_996] : memref<4x128x128xf32, #tpu.memory_space<vmem>> -> memref<1x128x128xf32, #tpu.memory_space<vmem>>
      %gather3A_998 = tpu.memref_squeeze %gather3A_997 : memref<1x128x128xf32, #tpu.memory_space<vmem>> -> memref<128x128xf32, #tpu.memory_space<vmem>>
      %gather3A_999 = tpu.vector_load_idx %gather3A_998[%add3A_961, %add3A_994] : memref<128x128xf32, #tpu.memory_space<vmem>>[vector<16xi32>, vector<16xi32>], vector<16xf32>,
      %mul3A_1000 = arith.constant 16 : i32
      %mul3A_1001 = arith.muli %scan3A_947, %mul3A_1000 : i32
      %swap3A_1002 = arith.constant 2 : i32
      %swap3A_1003 = arith.index_cast %and3A_723 : i32 to index
      %swap3A_1004 = arith.index_cast %swap3A_1002 : i32 to index
      %swap3A_1005 = arith.index_cast %mul3A_1001 : i32 to index
      %swap3A_1006 = tpu.vector_load %arg9[%swap3A_1003, %swap3A_1004, %swap3A_1005] {strides = array<i32>} : memref<4x16x128xf32, #tpu.memory_space<vmem>>, vector<16xf32>,
      tpu.vector_store %arg9[%swap3A_1003, %swap3A_1004, %swap3A_1005], %gather3A_999 {strides = array<i32>} : memref<4x16x128xf32, #tpu.memory_space<vmem>>, vector<16xf32>,
      %add3A_1007 = arith.constant 3 : i32
      %add3A_1008 = vector.broadcast %add3A_1007 : i32 to vector<16xi32>
      %add3A_1009 = arith.addi %mul3A_957, %add3A_1008 : vector<16xi32>
      %gather3A_1010 = arith.constant 0 : i32
      %gather3A_1011 = arith.constant 0 : i32
      %gather3A_1012 = tpu.memref_slice %arg8[%and3A_723, %gather3A_1010, %gather3A_1011] : memref<4x128x128xf32, #tpu.memory_space<vmem>> -> memref<1x128x128xf32, #tpu.memory_space<vmem>>
      %gather3A_1013 = tpu.memref_squeeze %gather3A_1012 : memref<1x128x128xf32, #tpu.memory_space<vmem>> -> memref<128x128xf32, #tpu.memory_space<vmem>>
      %gather3A_1014 = tpu.vector_load_idx %gather3A_1013[%add3A_961, %add3A_1009] : memref<128x128xf32, #tpu.memory_space<vmem>>[vector<16xi32>, vector<16xi32>], vector<16xf32>,
      %mul3A_1015 = arith.constant 16 : i32
      %mul3A_1016 = arith.muli %scan3A_947, %mul3A_1015 : i32
      %swap3A_1017 = arith.constant 3 : i32
      %swap3A_1018 = arith.index_cast %and3A_723 : i32 to index
      %swap3A_1019 = arith.index_cast %swap3A_1017 : i32 to index
      %swap3A_1020 = arith.index_cast %mul3A_1016 : i32 to index
      %swap3A_1021 = tpu.vector_load %arg9[%swap3A_1018, %swap3A_1019, %swap3A_1020] {strides = array<i32>} : memref<4x16x128xf32, #tpu.memory_space<vmem>>, vector<16xf32>,
      tpu.vector_store %arg9[%swap3A_1018, %swap3A_1019, %swap3A_1020], %gather3A_1014 {strides = array<i32>} : memref<4x16x128xf32, #tpu.memory_space<vmem>>, vector<16xf32>,
      %add3A_1022 = arith.constant 4 : i32
      %add3A_1023 = vector.broadcast %add3A_1022 : i32 to vector<16xi32>
      %add3A_1024 = arith.addi %mul3A_957, %add3A_1023 : vector<16xi32>
      %gather3A_1025 = arith.constant 0 : i32
      %gather3A_1026 = arith.constant 0 : i32
      %gather3A_1027 = tpu.memref_slice %arg8[%and3A_723, %gather3A_1025, %gather3A_1026] : memref<4x128x128xf32, #tpu.memory_space<vmem>> -> memref<1x128x128xf32, #tpu.memory_space<vmem>>
      %gather3A_1028 = tpu.memref_squeeze %gather3A_1027 : memref<1x128x128xf32, #tpu.memory_space<vmem>> -> memref<128x128xf32, #tpu.memory_space<vmem>>
      %gather3A_1029 = tpu.vector_load_idx %gather3A_1028[%add3A_961, %add3A_1024] : memref<128x128xf32, #tpu.memory_space<vmem>>[vector<16xi32>, vector<16xi32>], vector<16xf32>,
      %mul3A_1030 = arith.constant 16 : i32
      %mul3A_1031 = arith.muli %scan3A_947, %mul3A_1030 : i32
      %swap3A_1032 = arith.constant 4 : i32
      %swap3A_1033 = arith.index_cast %and3A_723 : i32 to index
      %swap3A_1034 = arith.index_cast %swap3A_1032 : i32 to index
      %swap3A_1035 = arith.index_cast %mul3A_1031 : i32 to index
      %swap3A_1036 = tpu.vector_load %arg9[%swap3A_1033, %swap3A_1034, %swap3A_1035] {strides = array<i32>} : memref<4x16x128xf32, #tpu.memory_space<vmem>>, vector<16xf32>,
      tpu.vector_store %arg9[%swap3A_1033, %swap3A_1034, %swap3A_1035], %gather3A_1029 {strides = array<i32>} : memref<4x16x128xf32, #tpu.memory_space<vmem>>, vector<16xf32>,
      %add3A_1037 = arith.constant 5 : i32
      %add3A_1038 = vector.broadcast %add3A_1037 : i32 to vector<16xi32>
      %add3A_1039 = arith.addi %mul3A_957, %add3A_1038 : vector<16xi32>
      %gather3A_1040 = arith.constant 0 : i32
      %gather3A_1041 = arith.constant 0 : i32
      %gather3A_1042 = tpu.memref_slice %arg8[%and3A_723, %gather3A_1040, %gather3A_1041] : memref<4x128x128xf32, #tpu.memory_space<vmem>> -> memref<1x128x128xf32, #tpu.memory_space<vmem>>
      %gather3A_1043 = tpu.memref_squeeze %gather3A_1042 : memref<1x128x128xf32, #tpu.memory_space<vmem>> -> memref<128x128xf32, #tpu.memory_space<vmem>>
      %gather3A_1044 = tpu.vector_load_idx %gather3A_1043[%add3A_961, %add3A_1039] : memref<128x128xf32, #tpu.memory_space<vmem>>[vector<16xi32>, vector<16xi32>], vector<16xf32>,
      %mul3A_1045 = arith.constant 16 : i32
      %mul3A_1046 = arith.muli %scan3A_947, %mul3A_1045 : i32
      %swap3A_1047 = arith.constant 5 : i32
      %swap3A_1048 = arith.index_cast %and3A_723 : i32 to index
      %swap3A_1049 = arith.index_cast %swap3A_1047 : i32 to index
      %swap3A_1050 = arith.index_cast %mul3A_1046 : i32 to index
      %swap3A_1051 = tpu.vector_load %arg9[%swap3A_1048, %swap3A_1049, %swap3A_1050] {strides = array<i32>} : memref<4x16x128xf32, #tpu.memory_space<vmem>>, vector<16xf32>,
      tpu.vector_store %arg9[%swap3A_1048, %swap3A_1049, %swap3A_1050], %gather3A_1044 {strides = array<i32>} : memref<4x16x128xf32, #tpu.memory_space<vmem>>, vector<16xf32>,
      %add3A_1052 = arith.constant 6 : i32
      %add3A_1053 = vector.broadcast %add3A_1052 : i32 to vector<16xi32>
      %add3A_1054 = arith.addi %mul3A_957, %add3A_1053 : vector<16xi32>
      %gather3A_1055 = arith.constant 0 : i32
      %gather3A_1056 = arith.constant 0 : i32
      %gather3A_1057 = tpu.memref_slice %arg8[%and3A_723, %gather3A_1055, %gather3A_1056] : memref<4x128x128xf32, #tpu.memory_space<vmem>> -> memref<1x128x128xf32, #tpu.memory_space<vmem>>
      %gather3A_1058 = tpu.memref_squeeze %gather3A_1057 : memref<1x128x128xf32, #tpu.memory_space<vmem>> -> memref<128x128xf32, #tpu.memory_space<vmem>>
      %gather3A_1059 = tpu.vector_load_idx %gather3A_1058[%add3A_961, %add3A_1054] : memref<128x128xf32, #tpu.memory_space<vmem>>[vector<16xi32>, vector<16xi32>], vector<16xf32>,
      %mul3A_1060 = arith.constant 16 : i32
      %mul3A_1061 = arith.muli %scan3A_947, %mul3A_1060 : i32
      %swap3A_1062 = arith.constant 6 : i32
      %swap3A_1063 = arith.index_cast %and3A_723 : i32 to index
      %swap3A_1064 = arith.index_cast %swap3A_1062 : i32 to index
      %swap3A_1065 = arith.index_cast %mul3A_1061 : i32 to index
      %swap3A_1066 = tpu.vector_load %arg9[%swap3A_1063, %swap3A_1064, %swap3A_1065] {strides = array<i32>} : memref<4x16x128xf32, #tpu.memory_space<vmem>>, vector<16xf32>,
      tpu.vector_store %arg9[%swap3A_1063, %swap3A_1064, %swap3A_1065], %gather3A_1059 {strides = array<i32>} : memref<4x16x128xf32, #tpu.memory_space<vmem>>, vector<16xf32>,
      %add3A_1067 = arith.constant 7 : i32
      %add3A_1068 = vector.broadcast %add3A_1067 : i32 to vector<16xi32>
      %add3A_1069 = arith.addi %mul3A_957, %add3A_1068 : vector<16xi32>
      %gather3A_1070 = arith.constant 0 : i32
      %gather3A_1071 = arith.constant 0 : i32
      %gather3A_1072 = tpu.memref_slice %arg8[%and3A_723, %gather3A_1070, %gather3A_1071] : memref<4x128x128xf32, #tpu.memory_space<vmem>> -> memref<1x128x128xf32, #tpu.memory_space<vmem>>
      %gather3A_1073 = tpu.memref_squeeze %gather3A_1072 : memref<1x128x128xf32, #tpu.memory_space<vmem>> -> memref<128x128xf32, #tpu.memory_space<vmem>>
      %gather3A_1074 = tpu.vector_load_idx %gather3A_1073[%add3A_961, %add3A_1069] : memref<128x128xf32, #tpu.memory_space<vmem>>[vector<16xi32>, vector<16xi32>], vector<16xf32>,
      %mul3A_1075 = arith.constant 16 : i32
      %mul3A_1076 = arith.muli %scan3A_947, %mul3A_1075 : i32
      %swap3A_1077 = arith.constant 7 : i32
      %swap3A_1078 = arith.index_cast %and3A_723 : i32 to index
      %swap3A_1079 = arith.index_cast %swap3A_1077 : i32 to index
      %swap3A_1080 = arith.index_cast %mul3A_1076 : i32 to index
      %swap3A_1081 = tpu.vector_load %arg9[%swap3A_1078, %swap3A_1079, %swap3A_1080] {strides = array<i32>} : memref<4x16x128xf32, #tpu.memory_space<vmem>>, vector<16xf32>,
      tpu.vector_store %arg9[%swap3A_1078, %swap3A_1079, %swap3A_1080], %gather3A_1074 {strides = array<i32>} : memref<4x16x128xf32, #tpu.memory_space<vmem>>, vector<16xf32>,
      %add3A_1082 = arith.constant 8 : i32
      %add3A_1083 = vector.broadcast %add3A_1082 : i32 to vector<16xi32>
      %add3A_1084 = arith.addi %mul3A_957, %add3A_1083 : vector<16xi32>
      %gather3A_1085 = arith.constant 0 : i32
      %gather3A_1086 = arith.constant 0 : i32
      %gather3A_1087 = tpu.memref_slice %arg8[%and3A_723, %gather3A_1085, %gather3A_1086] : memref<4x128x128xf32, #tpu.memory_space<vmem>> -> memref<1x128x128xf32, #tpu.memory_space<vmem>>
      %gather3A_1088 = tpu.memref_squeeze %gather3A_1087 : memref<1x128x128xf32, #tpu.memory_space<vmem>> -> memref<128x128xf32, #tpu.memory_space<vmem>>
      %gather3A_1089 = tpu.vector_load_idx %gather3A_1088[%add3A_961, %add3A_1084] : memref<128x128xf32, #tpu.memory_space<vmem>>[vector<16xi32>, vector<16xi32>], vector<16xf32>,
      %mul3A_1090 = arith.constant 16 : i32
      %mul3A_1091 = arith.muli %scan3A_947, %mul3A_1090 : i32
      %swap3A_1092 = arith.constant 8 : i32
      %swap3A_1093 = arith.index_cast %and3A_723 : i32 to index
      %swap3A_1094 = arith.index_cast %swap3A_1092 : i32 to index
      %swap3A_1095 = arith.index_cast %mul3A_1091 : i32 to index
      %swap3A_1096 = tpu.vector_load %arg9[%swap3A_1093, %swap3A_1094, %swap3A_1095] {strides = array<i32>} : memref<4x16x128xf32, #tpu.memory_space<vmem>>, vector<16xf32>,
      tpu.vector_store %arg9[%swap3A_1093, %swap3A_1094, %swap3A_1095], %gather3A_1089 {strides = array<i32>} : memref<4x16x128xf32, #tpu.memory_space<vmem>>, vector<16xf32>,
      %add3A_1097 = arith.constant 9 : i32
      %add3A_1098 = vector.broadcast %add3A_1097 : i32 to vector<16xi32>
      %add3A_1099 = arith.addi %mul3A_957, %add3A_1098 : vector<16xi32>
      %gather3A_1100 = arith.constant 0 : i32
      %gather3A_1101 = arith.constant 0 : i32
      %gather3A_1102 = tpu.memref_slice %arg8[%and3A_723, %gather3A_1100, %gather3A_1101] : memref<4x128x128xf32, #tpu.memory_space<vmem>> -> memref<1x128x128xf32, #tpu.memory_space<vmem>>
      %gather3A_1103 = tpu.memref_squeeze %gather3A_1102 : memref<1x128x128xf32, #tpu.memory_space<vmem>> -> memref<128x128xf32, #tpu.memory_space<vmem>>
      %gather3A_1104 = tpu.vector_load_idx %gather3A_1103[%add3A_961, %add3A_1099] : memref<128x128xf32, #tpu.memory_space<vmem>>[vector<16xi32>, vector<16xi32>], vector<16xf32>,
      %mul3A_1105 = arith.constant 16 : i32
      %mul3A_1106 = arith.muli %scan3A_947, %mul3A_1105 : i32
      %swap3A_1107 = arith.constant 9 : i32
      %swap3A_1108 = arith.index_cast %and3A_723 : i32 to index
      %swap3A_1109 = arith.index_cast %swap3A_1107 : i32 to index
      %swap3A_1110 = arith.index_cast %mul3A_1106 : i32 to index
      %swap3A_1111 = tpu.vector_load %arg9[%swap3A_1108, %swap3A_1109, %swap3A_1110] {strides = array<i32>} : memref<4x16x128xf32, #tpu.memory_space<vmem>>, vector<16xf32>,
      tpu.vector_store %arg9[%swap3A_1108, %swap3A_1109, %swap3A_1110], %gather3A_1104 {strides = array<i32>} : memref<4x16x128xf32, #tpu.memory_space<vmem>>, vector<16xf32>,
      %add3A_1112 = arith.constant 10 : i32
      %add3A_1113 = vector.broadcast %add3A_1112 : i32 to vector<16xi32>
      %add3A_1114 = arith.addi %mul3A_957, %add3A_1113 : vector<16xi32>
      %gather3A_1115 = arith.constant 0 : i32
      %gather3A_1116 = arith.constant 0 : i32
      %gather3A_1117 = tpu.memref_slice %arg8[%and3A_723, %gather3A_1115, %gather3A_1116] : memref<4x128x128xf32, #tpu.memory_space<vmem>> -> memref<1x128x128xf32, #tpu.memory_space<vmem>>
      %gather3A_1118 = tpu.memref_squeeze %gather3A_1117 : memref<1x128x128xf32, #tpu.memory_space<vmem>> -> memref<128x128xf32, #tpu.memory_space<vmem>>
      %gather3A_1119 = tpu.vector_load_idx %gather3A_1118[%add3A_961, %add3A_1114] : memref<128x128xf32, #tpu.memory_space<vmem>>[vector<16xi32>, vector<16xi32>], vector<16xf32>,
      %mul3A_1120 = arith.constant 16 : i32
      %mul3A_1121 = arith.muli %scan3A_947, %mul3A_1120 : i32
      %swap3A_1122 = arith.constant 10 : i32
      %swap3A_1123 = arith.index_cast %and3A_723 : i32 to index
      %swap3A_1124 = arith.index_cast %swap3A_1122 : i32 to index
      %swap3A_1125 = arith.index_cast %mul3A_1121 : i32 to index
      %swap3A_1126 = tpu.vector_load %arg9[%swap3A_1123, %swap3A_1124, %swap3A_1125] {strides = array<i32>} : memref<4x16x128xf32, #tpu.memory_space<vmem>>, vector<16xf32>,
      tpu.vector_store %arg9[%swap3A_1123, %swap3A_1124, %swap3A_1125], %gather3A_1119 {strides = array<i32>} : memref<4x16x128xf32, #tpu.memory_space<vmem>>, vector<16xf32>,
      %add3A_1127 = arith.constant 11 : i32
      %add3A_1128 = vector.broadcast %add3A_1127 : i32 to vector<16xi32>
      %add3A_1129 = arith.addi %mul3A_957, %add3A_1128 : vector<16xi32>
      %gather3A_1130 = arith.constant 0 : i32
      %gather3A_1131 = arith.constant 0 : i32
      %gather3A_1132 = tpu.memref_slice %arg8[%and3A_723, %gather3A_1130, %gather3A_1131] : memref<4x128x128xf32, #tpu.memory_space<vmem>> -> memref<1x128x128xf32, #tpu.memory_space<vmem>>
      %gather3A_1133 = tpu.memref_squeeze %gather3A_1132 : memref<1x128x128xf32, #tpu.memory_space<vmem>> -> memref<128x128xf32, #tpu.memory_space<vmem>>
      %gather3A_1134 = tpu.vector_load_idx %gather3A_1133[%add3A_961, %add3A_1129] : memref<128x128xf32, #tpu.memory_space<vmem>>[vector<16xi32>, vector<16xi32>], vector<16xf32>,
      %mul3A_1135 = arith.constant 16 : i32
      %mul3A_1136 = arith.muli %scan3A_947, %mul3A_1135 : i32
      %swap3A_1137 = arith.constant 11 : i32
      %swap3A_1138 = arith.index_cast %and3A_723 : i32 to index
      %swap3A_1139 = arith.index_cast %swap3A_1137 : i32 to index
      %swap3A_1140 = arith.index_cast %mul3A_1136 : i32 to index
      %swap3A_1141 = tpu.vector_load %arg9[%swap3A_1138, %swap3A_1139, %swap3A_1140] {strides = array<i32>} : memref<4x16x128xf32, #tpu.memory_space<vmem>>, vector<16xf32>,
      tpu.vector_store %arg9[%swap3A_1138, %swap3A_1139, %swap3A_1140], %gather3A_1134 {strides = array<i32>} : memref<4x16x128xf32, #tpu.memory_space<vmem>>, vector<16xf32>,
      %add3A_1142 = arith.constant 12 : i32
      %add3A_1143 = vector.broadcast %add3A_1142 : i32 to vector<16xi32>
      %add3A_1144 = arith.addi %mul3A_957, %add3A_1143 : vector<16xi32>
      %gather3A_1145 = arith.constant 0 : i32
      %gather3A_1146 = arith.constant 0 : i32
      %gather3A_1147 = tpu.memref_slice %arg8[%and3A_723, %gather3A_1145, %gather3A_1146] : memref<4x128x128xf32, #tpu.memory_space<vmem>> -> memref<1x128x128xf32, #tpu.memory_space<vmem>>
      %gather3A_1148 = tpu.memref_squeeze %gather3A_1147 : memref<1x128x128xf32, #tpu.memory_space<vmem>> -> memref<128x128xf32, #tpu.memory_space<vmem>>
      %gather3A_1149 = tpu.vector_load_idx %gather3A_1148[%add3A_961, %add3A_1144] : memref<128x128xf32, #tpu.memory_space<vmem>>[vector<16xi32>, vector<16xi32>], vector<16xf32>,
      %mul3A_1150 = arith.constant 16 : i32
      %mul3A_1151 = arith.muli %scan3A_947, %mul3A_1150 : i32
      %swap3A_1152 = arith.constant 12 : i32
      %swap3A_1153 = arith.index_cast %and3A_723 : i32 to index
      %swap3A_1154 = arith.index_cast %swap3A_1152 : i32 to index
      %swap3A_1155 = arith.index_cast %mul3A_1151 : i32 to index
      %swap3A_1156 = tpu.vector_load %arg9[%swap3A_1153, %swap3A_1154, %swap3A_1155] {strides = array<i32>} : memref<4x16x128xf32, #tpu.memory_space<vmem>>, vector<16xf32>,
      tpu.vector_store %arg9[%swap3A_1153, %swap3A_1154, %swap3A_1155], %gather3A_1149 {strides = array<i32>} : memref<4x16x128xf32, #tpu.memory_space<vmem>>, vector<16xf32>,
      %add3A_1157 = arith.constant 13 : i32
      %add3A_1158 = vector.broadcast %add3A_1157 : i32 to vector<16xi32>
      %add3A_1159 = arith.addi %mul3A_957, %add3A_1158 : vector<16xi32>
      %gather3A_1160 = arith.constant 0 : i32
      %gather3A_1161 = arith.constant 0 : i32
      %gather3A_1162 = tpu.memref_slice %arg8[%and3A_723, %gather3A_1160, %gather3A_1161] : memref<4x128x128xf32, #tpu.memory_space<vmem>> -> memref<1x128x128xf32, #tpu.memory_space<vmem>>
      %gather3A_1163 = tpu.memref_squeeze %gather3A_1162 : memref<1x128x128xf32, #tpu.memory_space<vmem>> -> memref<128x128xf32, #tpu.memory_space<vmem>>
      %gather3A_1164 = tpu.vector_load_idx %gather3A_1163[%add3A_961, %add3A_1159] : memref<128x128xf32, #tpu.memory_space<vmem>>[vector<16xi32>, vector<16xi32>], vector<16xf32>,
      %mul3A_1165 = arith.constant 16 : i32
      %mul3A_1166 = arith.muli %scan3A_947, %mul3A_1165 : i32
      %swap3A_1167 = arith.constant 13 : i32
      %swap3A_1168 = arith.index_cast %and3A_723 : i32 to index
      %swap3A_1169 = arith.index_cast %swap3A_1167 : i32 to index
      %swap3A_1170 = arith.index_cast %mul3A_1166 : i32 to index
      %swap3A_1171 = tpu.vector_load %arg9[%swap3A_1168, %swap3A_1169, %swap3A_1170] {strides = array<i32>} : memref<4x16x128xf32, #tpu.memory_space<vmem>>, vector<16xf32>,
      tpu.vector_store %arg9[%swap3A_1168, %swap3A_1169, %swap3A_1170], %gather3A_1164 {strides = array<i32>} : memref<4x16x128xf32, #tpu.memory_space<vmem>>, vector<16xf32>,
      %add3A_1172 = arith.constant 14 : i32
      %add3A_1173 = vector.broadcast %add3A_1172 : i32 to vector<16xi32>
      %add3A_1174 = arith.addi %mul3A_957, %add3A_1173 : vector<16xi32>
      %gather3A_1175 = arith.constant 0 : i32
      %gather3A_1176 = arith.constant 0 : i32
      %gather3A_1177 = tpu.memref_slice %arg8[%and3A_723, %gather3A_1175, %gather3A_1176] : memref<4x128x128xf32, #tpu.memory_space<vmem>> -> memref<1x128x128xf32, #tpu.memory_space<vmem>>
      %gather3A_1178 = tpu.memref_squeeze %gather3A_1177 : memref<1x128x128xf32, #tpu.memory_space<vmem>> -> memref<128x128xf32, #tpu.memory_space<vmem>>
      %gather3A_1179 = tpu.vector_load_idx %gather3A_1178[%add3A_961, %add3A_1174] : memref<128x128xf32, #tpu.memory_space<vmem>>[vector<16xi32>, vector<16xi32>], vector<16xf32>,
      %mul3A_1180 = arith.constant 16 : i32
      %mul3A_1181 = arith.muli %scan3A_947, %mul3A_1180 : i32
      %swap3A_1182 = arith.constant 14 : i32
      %swap3A_1183 = arith.index_cast %and3A_723 : i32 to index
      %swap3A_1184 = arith.index_cast %swap3A_1182 : i32 to index
      %swap3A_1185 = arith.index_cast %mul3A_1181 : i32 to index
      %swap3A_1186 = tpu.vector_load %arg9[%swap3A_1183, %swap3A_1184, %swap3A_1185] {strides = array<i32>} : memref<4x16x128xf32, #tpu.memory_space<vmem>>, vector<16xf32>,
      tpu.vector_store %arg9[%swap3A_1183, %swap3A_1184, %swap3A_1185], %gather3A_1179 {strides = array<i32>} : memref<4x16x128xf32, #tpu.memory_space<vmem>>, vector<16xf32>,
      %add3A_1187 = arith.constant 15 : i32
      %add3A_1188 = vector.broadcast %add3A_1187 : i32 to vector<16xi32>
      %add3A_1189 = arith.addi %mul3A_957, %add3A_1188 : vector<16xi32>
      %gather3A_1190 = arith.constant 0 : i32
      %gather3A_1191 = arith.constant 0 : i32
      %gather3A_1192 = tpu.memref_slice %arg8[%and3A_723, %gather3A_1190, %gather3A_1191] : memref<4x128x128xf32, #tpu.memory_space<vmem>> -> memref<1x128x128xf32, #tpu.memory_space<vmem>>
      %gather3A_1193 = tpu.memref_squeeze %gather3A_1192 : memref<1x128x128xf32, #tpu.memory_space<vmem>> -> memref<128x128xf32, #tpu.memory_space<vmem>>
      %gather3A_1194 = tpu.vector_load_idx %gather3A_1193[%add3A_961, %add3A_1189] : memref<128x128xf32, #tpu.memory_space<vmem>>[vector<16xi32>, vector<16xi32>], vector<16xf32>,
      %mul3A_1195 = arith.constant 16 : i32
      %mul3A_1196 = arith.muli %scan3A_947, %mul3A_1195 : i32
      %swap3A_1197 = arith.constant 15 : i32
      %swap3A_1198 = arith.index_cast %and3A_723 : i32 to index
      %swap3A_1199 = arith.index_cast %swap3A_1197 : i32 to index
      %swap3A_1200 = arith.index_cast %mul3A_1196 : i32 to index
      %swap3A_1201 = tpu.vector_load %arg9[%swap3A_1198, %swap3A_1199, %swap3A_1200] {strides = array<i32>} : memref<4x16x128xf32, #tpu.memory_space<vmem>>, vector<16xf32>,
      tpu.vector_store %arg9[%swap3A_1198, %swap3A_1199, %swap3A_1200], %gather3A_1194 {strides = array<i32>} : memref<4x16x128xf32, #tpu.memory_space<vmem>>, vector<16xf32>,
    }
    %scan3A_752 = arith.constant 8 : i32
    %dma_start3A_753 = arith.constant 0 : i32
    %dma_start3A_754 = arith.constant 0 : i32
    %dma_start3A_755 = arith.constant 0 : i32
    %dma_start3A_756 = tpu.memref_slice %arg9[%and3A_723, %dma_start3A_754, %dma_start3A_755] : memref<4x16x128xf32, #tpu.memory_space<vmem>> -> memref<1x8x128xf32, #tpu.memory_space<vmem>>
    %dma_start3A_757 = tpu.memref_squeeze %dma_start3A_756 : memref<1x8x128xf32, #tpu.memory_space<vmem>> -> memref<8x128xf32, #tpu.memory_space<vmem>>
    %dma_start3A_758 = arith.constant 0 : i32
    %dma_start3A_759 = arith.constant 0 : i32
    %dma_start3A_760 = tpu.memref_slice %arg4[%shift_right_logical3A_717, %dma_start3A_753, %add3A_726, %dma_start3A_758, %dma_start3A_759] : memref<26x2x128x8x128xf32, #tpu.memory_space<hbm>> -> memref<1x1x1x8x128xf32, #tpu.memory_space<hbm>>
    %dma_start3A_761 = tpu.memref_squeeze %dma_start3A_760 : memref<1x1x1x8x128xf32, #tpu.memory_space<hbm>> -> memref<8x128xf32, #tpu.memory_space<hbm>>
    %dma_start3A_762 = arith.constant 0 : i32
    %dma_start3A_763 = arith.constant 0 : i32
    %dma_start3A_764 = tpu.memref_slice %arg4[%shift_right_logical3A_717, %dma_start3A_753, %add3A_726, %dma_start3A_762, %dma_start3A_763] : memref<26x2x128x8x128xf32, #tpu.memory_space<hbm>> -> memref<1x1x1x8x128xf32, #tpu.memory_space<hbm>>
    %dma_start3A_765 = tpu.memref_squeeze %dma_start3A_764 : memref<1x1x1x8x128xf32, #tpu.memory_space<hbm>> -> memref<8x128xf32, #tpu.memory_space<hbm>>
    %dma_start3A_766 = arith.constant 0 : i32
    %dma_start3A_767 = arith.constant 0 : i32
    %dma_start3A_768 = tpu.memref_slice %arg9[%and3A_723, %dma_start3A_766, %dma_start3A_767] : memref<4x16x128xf32, #tpu.memory_space<vmem>> -> memref<1x8x128xf32, #tpu.memory_space<vmem>>
    %dma_start3A_769 = tpu.memref_squeeze %dma_start3A_768 : memref<1x8x128xf32, #tpu.memory_space<vmem>> -> memref<8x128xf32, #tpu.memory_space<vmem>>
    tpu.enqueue_dma source(%dma_start3A_769 : memref<8x128xf32, #tpu.memory_space<vmem>>) target(%dma_start3A_765 : memref<8x128xf32, #tpu.memory_space<hbm>>) target_semaphore(%arg11 : memref<!tpu.dma_semaphore, #tpu.memory_space<semaphore_mem>>)
    %dma_start3A_770 = arith.constant 1 : i32
    %dma_start3A_771 = arith.constant 8 : i32
    %dma_start3A_772 = arith.constant 0 : i32
    %dma_start3A_773 = tpu.memref_slice %arg9[%and3A_723, %dma_start3A_771, %dma_start3A_772] : memref<4x16x128xf32, #tpu.memory_space<vmem>> -> memref<1x8x128xf32, #tpu.memory_space<vmem>>
    %dma_start3A_774 = tpu.memref_squeeze %dma_start3A_773 : memref<1x8x128xf32, #tpu.memory_space<vmem>> -> memref<8x128xf32, #tpu.memory_space<vmem>>
    %dma_start3A_775 = arith.constant 0 : i32
    %dma_start3A_776 = arith.constant 0 : i32
    %dma_start3A_777 = tpu.memref_slice %arg4[%shift_right_logical3A_717, %dma_start3A_770, %add3A_726, %dma_start3A_775, %dma_start3A_776] : memref<26x2x128x8x128xf32, #tpu.memory_space<hbm>> -> memref<1x1x1x8x128xf32, #tpu.memory_space<hbm>>
    %dma_start3A_778 = tpu.memref_squeeze %dma_start3A_777 : memref<1x1x1x8x128xf32, #tpu.memory_space<hbm>> -> memref<8x128xf32, #tpu.memory_space<hbm>>
    %dma_start3A_779 = arith.constant 0 : i32
    %dma_start3A_780 = arith.constant 0 : i32
    %dma_start3A_781 = tpu.memref_slice %arg4[%shift_right_logical3A_717, %dma_start3A_770, %add3A_726, %dma_start3A_779, %dma_start3A_780] : memref<26x2x128x8x128xf32, #tpu.memory_space<hbm>> -> memref<1x1x1x8x128xf32, #tpu.memory_space<hbm>>
    %dma_start3A_782 = tpu.memref_squeeze %dma_start3A_781 : memref<1x1x1x8x128xf32, #tpu.memory_space<hbm>> -> memref<8x128xf32, #tpu.memory_space<hbm>>
    %dma_start3A_783 = arith.constant 8 : i32
    %dma_start3A_784 = arith.constant 0 : i32
    %dma_start3A_785 = tpu.memref_slice %arg9[%and3A_723, %dma_start3A_783, %dma_start3A_784] : memref<4x16x128xf32, #tpu.memory_space<vmem>> -> memref<1x8x128xf32, #tpu.memory_space<vmem>>
    %dma_start3A_786 = tpu.memref_squeeze %dma_start3A_785 : memref<1x8x128xf32, #tpu.memory_space<vmem>> -> memref<8x128xf32, #tpu.memory_space<vmem>>
    tpu.enqueue_dma source(%dma_start3A_786 : memref<8x128xf32, #tpu.memory_space<vmem>>) target(%dma_start3A_782 : memref<8x128xf32, #tpu.memory_space<hbm>>) target_semaphore(%arg11 : memref<!tpu.dma_semaphore, #tpu.memory_space<semaphore_mem>>)
    %dma_wait3A_787 = arith.constant 0 : i32
    %dma_wait3A_788 = arith.constant 0 : i32
    %dma_wait3A_789 = arith.constant 0 : i32
    %dma_wait3A_790 = arith.constant 0 : i32
    %dma_wait3A_791 = arith.constant 0 : i32
    %dma_wait3A_792 = arith.constant 0 : i32
    %dma_wait3A_793 = tpu.memref_slice %arg9[%dma_wait3A_790, %dma_wait3A_791, %dma_wait3A_792] : memref<4x16x128xf32, #tpu.memory_space<vmem>> -> memref<1x8x128xf32, #tpu.memory_space<vmem>>
    %dma_wait3A_794 = tpu.memref_squeeze %dma_wait3A_793 : memref<1x8x128xf32, #tpu.memory_space<vmem>> -> memref<8x128xf32, #tpu.memory_space<vmem>>
    %dma_wait3A_795 = arith.constant 0 : i32
    %dma_wait3A_796 = arith.constant 0 : i32
    %dma_wait3A_797 = tpu.memref_slice %arg4[%dma_wait3A_787, %dma_wait3A_788, %dma_wait3A_789, %dma_wait3A_795, %dma_wait3A_796] : memref<26x2x128x8x128xf32, #tpu.memory_space<hbm>> -> memref<1x1x1x8x128xf32, #tpu.memory_space<hbm>>
    %dma_wait3A_798 = tpu.memref_squeeze %dma_wait3A_797 : memref<1x1x1x8x128xf32, #tpu.memory_space<hbm>> -> memref<8x128xf32, #tpu.memory_space<hbm>>
    %dma_wait3A_799 = arith.constant 0 : i32
    %dma_wait3A_800 = arith.constant 0 : i32
    %dma_wait3A_801 = tpu.memref_slice %arg9[%dma_wait3A_790, %dma_wait3A_799, %dma_wait3A_800] : memref<4x16x128xf32, #tpu.memory_space<vmem>> -> memref<1x8x128xf32, #tpu.memory_space<vmem>>
    %dma_wait3A_802 = tpu.memref_squeeze %dma_wait3A_801 : memref<1x8x128xf32, #tpu.memory_space<vmem>> -> memref<8x128xf32, #tpu.memory_space<vmem>>
    %dma_wait3A_803 = arith.constant 0 : i32
    %dma_wait3A_804 = arith.constant 0 : i32
    %dma_wait3A_805 = tpu.memref_slice %arg4[%dma_wait3A_787, %dma_wait3A_788, %dma_wait3A_789, %dma_wait3A_803, %dma_wait3A_804] : memref<26x2x128x8x128xf32, #tpu.memory_space<hbm>> -> memref<1x1x1x8x128xf32, #tpu.memory_space<hbm>>
    %dma_wait3A_806 = tpu.memref_squeeze %dma_wait3A_805 : memref<1x1x1x8x128xf32, #tpu.memory_space<hbm>> -> memref<8x128xf32, #tpu.memory_space<hbm>>
    tpu.wait_dma2 semaphore(%arg11 : memref<!tpu.dma_semaphore, #tpu.memory_space<semaphore_mem>>) src(%dma_wait3A_806 : memref<8x128xf32, #tpu.memory_space<hbm>>) dst(%dma_wait3A_802 : memref<8x128xf32, #tpu.memory_space<vmem>>)
    %dma_wait3A_807 = arith.constant 0 : i32
    %dma_wait3A_808 = arith.constant 0 : i32
    %dma_wait3A_809 = arith.constant 0 : i32
    %dma_wait3A_810 = arith.constant 0 : i32
    %dma_wait3A_811 = arith.constant 8 : i32
    %dma_wait3A_812 = arith.constant 0 : i32
    %dma_wait3A_813 = tpu.memref_slice %arg9[%dma_wait3A_810, %dma_wait3A_811, %dma_wait3A_812] : memref<4x16x128xf32, #tpu.memory_space<vmem>> -> memref<1x8x128xf32, #tpu.memory_space<vmem>>
    %dma_wait3A_814 = tpu.memref_squeeze %dma_wait3A_813 : memref<1x8x128xf32, #tpu.memory_space<vmem>> -> memref<8x128xf32, #tpu.memory_space<vmem>>
    %dma_wait3A_815 = arith.constant 0 : i32
    %dma_wait3A_816 = arith.constant 0 : i32
    %dma_wait3A_817 = tpu.memref_slice %arg4[%dma_wait3A_807, %dma_wait3A_808, %dma_wait3A_809, %dma_wait3A_815, %dma_wait3A_816] : memref<26x2x128x8x128xf32, #tpu.memory_space<hbm>> -> memref<1x1x1x8x128xf32, #tpu.memory_space<hbm>>
    %dma_wait3A_818 = tpu.memref_squeeze %dma_wait3A_817 : memref<1x1x1x8x128xf32, #tpu.memory_space<hbm>> -> memref<8x128xf32, #tpu.memory_space<hbm>>
    %dma_wait3A_819 = arith.constant 8 : i32
    %dma_wait3A_820 = arith.constant 0 : i32
    %dma_wait3A_821 = tpu.memref_slice %arg9[%dma_wait3A_810, %dma_wait3A_819, %dma_wait3A_820] : memref<4x16x128xf32, #tpu.memory_space<vmem>> -> memref<1x8x128xf32, #tpu.memory_space<vmem>>
    %dma_wait3A_822 = tpu.memref_squeeze %dma_wait3A_821 : memref<1x8x128xf32, #tpu.memory_space<vmem>> -> memref<8x128xf32, #tpu.memory_space<vmem>>
    %dma_wait3A_823 = arith.constant 0 : i32
    %dma_wait3A_824 = arith.constant 0 : i32
    %dma_wait3A_825 = tpu.memref_slice %arg4[%dma_wait3A_807, %dma_wait3A_808, %dma_wait3A_809, %dma_wait3A_823, %dma_wait3A_824] : memref<26x2x128x8x128xf32, #tpu.memory_space<hbm>> -> memref<1x1x1x8x128xf32, #tpu.memory_space<hbm>>
    %dma_wait3A_826 = tpu.memref_squeeze %dma_wait3A_825 : memref<1x1x1x8x128xf32, #tpu.memory_space<hbm>> -> memref<8x128xf32, #tpu.memory_space<hbm>>
    tpu.wait_dma2 semaphore(%arg11 : memref<!tpu.dma_semaphore, #tpu.memory_space<semaphore_mem>>) src(%dma_wait3A_826 : memref<8x128xf32, #tpu.memory_space<hbm>>) dst(%dma_wait3A_822 : memref<8x128xf32, #tpu.memory_space<vmem>>)
    %dma_wait3A_827 = arith.constant 0 : i32
    %dma_wait3A_828 = arith.constant 0 : i32
    %dma_wait3A_829 = arith.constant 0 : i32
    %dma_wait3A_830 = arith.constant 1 : i32
    %dma_wait3A_831 = arith.constant 0 : i32
    %dma_wait3A_832 = arith.constant 0 : i32
    %dma_wait3A_833 = tpu.memref_slice %arg9[%dma_wait3A_830, %dma_wait3A_831, %dma_wait3A_832] : memref<4x16x128xf32, #tpu.memory_space<vmem>> -> memref<1x8x128xf32, #tpu.memory_space<vmem>>
    %dma_wait3A_834 = tpu.memref_squeeze %dma_wait3A_833 : memref<1x8x128xf32, #tpu.memory_space<vmem>> -> memref<8x128xf32, #tpu.memory_space<vmem>>
    %dma_wait3A_835 = arith.constant 0 : i32
    %dma_wait3A_836 = arith.constant 0 : i32
    %dma_wait3A_837 = tpu.memref_slice %arg4[%dma_wait3A_827, %dma_wait3A_828, %dma_wait3A_829, %dma_wait3A_835, %dma_wait3A_836] : memref<26x2x128x8x128xf32, #tpu.memory_space<hbm>> -> memref<1x1x1x8x128xf32, #tpu.memory_space<hbm>>
    %dma_wait3A_838 = tpu.memref_squeeze %dma_wait3A_837 : memref<1x1x1x8x128xf32, #tpu.memory_space<hbm>> -> memref<8x128xf32, #tpu.memory_space<hbm>>
    %dma_wait3A_839 = arith.constant 0 : i32
    %dma_wait3A_840 = arith.constant 0 : i32
    %dma_wait3A_841 = tpu.memref_slice %arg9[%dma_wait3A_830, %dma_wait3A_839, %dma_wait3A_840] : memref<4x16x128xf32, #tpu.memory_space<vmem>> -> memref<1x8x128xf32, #tpu.memory_space<vmem>>
    %dma_wait3A_842 = tpu.memref_squeeze %dma_wait3A_841 : memref<1x8x128xf32, #tpu.memory_space<vmem>> -> memref<8x128xf32, #tpu.memory_space<vmem>>
    %dma_wait3A_843 = arith.constant 0 : i32
    %dma_wait3A_844 = arith.constant 0 : i32
    %dma_wait3A_845 = tpu.memref_slice %arg4[%dma_wait3A_827, %dma_wait3A_828, %dma_wait3A_829, %dma_wait3A_843, %dma_wait3A_844] : memref<26x2x128x8x128xf32, #tpu.memory_space<hbm>> -> memref<1x1x1x8x128xf32, #tpu.memory_space<hbm>>
    %dma_wait3A_846 = tpu.memref_squeeze %dma_wait3A_845 : memref<1x1x1x8x128xf32, #tpu.memory_space<hbm>> -> memref<8x128xf32, #tpu.memory_space<hbm>>
    tpu.wait_dma2 semaphore(%arg11 : memref<!tpu.dma_semaphore, #tpu.memory_space<semaphore_mem>>) src(%dma_wait3A_846 : memref<8x128xf32, #tpu.memory_space<hbm>>) dst(%dma_wait3A_842 : memref<8x128xf32, #tpu.memory_space<vmem>>)
    %dma_wait3A_847 = arith.constant 0 : i32
    %dma_wait3A_848 = arith.constant 0 : i32
    %dma_wait3A_849 = arith.constant 0 : i32
    %dma_wait3A_850 = arith.constant 1 : i32
    %dma_wait3A_851 = arith.constant 8 : i32
    %dma_wait3A_852 = arith.constant 0 : i32
    %dma_wait3A_853 = tpu.memref_slice %arg9[%dma_wait3A_850, %dma_wait3A_851, %dma_wait3A_852] : memref<4x16x128xf32, #tpu.memory_space<vmem>> -> memref<1x8x128xf32, #tpu.memory_space<vmem>>
    %dma_wait3A_854 = tpu.memref_squeeze %dma_wait3A_853 : memref<1x8x128xf32, #tpu.memory_space<vmem>> -> memref<8x128xf32, #tpu.memory_space<vmem>>
    %dma_wait3A_855 = arith.constant 0 : i32
    %dma_wait3A_856 = arith.constant 0 : i32
    %dma_wait3A_857 = tpu.memref_slice %arg4[%dma_wait3A_847, %dma_wait3A_848, %dma_wait3A_849, %dma_wait3A_855, %dma_wait3A_856] : memref<26x2x128x8x128xf32, #tpu.memory_space<hbm>> -> memref<1x1x1x8x128xf32, #tpu.memory_space<hbm>>
    %dma_wait3A_858 = tpu.memref_squeeze %dma_wait3A_857 : memref<1x1x1x8x128xf32, #tpu.memory_space<hbm>> -> memref<8x128xf32, #tpu.memory_space<hbm>>
    %dma_wait3A_859 = arith.constant 8 : i32
    %dma_wait3A_860 = arith.constant 0 : i32
    %dma_wait3A_861 = tpu.memref_slice %arg9[%dma_wait3A_850, %dma_wait3A_859, %dma_wait3A_860] : memref<4x16x128xf32, #tpu.memory_space<vmem>> -> memref<1x8x128xf32, #tpu.memory_space<vmem>>
    %dma_wait3A_862 = tpu.memref_squeeze %dma_wait3A_861 : memref<1x8x128xf32, #tpu.memory_space<vmem>> -> memref<8x128xf32, #tpu.memory_space<vmem>>
    %dma_wait3A_863 = arith.constant 0 : i32
    %dma_wait3A_864 = arith.constant 0 : i32
    %dma_wait3A_865 = tpu.memref_slice %arg4[%dma_wait3A_847, %dma_wait3A_848, %dma_wait3A_849, %dma_wait3A_863, %dma_wait3A_864] : memref<26x2x128x8x128xf32, #tpu.memory_space<hbm>> -> memref<1x1x1x8x128xf32, #tpu.memory_space<hbm>>
    %dma_wait3A_866 = tpu.memref_squeeze %dma_wait3A_865 : memref<1x1x1x8x128xf32, #tpu.memory_space<hbm>> -> memref<8x128xf32, #tpu.memory_space<hbm>>
    tpu.wait_dma2 semaphore(%arg11 : memref<!tpu.dma_semaphore, #tpu.memory_space<semaphore_mem>>) src(%dma_wait3A_866 : memref<8x128xf32, #tpu.memory_space<hbm>>) dst(%dma_wait3A_862 : memref<8x128xf32, #tpu.memory_space<vmem>>)
    %dma_wait3A_867 = arith.constant 0 : i32
    %dma_wait3A_868 = arith.constant 0 : i32
    %dma_wait3A_869 = arith.constant 0 : i32
    %dma_wait3A_870 = arith.constant 2 : i32
    %dma_wait3A_871 = arith.constant 0 : i32
    %dma_wait3A_872 = arith.constant 0 : i32
    %dma_wait3A_873 = tpu.memref_slice %arg9[%dma_wait3A_870, %dma_wait3A_871, %dma_wait3A_872] : memref<4x16x128xf32, #tpu.memory_space<vmem>> -> memref<1x8x128xf32, #tpu.memory_space<vmem>>
    %dma_wait3A_874 = tpu.memref_squeeze %dma_wait3A_873 : memref<1x8x128xf32, #tpu.memory_space<vmem>> -> memref<8x128xf32, #tpu.memory_space<vmem>>
    %dma_wait3A_875 = arith.constant 0 : i32
    %dma_wait3A_876 = arith.constant 0 : i32
    %dma_wait3A_877 = tpu.memref_slice %arg4[%dma_wait3A_867, %dma_wait3A_868, %dma_wait3A_869, %dma_wait3A_875, %dma_wait3A_876] : memref<26x2x128x8x128xf32, #tpu.memory_space<hbm>> -> memref<1x1x1x8x128xf32, #tpu.memory_space<hbm>>
    %dma_wait3A_878 = tpu.memref_squeeze %dma_wait3A_877 : memref<1x1x1x8x128xf32, #tpu.memory_space<hbm>> -> memref<8x128xf32, #tpu.memory_space<hbm>>
    %dma_wait3A_879 = arith.constant 0 : i32
    %dma_wait3A_880 = arith.constant 0 : i32
    %dma_wait3A_881 = tpu.memref_slice %arg9[%dma_wait3A_870, %dma_wait3A_879, %dma_wait3A_880] : memref<4x16x128xf32, #tpu.memory_space<vmem>> -> memref<1x8x128xf32, #tpu.memory_space<vmem>>
    %dma_wait3A_882 = tpu.memref_squeeze %dma_wait3A_881 : memref<1x8x128xf32, #tpu.memory_space<vmem>> -> memref<8x128xf32, #tpu.memory_space<vmem>>
    %dma_wait3A_883 = arith.constant 0 : i32
    %dma_wait3A_884 = arith.constant 0 : i32
    %dma_wait3A_885 = tpu.memref_slice %arg4[%dma_wait3A_867, %dma_wait3A_868, %dma_wait3A_869, %dma_wait3A_883, %dma_wait3A_884] : memref<26x2x128x8x128xf32, #tpu.memory_space<hbm>> -> memref<1x1x1x8x128xf32, #tpu.memory_space<hbm>>
    %dma_wait3A_886 = tpu.memref_squeeze %dma_wait3A_885 : memref<1x1x1x8x128xf32, #tpu.memory_space<hbm>> -> memref<8x128xf32, #tpu.memory_space<hbm>>
    tpu.wait_dma2 semaphore(%arg11 : memref<!tpu.dma_semaphore, #tpu.memory_space<semaphore_mem>>) src(%dma_wait3A_886 : memref<8x128xf32, #tpu.memory_space<hbm>>) dst(%dma_wait3A_882 : memref<8x128xf32, #tpu.memory_space<vmem>>)
    %dma_wait3A_887 = arith.constant 0 : i32
    %dma_wait3A_888 = arith.constant 0 : i32
    %dma_wait3A_889 = arith.constant 0 : i32
    %dma_wait3A_890 = arith.constant 2 : i32
    %dma_wait3A_891 = arith.constant 8 : i32
    %dma_wait3A_892 = arith.constant 0 : i32
    %dma_wait3A_893 = tpu.memref_slice %arg9[%dma_wait3A_890, %dma_wait3A_891, %dma_wait3A_892] : memref<4x16x128xf32, #tpu.memory_space<vmem>> -> memref<1x8x128xf32, #tpu.memory_space<vmem>>
    %dma_wait3A_894 = tpu.memref_squeeze %dma_wait3A_893 : memref<1x8x128xf32, #tpu.memory_space<vmem>> -> memref<8x128xf32, #tpu.memory_space<vmem>>
    %dma_wait3A_895 = arith.constant 0 : i32
    %dma_wait3A_896 = arith.constant 0 : i32
    %dma_wait3A_897 = tpu.memref_slice %arg4[%dma_wait3A_887, %dma_wait3A_888, %dma_wait3A_889, %dma_wait3A_895, %dma_wait3A_896] : memref<26x2x128x8x128xf32, #tpu.memory_space<hbm>> -> memref<1x1x1x8x128xf32, #tpu.memory_space<hbm>>
    %dma_wait3A_898 = tpu.memref_squeeze %dma_wait3A_897 : memref<1x1x1x8x128xf32, #tpu.memory_space<hbm>> -> memref<8x128xf32, #tpu.memory_space<hbm>>
    %dma_wait3A_899 = arith.constant 8 : i32
    %dma_wait3A_900 = arith.constant 0 : i32
    %dma_wait3A_901 = tpu.memref_slice %arg9[%dma_wait3A_890, %dma_wait3A_899, %dma_wait3A_900] : memref<4x16x128xf32, #tpu.memory_space<vmem>> -> memref<1x8x128xf32, #tpu.memory_space<vmem>>
    %dma_wait3A_902 = tpu.memref_squeeze %dma_wait3A_901 : memref<1x8x128xf32, #tpu.memory_space<vmem>> -> memref<8x128xf32, #tpu.memory_space<vmem>>
    %dma_wait3A_903 = arith.constant 0 : i32
    %dma_wait3A_904 = arith.constant 0 : i32
    %dma_wait3A_905 = tpu.memref_slice %arg4[%dma_wait3A_887, %dma_wait3A_888, %dma_wait3A_889, %dma_wait3A_903, %dma_wait3A_904] : memref<26x2x128x8x128xf32, #tpu.memory_space<hbm>> -> memref<1x1x1x8x128xf32, #tpu.memory_space<hbm>>
    %dma_wait3A_906 = tpu.memref_squeeze %dma_wait3A_905 : memref<1x1x1x8x128xf32, #tpu.memory_space<hbm>> -> memref<8x128xf32, #tpu.memory_space<hbm>>
    tpu.wait_dma2 semaphore(%arg11 : memref<!tpu.dma_semaphore, #tpu.memory_space<semaphore_mem>>) src(%dma_wait3A_906 : memref<8x128xf32, #tpu.memory_space<hbm>>) dst(%dma_wait3A_902 : memref<8x128xf32, #tpu.memory_space<vmem>>)
    %dma_wait3A_907 = arith.constant 0 : i32
    %dma_wait3A_908 = arith.constant 0 : i32
    %dma_wait3A_909 = arith.constant 0 : i32
    %dma_wait3A_910 = arith.constant 3 : i32
    %dma_wait3A_911 = arith.constant 0 : i32
    %dma_wait3A_912 = arith.constant 0 : i32
    %dma_wait3A_913 = tpu.memref_slice %arg9[%dma_wait3A_910, %dma_wait3A_911, %dma_wait3A_912] : memref<4x16x128xf32, #tpu.memory_space<vmem>> -> memref<1x8x128xf32, #tpu.memory_space<vmem>>
    %dma_wait3A_914 = tpu.memref_squeeze %dma_wait3A_913 : memref<1x8x128xf32, #tpu.memory_space<vmem>> -> memref<8x128xf32, #tpu.memory_space<vmem>>
    %dma_wait3A_915 = arith.constant 0 : i32
    %dma_wait3A_916 = arith.constant 0 : i32
    %dma_wait3A_917 = tpu.memref_slice %arg4[%dma_wait3A_907, %dma_wait3A_908, %dma_wait3A_909, %dma_wait3A_915, %dma_wait3A_916] : memref<26x2x128x8x128xf32, #tpu.memory_space<hbm>> -> memref<1x1x1x8x128xf32, #tpu.memory_space<hbm>>
    %dma_wait3A_918 = tpu.memref_squeeze %dma_wait3A_917 : memref<1x1x1x8x128xf32, #tpu.memory_space<hbm>> -> memref<8x128xf32, #tpu.memory_space<hbm>>
    %dma_wait3A_919 = arith.constant 0 : i32
    %dma_wait3A_920 = arith.constant 0 : i32
    %dma_wait3A_921 = tpu.memref_slice %arg9[%dma_wait3A_910, %dma_wait3A_919, %dma_wait3A_920] : memref<4x16x128xf32, #tpu.memory_space<vmem>> -> memref<1x8x128xf32, #tpu.memory_space<vmem>>
    %dma_wait3A_922 = tpu.memref_squeeze %dma_wait3A_921 : memref<1x8x128xf32, #tpu.memory_space<vmem>> -> memref<8x128xf32, #tpu.memory_space<vmem>>
    %dma_wait3A_923 = arith.constant 0 : i32
    %dma_wait3A_924 = arith.constant 0 : i32
    %dma_wait3A_925 = tpu.memref_slice %arg4[%dma_wait3A_907, %dma_wait3A_908, %dma_wait3A_909, %dma_wait3A_923, %dma_wait3A_924] : memref<26x2x128x8x128xf32, #tpu.memory_space<hbm>> -> memref<1x1x1x8x128xf32, #tpu.memory_space<hbm>>
    %dma_wait3A_926 = tpu.memref_squeeze %dma_wait3A_925 : memref<1x1x1x8x128xf32, #tpu.memory_space<hbm>> -> memref<8x128xf32, #tpu.memory_space<hbm>>
    tpu.wait_dma2 semaphore(%arg11 : memref<!tpu.dma_semaphore, #tpu.memory_space<semaphore_mem>>) src(%dma_wait3A_926 : memref<8x128xf32, #tpu.memory_space<hbm>>) dst(%dma_wait3A_922 : memref<8x128xf32, #tpu.memory_space<vmem>>)
    %dma_wait3A_927 = arith.constant 0 : i32
    %dma_wait3A_928 = arith.constant 0 : i32
    %dma_wait3A_929 = arith.constant 0 : i32
    %dma_wait3A_930 = arith.constant 3 : i32
    %dma_wait3A_931 = arith.constant 8 : i32
    %dma_wait3A_932 = arith.constant 0 : i32
    %dma_wait3A_933 = tpu.memref_slice %arg9[%dma_wait3A_930, %dma_wait3A_931, %dma_wait3A_932] : memref<4x16x128xf32, #tpu.memory_space<vmem>> -> memref<1x8x128xf32, #tpu.memory_space<vmem>>
    %dma_wait3A_934 = tpu.memref_squeeze %dma_wait3A_933 : memref<1x8x128xf32, #tpu.memory_space<vmem>> -> memref<8x128xf32, #tpu.memory_space<vmem>>
    %dma_wait3A_935 = arith.constant 0 : i32
    %dma_wait3A_936 = arith.constant 0 : i32
    %dma_wait3A_937 = tpu.memref_slice %arg4[%dma_wait3A_927, %dma_wait3A_928, %dma_wait3A_929, %dma_wait3A_935, %dma_wait3A_936] : memref<26x2x128x8x128xf32, #tpu.memory_space<hbm>> -> memref<1x1x1x8x128xf32, #tpu.memory_space<hbm>>
    %dma_wait3A_938 = tpu.memref_squeeze %dma_wait3A_937 : memref<1x1x1x8x128xf32, #tpu.memory_space<hbm>> -> memref<8x128xf32, #tpu.memory_space<hbm>>
    %dma_wait3A_939 = arith.constant 8 : i32
    %dma_wait3A_940 = arith.constant 0 : i32
    %dma_wait3A_941 = tpu.memref_slice %arg9[%dma_wait3A_930, %dma_wait3A_939, %dma_wait3A_940] : memref<4x16x128xf32, #tpu.memory_space<vmem>> -> memref<1x8x128xf32, #tpu.memory_space<vmem>>
    %dma_wait3A_942 = tpu.memref_squeeze %dma_wait3A_941 : memref<1x8x128xf32, #tpu.memory_space<vmem>> -> memref<8x128xf32, #tpu.memory_space<vmem>>
    %dma_wait3A_943 = arith.constant 0 : i32
    %dma_wait3A_944 = arith.constant 0 : i32
    %dma_wait3A_945 = tpu.memref_slice %arg4[%dma_wait3A_927, %dma_wait3A_928, %dma_wait3A_929, %dma_wait3A_943, %dma_wait3A_944] : memref<26x2x128x8x128xf32, #tpu.memory_space<hbm>> -> memref<1x1x1x8x128xf32, #tpu.memory_space<hbm>>
    %dma_wait3A_946 = tpu.memref_squeeze %dma_wait3A_945 : memref<1x1x1x8x128xf32, #tpu.memory_space<hbm>> -> memref<8x128xf32, #tpu.memory_space<hbm>>
    tpu.wait_dma2 semaphore(%arg11 : memref<!tpu.dma_semaphore, #tpu.memory_space<semaphore_mem>>) src(%dma_wait3A_946 : memref<8x128xf32, #tpu.memory_space<hbm>>) dst(%dma_wait3A_942 : memref<8x128xf32, #tpu.memory_space<vmem>>)
    return
  }
}

</mosaic_0001>

<sc_bundles>
// kernel: kernel.3.cloned.1.call-start
scs
__scs_entry_jumppad:
0x0: {  	(pc) =	sbr.rel $0x88, $3  }
0x1: {  	(tag) =	ssettag $0x0;
	lr =	simm.s32 $0x1  }
0x2: {  	[smem:$0x3F9F] =	sst lr;
	_ =	strace $0xD0000000  }
0x3: {  	_ = 	snop  }
0x4: {  	_ = 	snop  }
0x5: {  	_ = 	snop  }
0x6: {  	_ = 	snop  }
0x7: {  	_ = 	snop  }
__scs_overlays_trampoline_lowered:
0x8: {  	[smem:$0x3FAE] =	sst s0  }
0x9: {  	[smem:$0x3FAF] =	sst s1  }
0xa: {  	[smem:$0x3FB0] =	sst s2  }
0xb: {  	[smem:$0x3FB1] =	sst s3  }
0xc: {  	[smem:$0x3FB2] =	sst s4  }
0xd: {  	[smem:$0x3FB3] =	sst s5  }
0xe: {  	[smem:$0x3FB4] =	sst s6  }
0xf: {  	[smem:$0x3FB5] =	sst s7  }
0x10: {  	[smem:$0x3FB6] =	sst s8  }
0x11: {  	[smem:$0x3FB7] =	sst s9;
	s0 =	simm.s32 @!p0 $0x0  }
0x12: {  	s1 =	sld [smem:$0x3F9D];
	s0 =	simm.s32 @p0 $0x1  }
0x13: {  	[smem:$0x3FB8] =	sst s0;
	s0 =	simm.s32 @!p1 $0x0  }
0x14: {  	s2 =	sld [smem:$0x3F9C];
	s0 =	simm.s32 @p1 $0x1  }
0x15: {  	[smem:$0x3FB9] =	sst s0;
	s0 =	simm.s32 @!p2 $0x0  }
0x16: {  	s3 =	sld [smem:$0x3FDB];
	s0 =	simm.s32 @p2 $0x1  }
0x17: {  	s4 =	simm.s32 $0x1BF5;
	[smem:$0x3FBB] =	sst s0  }
0x18: {  	s0 =	sld [smem:$0x3F9E];
	_ =	swait.ge [sflag:s4], $0x0  }
0x19: {  	s7 =	sld [smem:$0x3F9F]  }
0x1a: {  	s8 =	sadd.s32 $0xFFFFE003, lr  }
0x1b: {  	s9 =	sadd.s32 $0xFFFFFEF7, lr;
	s5 =	simm.s32 $0xFFFFFFFF;
	p2 =	slt.u32 s8, $0xFFFFF086  }
0x1c: {  	p1 =	slt.u32 s9, $0xF7A;
	s5 =	simm.s32 @!p2 $0x0  }
0x1d: {  	s5 =	simm.s32 @p1 $0x1;
	p0 =	seq.s32 s7, s2  }
0x1e: {  	s7 =	smul.u32 @!p0 $0xF7A, s2;
	p2 =	seq.s32 @!p0 s5, $0x0  }
0x1f: {  	s9 =	smul.u32 $0xF7A, s1;
	s8 =	simm.s32 @!p0 $0x1BF5;
	p2 =	por !p2, p0  }
0x20: {  	[sflag:s8] =	ssyncset.s32 @!p0 $0xFFFFF086;
	s6 =	sadd.s32 @!p0 s3, s7;
	s7 =	simm.s32 @!p0 $0x108  }
0x21: {  	s3 =	sadd.s32 s3, s9;
	s6 =	sadd.s32 @!p0 $0x88, s6;
	s7 =	simm.s32 @p2 $0x1082  }
0x22: {  	[simem:s7], [sflag:s8] =	dma.local @!p0 [hbm:s6], $0xF7A  }
0x23: {  	s9 =	sor.u32 $0xD0000000, s2;
	s6 =	simm.s32 $0x108;
	_ =	swait.ge @!p0 [sflag:s8], $0x0  }
0x24: {  	s3 =	sadd.s32 $0x88, s3;
	s6 =	simm.s32 @!p1 $0x1082;
	[sflag:s4] =	ssyncset.s32 $0xFFFFF086  }
0x25: {  	[simem:s6], [sflag:s4] =	dma.local [hbm:s3], $0xF7A  }
0x26: {  	[smem:$0x3F9F] =	sst s1;
	(tag) =	ssettag s2;
	_ =	strace s9  }
0x27: {  	s1 =	sld [smem:$0x3FAF]  }
0x28: {  	s2 =	sld [smem:$0x3FB0]  }
0x29: {  	s4 =	sld [smem:$0x3FB2]  }
0x2a: {  	p0 =	seq.s32 s5, $0x0;
	s5 =	sld [smem:$0x3FB3]  }
0x2b: {  	s6 =	sld [smem:$0x3FB4]  }
0x2c: {  	s7 =	sld [smem:$0x3FB5]  }
0x2d: {  	s3 =	simm.s32 $0x108;
	s8 =	sld [smem:$0x3FB6]  }
0x2e: {  	s3 =	simm.s32 @!p0 $0x1082;
	s9 =	sld [smem:$0x3FB7]  }
0x2f: {  	lr =	sadd.s32 s0, s3;
	s0 =	sld [smem:$0x3FAE]  }
0x30: {  	s3 =	sld [smem:$0x3FB1]  }
0x31: {  	[smem:$0x3FBA] =	sst s10  }
0x32: {  	s10 =	sld [smem:$0x3FB8];
	_ =	sdelay $0x3  }
0x33: {  	p0 =	seq.s32 s10, $0x1;
	s10 =	sld [smem:$0x3FBA];
	_ =	sdelay $0x3  }
0x34: {  	[smem:$0x3FBA] =	sst s10  }
0x35: {  	s10 =	sld [smem:$0x3FB9];
	_ =	sdelay $0x3  }
0x36: {  	p1 =	seq.s32 s10, $0x1;
	s10 =	sld [smem:$0x3FBA];
	_ =	sdelay $0x3  }
0x37: {  	[smem:$0x3FBA] =	sst s10  }
0x38: {  	s10 =	sld [smem:$0x3FBB]  }
0x39: {  	_ = 	snop;
	(pc) =	sbr.ind lr, $3  }
0x3a: {  	_ = 	snop  }
0x3b: {  	_ = 	snop  }
0x3c: {  	p2 =	seq.s32 s10, $0x1;
	s10 =	sld [smem:$0x3FBA]  }
0x3d: {  	_ =	shalt  }
0x3e: {  	_ =	shalt  }
0x3f: {  	_ =	shalt  }
0x40: {  	_ =	shalt  }
0x41: {  	_ =	shalt  }
0x42: {  	_ =	shalt  }
0x43: {  	_ =	shalt  }
0x44: {  	_ =	shalt  }
0x45: {  	_ =	shalt  }
0x46: {  	_ =	shalt  }
0x47: {  	_ =	shalt  }
0x48: {  	_ =	shalt  }
0x49: {  	_ =	shalt  }
0x4a: {  	_ =	shalt  }
0x4b: {  	_ =	shalt  }
0x4c: {  	_ =	shalt  }
0x4d: {  	_ =	shalt  }
0x4e: {  	_ =	shalt  }
0x4f: {  	_ =	shalt  }
0x50: {  	_ =	shalt  }
0x51: {  	_ =	shalt  }
0x52: {  	_ =	shalt  }
0x53: {  	_ =	shalt  }
0x54: {  	_ =	shalt  }
0x55: {  	_ =	shalt  }
0x56: {  	_ =	shalt  }
0x57: {  	_ =	shalt  }
0x58: {  	_ =	shalt  }
0x59: {  	_ =	shalt  }
0x5a: {  	_ =	shalt  }
0x5b: {  	_ =	shalt  }
0x5c: {  	_ =	shalt  }
0x5d: {  	_ =	shalt  }
0x5e: {  	_ =	shalt  }
0x5f: {  	_ =	shalt  }
0x60: {  	_ =	shalt  }
0x61: {  	_ =	shalt  }
0x62: {  	_ =	shalt  }
0x63: {  	_ =	shalt  }
0x64: {  	_ =	shalt  }
0x65: {  	_ =	shalt  }
0x66: {  	_ =	shalt  }
0x67: {  	_ =	shalt  }
0x68: {  	_ =	shalt  }
0x69: {  	_ =	shalt  }
0x6a: {  	_ =	shalt  }
0x6b: {  	_ =	shalt  }
0x6c: {  	_ =	shalt  }
0x6d: {  	_ =	shalt  }
0x6e: {  	_ =	shalt  }
0x6f: {  	_ =	shalt  }
0x70: {  	_ =	shalt  }
0x71: {  	_ =	shalt  }
0x72: {  	_ =	shalt  }
0x73: {  	_ =	shalt  }
0x74: {  	_ =	shalt  }
0x75: {  	_ =	shalt  }
0x76: {  	_ =	shalt  }
0x77: {  	_ =	shalt  }
0x78: {  	_ =	shalt  }
0x79: {  	_ =	shalt  }
0x7a: {  	_ =	shalt  }
0x7b: {  	_ =	shalt  }
0x7c: {  	_ =	shalt  }
0x7d: {  	_ =	shalt  }
0x7e: {  	_ =	shalt  }
0x7f: {  	_ =	shalt  }
0x80: {  	_ =	shalt  }
0x81: {  	_ =	shalt  }
0x82: {  	_ =	shalt  }
0x83: {  	_ =	shalt  }
0x84: {  	_ =	shalt  }
0x85: {  	_ =	shalt  }
0x86: {  	_ =	shalt  }
0x87: {  	_ =	shalt  }
.Lfunc_end0:
.L_simem_size_0:
called_computation_lowered:
.L_overlay_start_0:
0x88: {  	s2 =	sld [smem:$0x3FD9]  }
0x89: {  	s3 =	sld [smem:$0x3FFE];
	_ =	sdelay $0x1  }
0x8a: {  	s1 =	srdreg.scid  }
0x8b: {  	s0 =	sand.u32 $0x1, s1  }
0x8c: {  	s17 =	sshll.u32 s0, $0xA;
	s2 =	sadd.s32 s3, s2  }
0x8d: {  	s2 =	sadd.s32 s2, s17  }
0x8e: {  	[smem:$0x3FC6] =	sst s2  }
0x8f: {  	_ = 	snop  }
0x90: {  	s2 =	sld [smem:$0x3FD0];
	(tm) =	ssettm $0x1  }
0x91: {  	s18 =	sld [smem:$0x3FFB];
	_ =	sdelay $0x3  }
0x92: {  	_ =	strace s18  }
0x93: {  	s3 =	sld [smem:$0x3FFC];
	_ =	sdelay $0x3  }
0x94: {  	_ =	strace s3  }
0x95: {  	s3 =	sld [smem:$0x3FFD];
	_ =	sdelay $0x3  }
0x96: {  	_ =	strace s3  }
0x97: {  	_ =	strace $0x8FFFFFFF  }
0x98: {  	s19 =	sld [smem:$0x3FDB];
	_ =	sdelay $0x1  }
0x99: {  	s4 =	simm.s32 $_scs_section_size  }
0x9a: {  	s5 =	simm.s32 $_size__tile_overlayer_lowered;
	s6 =	simm.s32 $_tile_overlayer_lowered  }
0x9b: {  	s22 =	simm.s32 $0x1BFF;
	s21 =	sshll.u32 s6, $0x1;
	s3 =	sadd.s32 s4, s19  }
0x9c: {  	s7 =	simm.s32 $0x0;
	s20 =	sshll.u32 s5, $0x1;
	s5 =	sadd.s32 s21, s3  }
0x9d: {  	[timem:s7], [sflag:s22] =	dma.local [hbm:s5], s20  }
0x9e: {  	_ =	swait.ge [sflag:s22], s20  }
0x9f: {  	s4 =	ssub.s32 $0x0, s20;
	[sflag:s22] =	ssyncset.done $0x0  }
0xa0: {  	[sflag:s22] =	ssyncadd.s32 s4;
	_ =	sdelay $0x1  }
0xa1: {  	s23 =	simm.s32 $0x1B8B  }
0xa2: {  	_ =	swait.ge [sflag:s23], $0x1  }
0xa3: {  	[sflag:s23] =	ssyncset.done $0x0  }
0xa4: {  	s25 =	simm.s32 $0x1B8E;
	s24 =	sld [smem:$0x3FFE];
	[sflag:s23] =	ssyncadd.s32 $0xFFFFFFFF  }
0xa5: {  	s26 =	simm.s32 $execute0_lowered;
	[smem:$0x3FD2] =	sst s25  }
0xa6: {  	s5 =	sshll.u32 s26, $0x1;
	_ =	strace $0x80000046;
	[dreg:$0x1] =	wrdreg $0xFFFFFFFF  }
0xa7: {  	s28 =	simm.s32 $_size_execute0_lowered;
	s3 =	sadd.s32 s3, s5;
	[dreg:$0x0] =	wrdreg $0x0  }
0xa8: {  	s5 =	sshll.u32 s28, $0x1;
	[dreg:$0x2] =	wrdreg s3  }
0xa9: {  	[dreg:$0x3] =	wrdreg s5  }
0xaa: {  	[dreg:$0x4] =	wrdreg $0xC0  }
0xab: {  	_ =	task [dreg:s7], $0x5FFFF  }
0xac: {  	[dreg:$0x1] =	wrdreg $0xFFFFFFFF  }
0xad: {  	[dreg:$0x0] =	wrdreg $0x60  }
0xae: {  	[dreg:$0x2] =	wrdreg s24  }
0xaf: {  	[dreg:$0x3] =	wrdreg s2  }
0xb0: {  	[dreg:$0x4] =	wrdreg $0x9  }
0xb1: {  	_ =	task.clear_ibuf [dreg:s7], $0x5FFFF;
	_ =	strace $0x90000046  }
0xb2: {  	s29 =	simm.s32 $0x9;
	_ =	strace $0x80000048  }
0xb3: {  	_ =	swait.ge [sflag:s29], $0x1  }
0xb4: {  	[sflag:s29] =	ssyncadd.s32 $0xFFFFFFFF  }
0xb5: {  	_ =	strace $0x90000048  }
0xb6: {  	_ =	sfence  }
0xb7: {  	s30 =	sld [smem:$0x0];
	_ =	sdelay $0x2  }
0xb8: {  	s31 =	sshll.u32 s1, $0xD;
	s1 =	sshrl.u32 s1, $0x2  }
0xb9: {  	s3 =	sand.u32 $0x4000, s31;
	s1 =	sadd.s32 s1, s30  }
0xba: {  	s0 =	sor.u32 s3, s0;
	s1 =	sshll.u32 s1, $0x11  }
0xbb: {  	s0 =	sor.u32 s1, s0  }
0xbc: {  	s0 =	sadd.s32 $0x8F2B, s0  }
0xbd: {  	[sflag:s0] =	ssyncadd.remote.s32 $0x1  }
0xbe: {  	_ =	sfence.sel $0xFFFF  }
0xbf: {  	[dreg:$0x0] =	wrdreg $0xFFFFFFFF;
	(pc) =	sbr.abs _section_cstart, $3  }
0xc0: {  	[dreg:$0x1] =	wrdreg $0xFFFFFFFF  }
0xc1: {  	_ =	task.clear_ibuf [dreg:s7], $0x2FFFF;
	_ =	strace $0x9FFFFFFF  }
0xc2: {  	(tm) =	ssettm $0x7FFFFFFF  }
0xc3: {  	_ =	shalt  }
tec
execute0_lowered:
.L_overlay_start_1:
0x0: {  	(tag) =	ssettag $0x1  }
0x1: {  	s0 =	srdreg.scid;
	s2 =	stileid.u32  }
0x2: {  	s1 =	rddreg [dreg:$0x0];
	v24 =	vlaneseq.u32;
	s14 =	simm.s32 $0x80;
	s18 =	simm.s32 $0x7800  }
0x3: {  	s20 =	simm.s32 $0xB800;
	s21 =	simm.s32 $0x1;
	s22 =	simm.s32 $0x2;
	v0 =	vmul.u32 $0x1A, v24  }
0x4: {  	s28 =	simm.s32 $0xF800;
	s30 =	simm.s32 $0x15400;
	s31 =	simm.s32 $0x0  }
0x5: {  	s0 =	sand.u32 $0x1, s0;
	s3 =	sshll.u32 s2, $0x1;
	s2 =	rddreg [dreg:$0x1];
	v24 =	vmul.u32 $0x80, v24;
	v1 =	vadd.s32 $0x1A0, v0;
	v2 =	vadd.s32 $0x340, v0  }
0x6: {  	s6 =	sor.u32 s0, s3;
	s3 =	simm.s32 $0x0;
	s0 =	ssub.s32 $0x2, s0;
	v3 =	vadd.s32 $0x4E0, v0;
	v4 =	vadd.s32 $0x680, v0;
	v5 =	vadd.s32 $0x820, v0  }
0x7: {  	s4 =	smul.u32 $0x680, s6;
	[smem:$0x7FF] =	sst s3;
	s29 =	sshll.u32 s6, $0x9;
	v6 =	vadd.s32 $0x9C0, v0;
	v7 =	vadd.s32 $0xB60, v0;
	v8 =	vadd.s32 $0xD00, v0  }
0x8: {  	s7 =	sshrl.u32 s0, $0x1;
	s6 =	sshll.u32 s6, $0xC;
	v9 =	vadd.s32 $0xEA0, v0;
	v10 =	vadd.s32 $0x1040, v0;
	v11 =	vadd.s32 $0x11E0, v0;
	_ =	strace $0x80000047  }
0x9: {  	v12 =	vadd.s32 $0x1380, v0;
	v13 =	vadd.s32 $0x1520, v0;
	v14 =	vadd.s32 $0x16C0, v0;
	s0 =	ssub.s32 s0, s7;
	s5 =	sadd.s32 s4, s1;
	s4 =	sadd.s32 $0x27ACA00, s1  }
0xa: {  	v15 =	vadd.s32 $0x1860, v0;
	v16 =	vor.u32 $0x1A00, v0;
	v17 =	vadd.s32 $0x1BA0, v0;
	s1 =	sadd.s32 s29, s2;
	s13 =	smax.u32 s0, $0x1;
	s5 =	sadd.s32 $0x600, s5  }
0xb: {  	v18 =	vadd.s32 $0x1D40, v0;
	v19 =	vadd.s32 $0x1EE0, v0;
	v20 =	vadd.s32 $0x2080, v0;
	s7 =	sadd.s32 $0xC8080, s1;
	s8 =	sadd.s32 $0xCC080, s1;
	s9 =	sadd.s32 $0xC8100, s1  }
0xc: {  	v21 =	vadd.s32 $0x2220, v0;
	v22 =	vadd.s32 $0x23C0, v0;
	v23 =	vadd.s32 $0x2560, v0;
	s10 =	sadd.s32 $0xCC100, s1;
	s11 =	sadd.s32 $0xC8180, s1;
	s12 =	sadd.s32 $0xCC180, s1  }
.LBB2_1:
0xd: {  	[tilespmem:s3], [sflag:$0x3] =	stream.linear.gather [hbm4b:s5+s3], $0x3400, $0x38;
	[tilespmem:$0x15800] =	vst v63  }
0xe: {  	s1 =	simm.s32 $0x3  }
0xf: {  	_ =	swait.ge [sflag:s1], $0x3400  }
0x10: {  	[sflag:s1] =	ssyncset.done $0x0  }
0x11: {  	[sflag:s1] =	ssyncadd.s32 $0xFFFFCC00  }
0x12: {  	v25 =	vld.idx.msk [tilespmem:v0+s3+$0x0], $0xffff;
	_ =	sdelay $0x4  }
0x13: {  	[tilespmem:$0x3400] =	vst v25;
	v25 =	vshrl.u32 v25, $0x3  }
0x14: {  	[tilespmem:$0x3600] =	vst v25  }
0x15: {  	v25 =	vld.idx.msk [tilespmem:v1+s3+$0x0], $0xffff;
	_ =	sdelay $0x4  }
0x16: {  	[tilespmem:$0x3410] =	vst v25;
	v25 =	vshrl.u32 v25, $0x3  }
0x17: {  	[tilespmem:$0x3610] =	vst v25  }
0x18: {  	v25 =	vld.idx.msk [tilespmem:v2+s3+$0x0], $0xffff;
	_ =	sdelay $0x4  }
0x19: {  	[tilespmem:$0x3420] =	vst v25;
	v25 =	vshrl.u32 v25, $0x3  }
0x1a: {  	[tilespmem:$0x3620] =	vst v25  }
0x1b: {  	v25 =	vld.idx.msk [tilespmem:v3+s3+$0x0], $0xffff;
	_ =	sdelay $0x4  }
0x1c: {  	[tilespmem:$0x3430] =	vst v25;
	v25 =	vshrl.u32 v25, $0x3  }
0x1d: {  	[tilespmem:$0x3630] =	vst v25  }
0x1e: {  	v25 =	vld.idx.msk [tilespmem:v4+s3+$0x0], $0xffff;
	_ =	sdelay $0x4  }
0x1f: {  	[tilespmem:$0x3440] =	vst v25;
	v25 =	vshrl.u32 v25, $0x3  }
0x20: {  	[tilespmem:$0x3640] =	vst v25  }
0x21: {  	v25 =	vld.idx.msk [tilespmem:v5+s3+$0x0], $0xffff;
	_ =	sdelay $0x4  }
0x22: {  	[tilespmem:$0x3450] =	vst v25;
	v25 =	vshrl.u32 v25, $0x3  }
0x23: {  	[tilespmem:$0x3650] =	vst v25  }
0x24: {  	v25 =	vld.idx.msk [tilespmem:v6+s3+$0x0], $0xffff;
	_ =	sdelay $0x4  }
0x25: {  	[tilespmem:$0x3460] =	vst v25;
	v25 =	vshrl.u32 v25, $0x3  }
0x26: {  	[tilespmem:$0x3660] =	vst v25  }
0x27: {  	v25 =	vld.idx.msk [tilespmem:v7+s3+$0x0], $0xffff;
	_ =	sdelay $0x4  }
0x28: {  	[tilespmem:$0x3470] =	vst v25;
	v25 =	vshrl.u32 v25, $0x3  }
0x29: {  	s0 =	simm.s32 $0x3600;
	s15 =	simm.s32 $0x3800;
	[tilespmem:$0x3670] =	vst v25  }
0x2a: {  	[tilespmem:s15], [sflag:$0x1] =	stream.indirect.gather [hbm4b:s4+s14], $0x80, s0, s14, $0xb8;
	[tilespmem:$0x15800] =	vst v63  }
0x2b: {  	v25 =	vld.idx.msk [tilespmem:v8+s3+$0x0], $0xffff;
	_ =	sdelay $0x4  }
0x2c: {  	[tilespmem:$0x3480] =	vst v25;
	v25 =	vshrl.u32 v25, $0x3  }
0x2d: {  	[tilespmem:$0x3680] =	vst v25  }
0x2e: {  	v25 =	vld.idx.msk [tilespmem:v9+s3+$0x0], $0xffff;
	_ =	sdelay $0x4  }
0x2f: {  	[tilespmem:$0x3490] =	vst v25;
	v25 =	vshrl.u32 v25, $0x3  }
0x30: {  	[tilespmem:$0x3690] =	vst v25  }
0x31: {  	v25 =	vld.idx.msk [tilespmem:v10+s3+$0x0], $0xffff;
	_ =	sdelay $0x4  }
0x32: {  	[tilespmem:$0x34A0] =	vst v25;
	v25 =	vshrl.u32 v25, $0x3  }
0x33: {  	[tilespmem:$0x36A0] =	vst v25  }
0x34: {  	v25 =	vld.idx.msk [tilespmem:v11+s3+$0x0], $0xffff;
	_ =	sdelay $0x4  }
0x35: {  	[tilespmem:$0x34B0] =	vst v25;
	v25 =	vshrl.u32 v25, $0x3  }
0x36: {  	[tilespmem:$0x36B0] =	vst v25  }
0x37: {  	v25 =	vld.idx.msk [tilespmem:v12+s3+$0x0], $0xffff;
	_ =	sdelay $0x4  }
0x38: {  	[tilespmem:$0x34C0] =	vst v25;
	v25 =	vshrl.u32 v25, $0x3  }
0x39: {  	[tilespmem:$0x36C0] =	vst v25  }
0x3a: {  	v25 =	vld.idx.msk [tilespmem:v13+s3+$0x0], $0xffff;
	_ =	sdelay $0x4  }
0x3b: {  	[tilespmem:$0x34D0] =	vst v25;
	v25 =	vshrl.u32 v25, $0x3  }
0x3c: {  	[tilespmem:$0x36D0] =	vst v25  }
0x3d: {  	v25 =	vld.idx.msk [tilespmem:v14+s3+$0x0], $0xffff;
	_ =	sdelay $0x4  }
0x3e: {  	[tilespmem:$0x34E0] =	vst v25;
	v25 =	vshrl.u32 v25, $0x3  }
0x3f: {  	[tilespmem:$0x36E0] =	vst v25  }
0x40: {  	v25 =	vld.idx.msk [tilespmem:v15+s3+$0x0], $0xffff;
	_ =	sdelay $0x4  }
0x41: {  	[tilespmem:$0x34F0] =	vst v25;
	v25 =	vshrl.u32 v25, $0x3  }
0x42: {  	s26 =	simm.s32 $0x3680;
	[tilespmem:$0x36F0] =	vst v25  }
0x43: {  	[tilespmem:s18], [sflag:$0x1] =	stream.indirect.gather [hbm4b:s4+s14], $0x80, s26, s14, $0xb8;
	[tilespmem:$0x15800] =	vst v63  }
0x44: {  	v25 =	vld.idx.msk [tilespmem:v16+s3+$0x0], $0xffff;
	_ =	sdelay $0x4  }
0x45: {  	[tilespmem:$0x3500] =	vst v25;
	v25 =	vshrl.u32 v25, $0x3  }
0x46: {  	[tilespmem:$0x3700] =	vst v25  }
0x47: {  	v25 =	vld.idx.msk [tilespmem:v17+s3+$0x0], $0xffff;
	_ =	sdelay $0x4  }
0x48: {  	[tilespmem:$0x3510] =	vst v25;
	v25 =	vshrl.u32 v25, $0x3  }
0x49: {  	[tilespmem:$0x3710] =	vst v25  }
0x4a: {  	v25 =	vld.idx.msk [tilespmem:v18+s3+$0x0], $0xffff;
	_ =	sdelay $0x4  }
0x4b: {  	[tilespmem:$0x3520] =	vst v25;
	v25 =	vshrl.u32 v25, $0x3  }
0x4c: {  	[tilespmem:$0x3720] =	vst v25  }
0x4d: {  	v25 =	vld.idx.msk [tilespmem:v19+s3+$0x0], $0xffff;
	_ =	sdelay $0x4  }
0x4e: {  	[tilespmem:$0x3530] =	vst v25;
	v25 =	vshrl.u32 v25, $0x3  }
0x4f: {  	[tilespmem:$0x3730] =	vst v25  }
0x50: {  	v25 =	vld.idx.msk [tilespmem:v20+s3+$0x0], $0xffff;
	_ =	sdelay $0x4  }
0x51: {  	[tilespmem:$0x3540] =	vst v25;
	v25 =	vshrl.u32 v25, $0x3  }
0x52: {  	[tilespmem:$0x3740] =	vst v25  }
0x53: {  	v25 =	vld.idx.msk [tilespmem:v21+s3+$0x0], $0xffff;
	_ =	sdelay $0x4  }
0x54: {  	[tilespmem:$0x3550] =	vst v25;
	v25 =	vshrl.u32 v25, $0x3  }
0x55: {  	[tilespmem:$0x3750] =	vst v25  }
0x56: {  	v25 =	vld.idx.msk [tilespmem:v22+s3+$0x0], $0xffff;
	_ =	sdelay $0x4  }
0x57: {  	[tilespmem:$0x3560] =	vst v25;
	v25 =	vshrl.u32 v25, $0x3  }
0x58: {  	[tilespmem:$0x3760] =	vst v25  }
0x59: {  	v25 =	vld.idx.msk [tilespmem:v23+s3+$0x0], $0xffff;
	_ =	sdelay $0x4  }
0x5a: {  	[tilespmem:$0x3570] =	vst v25;
	v25 =	vshrl.u32 v25, $0x3  }
0x5b: {  	s29 =	simm.s32 $0x3700;
	s0 =	simm.s32 $0x0;
	[tilespmem:$0x3770] =	vst v25  }
0x5c: {  	[tilespmem:s20], [sflag:$0x1] =	stream.indirect.gather [hbm4b:s4+s14], $0x80, s29, s14, $0xb8;
	[tilespmem:$0x15800] =	vst v63  }
.LBB2_2:
0x5d: {  	s15 =	sand.u32 $0x3, s1  }
0x5e: {  	s16 =	smul.u32 $0xD00, s15  }
0x5f: {  	s17 =	sshrl.u32 s1, $0x2  }
0x60: {  	s16 =	sadd.s32 s17, s16  }
0x61: {  	v25 =	vadd.s32 s16, v0;
	_ =	sdelay $0x2  }
0x62: {  	s16 =	sshll.u32 s15, $0x7  }
0x63: {  	s19 =	sor.u32 $0x10, s16  }
0x64: {  	s19 =	smul.u32 $0x1A, s19;
	v25 =	vld.idx.msk [tilespmem:v25+s3+$0x0], $0xffff;
	_ =	sdelay $0x1  }
0x65: {  	s19 =	sadd.s32 s17, s19  }
0x66: {  	s23 =	smul.u32 $0x186A0, s17;
	v26 =	vadd.s32 s19, v0;
	_ =	sdelay $0x1  }
0x67: {  	v25 =	vadd.s32 s23, v25  }
0x68: {  	[tilespmem:s16+$0x3400] =	vst v25;
	v25 =	vshrl.u32 v25, $0x3  }
0x69: {  	s26 =	sor.u32 $0x20, s16;
	[tilespmem:s16+$0x3600] =	vst v25  }
0x6a: {  	s19 =	smul.u32 $0x1A, s26;
	v25 =	vld.idx.msk [tilespmem:v26+s3+$0x0], $0xffff;
	_ =	sdelay $0x1  }
0x6b: {  	s19 =	sadd.s32 s17, s19  }
0x6c: {  	v26 =	vadd.s32 s19, v0;
	_ =	sdelay $0x1  }
0x6d: {  	v25 =	vadd.s32 s23, v25  }
0x6e: {  	[tilespmem:s16+$0x3410] =	vst v25;
	v25 =	vshrl.u32 v25, $0x3  }
0x6f: {  	s29 =	sor.u32 $0x30, s16;
	[tilespmem:s16+$0x3610] =	vst v25  }
0x70: {  	s19 =	smul.u32 $0x1A, s29;
	v25 =	vld.idx.msk [tilespmem:v26+s3+$0x0], $0xffff;
	_ =	sdelay $0x1  }
0x71: {  	s19 =	sadd.s32 s17, s19  }
0x72: {  	v26 =	vadd.s32 s19, v0;
	_ =	sdelay $0x1  }
0x73: {  	v25 =	vadd.s32 s23, v25  }
0x74: {  	[tilespmem:s16+$0x3420] =	vst v25;
	v25 =	vshrl.u32 v25, $0x3  }
0x75: {  	s24 =	sor.u32 $0x40, s16;
	[tilespmem:s16+$0x3620] =	vst v25  }
0x76: {  	s19 =	smul.u32 $0x1A, s24;
	v25 =	vld.idx.msk [tilespmem:v26+s3+$0x0], $0xffff;
	_ =	sdelay $0x1  }
0x77: {  	s19 =	sadd.s32 s17, s19  }
0x78: {  	v26 =	vadd.s32 s19, v0;
	_ =	sdelay $0x1  }
0x79: {  	v25 =	vadd.s32 s23, v25  }
0x7a: {  	[tilespmem:s16+$0x3430] =	vst v25;
	v25 =	vshrl.u32 v25, $0x3  }
0x7b: {  	s25 =	sor.u32 $0x50, s16;
	[tilespmem:s16+$0x3630] =	vst v25  }
0x7c: {  	s19 =	smul.u32 $0x1A, s25;
	v25 =	vld.idx.msk [tilespmem:v26+s3+$0x0], $0xffff;
	_ =	sdelay $0x1  }
0x7d: {  	s19 =	sadd.s32 s17, s19  }
0x7e: {  	v26 =	vadd.s32 s19, v0;
	_ =	sdelay $0x1  }
0x7f: {  	v25 =	vadd.s32 s23, v25  }
0x80: {  	[tilespmem:s16+$0x3440] =	vst v25;
	v25 =	vshrl.u32 v25, $0x3  }
0x81: {  	s26 =	sor.u32 $0x60, s16;
	[tilespmem:s16+$0x3640] =	vst v25  }
0x82: {  	s19 =	smul.u32 $0x1A, s26;
	v25 =	vld.idx.msk [tilespmem:v26+s3+$0x0], $0xffff;
	_ =	sdelay $0x1  }
0x83: {  	s19 =	sadd.s32 s17, s19  }
0x84: {  	v26 =	vadd.s32 s19, v0;
	_ =	sdelay $0x1  }
0x85: {  	v25 =	vadd.s32 s23, v25  }
0x86: {  	[tilespmem:s16+$0x3450] =	vst v25;
	v25 =	vshrl.u32 v25, $0x3  }
0x87: {  	s29 =	sor.u32 $0x70, s16;
	[tilespmem:s16+$0x3650] =	vst v25  }
0x88: {  	s19 =	smul.u32 $0x1A, s29;
	v25 =	vld.idx.msk [tilespmem:v26+s3+$0x0], $0xffff;
	_ =	sdelay $0x1  }
0x89: {  	s17 =	sadd.s32 s17, s19  }
0x8a: {  	v26 =	vadd.s32 s17, v0;
	_ =	sdelay $0x1  }
0x8b: {  	v25 =	vadd.s32 s23, v25  }
0x8c: {  	[tilespmem:s16+$0x3460] =	vst v25;
	v25 =	vshrl.u32 v25, $0x3  }
0x8d: {  	[tilespmem:s16+$0x3660] =	vst v25  }
0x8e: {  	v25 =	vld.idx.msk [tilespmem:v26+s3+$0x0], $0xffff;
	_ =	sdelay $0x4  }
0x8f: {  	v25 =	vadd.s32 s23, v25  }
0x90: {  	s15 =	sshll.u32 s15, $0xE;
	[tilespmem:s16+$0x3470] =	vst v25;
	v25 =	vshrl.u32 v25, $0x3  }
0x91: {  	s15 =	sor.u32 $0x3800, s15;
	s23 =	sor.u32 $0x3600, s16;
	[tilespmem:s16+$0x3670] =	vst v25  }
0x92: {  	[tilespmem:s15], [sflag:$0x1] =	stream.indirect.gather [hbm4b:s4+s14], $0x80, s23, s14, $0xb8;
	[tilespmem:$0x15800] =	vst v63  }
0x93: {  	_ =	swait.ge [sflag:s21], $0x4000  }
0x94: {  	p0 =	slt.u32 s1, $0x7;
	[sflag:s21] =	ssyncset.done $0x0  }
0x95: {  	s16 =	simm.s32 @!p0 $0x2;
	[sflag:s21] =	ssyncadd.s32 $0xFFFFC000  }
0x96: {  	_ =	swait.ge @!p0 [sflag:s16], $0x400  }
0x97: {  	[sflag:s16] =	ssyncset.done @!p0 $0x0  }
0x98: {  	[sflag:s16] =	ssyncadd.s32 @!p0 $0xFFFFFC00  }
0x99: {  	s24 =	sand.u32 $0x3, s0;
	_ =	swait.ge @!p0 [sflag:s16], $0x400  }
0x9a: {  	s25 =	sshll.u32 s24, $0x7;
	[sflag:s16] =	ssyncset.done @!p0 $0x0  }
0x9b: {  	s15 =	sor.u32 $0x3400, s25;
	[sflag:s16] =	ssyncadd.s32 @!p0 $0xFFFFFC00  }
0x9c: {  	v25 =	vld [tilespmem:s15+$0x0];
	_ =	sdelay $0x2  }
0x9d: {  	s26 =	simm.s32 $0x0  }
0x9e: {  	v26 =	vmov s26  }
0x9f: {  	v26 =	vshll.u32 v26, $0x7;
	v25 =	vshll.u32 v25, $0x4  }
0xa0: {  	v26 =	vor.u32 v24, v26;
	v25 =	vand.u32 $0x70, v25  }
0xa1: {  	v25 =	vor.u32 v26, v25  }
0xa2: {  	s16 =	sadd.s32 $0xFFFFFFFD, s1  }
0xa3: {  	s17 =	sand.u32 $0x3, s16  }
0xa4: {  	s29 =	sshll.u32 s17, $0xE  }
0xa5: {  	s23 =	sor.u32 $0x3800, s29  }
0xa6: {  	v26 =	vld.idx.msk [tilespmem:v25+s23+$0x0], $0xffff  }
0xa7: {  	v27 =	vor.u32 $0x1, v25;
	_ =	sdelay $0x1  }
0xa8: {  	s19 =	sshll.u32 s24, $0xB  }
0xa9: {  	s19 =	sadd.s32 $0x13C00, s19  }
0xaa: {  	[tilespmem:s19+$0xFFFFFC00] =	vst v26  }
0xab: {  	v26 =	vld.idx.msk [tilespmem:v27+s23+$0x0], $0xffff  }
0xac: {  	v27 =	vor.u32 $0x2, v25;
	_ =	sdelay $0x3  }
0xad: {  	[tilespmem:s19+$0xFFFFFC80] =	vst v26  }
0xae: {  	v26 =	vld.idx.msk [tilespmem:v27+s23+$0x0], $0xffff  }
0xaf: {  	v27 =	vor.u32 $0x3, v25;
	_ =	sdelay $0x3  }
0xb0: {  	[tilespmem:s19+$0xFFFFFD00] =	vst v26  }
0xb1: {  	v26 =	vld.idx.msk [tilespmem:v27+s23+$0x0], $0xffff  }
0xb2: {  	v27 =	vor.u32 $0x4, v25;
	_ =	sdelay $0x3  }
0xb3: {  	[tilespmem:s19+$0xFFFFFD80] =	vst v26  }
0xb4: {  	v26 =	vld.idx.msk [tilespmem:v27+s23+$0x0], $0xffff  }
0xb5: {  	v27 =	vor.u32 $0x5, v25;
	_ =	sdelay $0x3  }
0xb6: {  	[tilespmem:s19+$0xFFFFFE00] =	vst v26  }
0xb7: {  	v26 =	vld.idx.msk [tilespmem:v27+s23+$0x0], $0xffff  }
0xb8: {  	v27 =	vor.u32 $0x6, v25;
	_ =	sdelay $0x3  }
0xb9: {  	[tilespmem:s19+$0xFFFFFE80] =	vst v26  }
0xba: {  	v26 =	vld.idx.msk [tilespmem:v27+s23+$0x0], $0xffff  }
0xbb: {  	v27 =	vor.u32 $0x7, v25;
	_ =	sdelay $0x3  }
0xbc: {  	[tilespmem:s19+$0xFFFFFF00] =	vst v26  }
0xbd: {  	v26 =	vld.idx.msk [tilespmem:v27+s23+$0x0], $0xffff  }
0xbe: {  	v27 =	vor.u32 $0x8, v25;
	_ =	sdelay $0x3  }
0xbf: {  	[tilespmem:s19+$0xFFFFFF80] =	vst v26  }
0xc0: {  	v26 =	vld.idx.msk [tilespmem:v27+s23+$0x0], $0xffff  }
0xc1: {  	v27 =	vor.u32 $0x9, v25;
	_ =	sdelay $0x3  }
0xc2: {  	[tilespmem:s19+$0x0] =	vst v26  }
0xc3: {  	v26 =	vld.idx.msk [tilespmem:v27+s23+$0x0], $0xffff  }
0xc4: {  	v27 =	vor.u32 $0xA, v25;
	_ =	sdelay $0x3  }
0xc5: {  	[tilespmem:s19+$0x80] =	vst v26  }
0xc6: {  	v26 =	vld.idx.msk [tilespmem:v27+s23+$0x0], $0xffff  }
0xc7: {  	v27 =	vor.u32 $0xB, v25;
	_ =	sdelay $0x3  }
0xc8: {  	[tilespmem:s19+$0x100] =	vst v26  }
0xc9: {  	v26 =	vld.idx.msk [tilespmem:v27+s23+$0x0], $0xffff  }
0xca: {  	v27 =	vor.u32 $0xC, v25;
	_ =	sdelay $0x3  }
0xcb: {  	[tilespmem:s19+$0x180] =	vst v26  }
0xcc: {  	v26 =	vld.idx.msk [tilespmem:v27+s23+$0x0], $0xffff  }
0xcd: {  	v27 =	vor.u32 $0xD, v25;
	_ =	sdelay $0x3  }
0xce: {  	[tilespmem:s19+$0x200] =	vst v26  }
0xcf: {  	v26 =	vld.idx.msk [tilespmem:v27+s23+$0x0], $0xffff  }
0xd0: {  	v27 =	vor.u32 $0xE, v25;
	_ =	sdelay $0x3  }
0xd1: {  	[tilespmem:s19+$0x280] =	vst v26  }
0xd2: {  	v26 =	vld.idx.msk [tilespmem:v27+s23+$0x0], $0xffff  }
0xd3: {  	v25 =	vor.u32 $0xF, v25;
	_ =	sdelay $0x3  }
0xd4: {  	s24 =	sshll.u32 s17, $0xB;
	[tilespmem:s19+$0x300] =	vst v26  }
0xd5: {  	s26 =	simm.s32 $0x10;
	s25 =	sadd.s32 $0x13800, s24;
	s24 =	sadd.s32 $0x13C00, s24;
	v25 =	vld.idx.msk [tilespmem:v25+s23+$0x0], $0xffff  }
.LBB2_3:
0xd6: {  	_ =	sdelay $0x3  }
0xd7: {  	p0 =	sne.s32 s26, $0x70;
	s15 =	sadd.s32 $0x10, s15;
	[tilespmem:s19+$0x380] =	vst v25;
	s19 =	sadd.s32 $0x10, s19  }
0xd8: {  	s29 =	smov.u32 s26;
	s26 =	sadd.s32 $0x10, s26;
	v25 =	vld [tilespmem:s15+$0x0];
	_ =	sdelay $0x3  }
0xd9: {  	v26 =	vmov s29  }
0xda: {  	v26 =	vshll.u32 v26, $0x7;
	v25 =	vshll.u32 v25, $0x4  }
0xdb: {  	v26 =	vor.u32 v24, v26;
	v25 =	vand.u32 $0x70, v25  }
0xdc: {  	v25 =	vor.u32 v26, v25;
	_ =	sdelay $0x4  }
0xdd: {  	v26 =	vld.idx.msk [tilespmem:v25+s23+$0x0], $0xffff;
	_ =	sdelay $0x1  }
0xde: {  	v27 =	vor.u32 $0x1, v25;
	_ =	sdelay $0x3  }
0xdf: {  	[tilespmem:s19+$0xFFFFFC00] =	vst v26  }
0xe0: {  	v26 =	vld.idx.msk [tilespmem:v27+s23+$0x0], $0xffff;
	_ =	sdelay $0x1  }
0xe1: {  	v27 =	vor.u32 $0x2, v25;
	_ =	sdelay $0x3  }
0xe2: {  	[tilespmem:s19+$0xFFFFFC80] =	vst v26  }
0xe3: {  	v26 =	vld.idx.msk [tilespmem:v27+s23+$0x0], $0xffff;
	_ =	sdelay $0x1  }
0xe4: {  	v27 =	vor.u32 $0x3, v25;
	_ =	sdelay $0x3  }
0xe5: {  	[tilespmem:s19+$0xFFFFFD00] =	vst v26  }
0xe6: {  	v26 =	vld.idx.msk [tilespmem:v27+s23+$0x0], $0xffff;
	_ =	sdelay $0x1  }
0xe7: {  	v27 =	vor.u32 $0x4, v25;
	_ =	sdelay $0x3  }
0xe8: {  	[tilespmem:s19+$0xFFFFFD80] =	vst v26  }
0xe9: {  	v26 =	vld.idx.msk [tilespmem:v27+s23+$0x0], $0xffff;
	_ =	sdelay $0x1  }
0xea: {  	v27 =	vor.u32 $0x5, v25;
	_ =	sdelay $0x3  }
0xeb: {  	[tilespmem:s19+$0xFFFFFE00] =	vst v26  }
0xec: {  	v26 =	vld.idx.msk [tilespmem:v27+s23+$0x0], $0xffff;
	_ =	sdelay $0x1  }
0xed: {  	v27 =	vor.u32 $0x6, v25;
	_ =	sdelay $0x3  }
0xee: {  	[tilespmem:s19+$0xFFFFFE80] =	vst v26  }
0xef: {  	v26 =	vld.idx.msk [tilespmem:v27+s23+$0x0], $0xffff;
	_ =	sdelay $0x1  }
0xf0: {  	v27 =	vor.u32 $0x7, v25;
	_ =	sdelay $0x3  }
0xf1: {  	[tilespmem:s19+$0xFFFFFF00] =	vst v26  }
0xf2: {  	v26 =	vld.idx.msk [tilespmem:v27+s23+$0x0], $0xffff;
	_ =	sdelay $0x1  }
0xf3: {  	v27 =	vor.u32 $0x8, v25;
	_ =	sdelay $0x3  }
0xf4: {  	[tilespmem:s19+$0xFFFFFF80] =	vst v26  }
0xf5: {  	v26 =	vld.idx.msk [tilespmem:v27+s23+$0x0], $0xffff;
	_ =	sdelay $0x1  }
0xf6: {  	v27 =	vor.u32 $0x9, v25;
	_ =	sdelay $0x3  }
0xf7: {  	[tilespmem:s19+$0x0] =	vst v26  }
0xf8: {  	v26 =	vld.idx.msk [tilespmem:v27+s23+$0x0], $0xffff;
	_ =	sdelay $0x1  }
0xf9: {  	v27 =	vor.u32 $0xA, v25;
	_ =	sdelay $0x3  }
0xfa: {  	[tilespmem:s19+$0x80] =	vst v26  }
0xfb: {  	v26 =	vld.idx.msk [tilespmem:v27+s23+$0x0], $0xffff;
	_ =	sdelay $0x1  }
0xfc: {  	v27 =	vor.u32 $0xB, v25;
	_ =	sdelay $0x3  }
0xfd: {  	[tilespmem:s19+$0x100] =	vst v26  }
0xfe: {  	v26 =	vld.idx.msk [tilespmem:v27+s23+$0x0], $0xffff;
	_ =	sdelay $0x1  }
0xff: {  	v27 =	vor.u32 $0xC, v25;
	_ =	sdelay $0x3  }
0x100: {  	[tilespmem:s19+$0x180] =	vst v26  }
0x101: {  	v26 =	vld.idx.msk [tilespmem:v27+s23+$0x0], $0xffff;
	_ =	sdelay $0x1  }
0x102: {  	v27 =	vor.u32 $0xD, v25;
	_ =	sdelay $0x3  }
0x103: {  	[tilespmem:s19+$0x200] =	vst v26  }
0x104: {  	v26 =	vld.idx.msk [tilespmem:v27+s23+$0x0], $0xffff;
	_ =	sdelay $0x1  }
0x105: {  	v27 =	vor.u32 $0xE, v25;
	_ =	sdelay $0x3  }
0x106: {  	[tilespmem:s19+$0x280] =	vst v26  }
0x107: {  	v26 =	vld.idx.msk [tilespmem:v27+s23+$0x0], $0xffff;
	_ =	sdelay $0x1  }
0x108: {  	v25 =	vor.u32 $0xF, v25  }
.Ltmp0:
0x109: {  	(pc) =	sbr.rel @p0 .LBB2_3-.Ltmp0, $3  }
0x10a: {  	_ =	sdelay $0x1  }
0x10b: {  	[tilespmem:s19+$0x300] =	vst v26  }
0x10c: {  	v25 =	vld.idx.msk [tilespmem:v25+s23+$0x0], $0xffff  }
0x10d: {  	s15 =	sshll.u32 s16, $0x10;
	s29 =	sshll.u32 s17, $0xA  }
0x10e: {  	s1 =	sadd.s32 $0x1, s1;
	s15 =	sand.u32 $0x7FFC0000, s15;
	s16 =	sor.u32 s6, s29  }
0x10f: {  	p0 =	sne.s32 s1, $0x68;
	s15 =	sor.u32 s15, s16  }
.Ltmp1:
0x110: {  	s15 =	sshrl.u32 s15, $0x3;
	(pc) =	sbr.rel @p0 .LBB2_2-.Ltmp1, $4  }
0x111: {  	[tilespmem:s19+$0x380] =	vst v25;
	s15 =	sadd.s32 s2, s15  }
0x112: {  	[hbm4b:s15+s3] =	stream.linear.scatter [tilespmem:s25], [sflag:$0x2], $0x400, $0x38;
	[tilespmem:$0x15800] =	vst v63  }
0x113: {  	s0 =	sadd.s32 $0x1, s0;
	s15 =	sadd.s32 $0x4000, s15  }
0x114: {  	[hbm4b:s15+s3] =	stream.linear.scatter [tilespmem:s24], [sflag:$0x2], $0x400, $0x38;
	[tilespmem:$0x15800] =	vst v63  }
0x115: {  	_ =	swait.ge [sflag:s21], $0x4000  }
0x116: {  	[sflag:s21] =	ssyncset.done $0x0  }
0x117: {  	[sflag:s21] =	ssyncadd.s32 $0xFFFFC000  }
0x118: {  	_ =	swait.ge [sflag:s22], $0x400  }
0x119: {  	[sflag:s22] =	ssyncset.done $0x0  }
0x11a: {  	[sflag:s22] =	ssyncadd.s32 $0xFFFFFC00  }
0x11b: {  	_ =	swait.ge [sflag:s22], $0x400  }
0x11c: {  	[sflag:s22] =	ssyncset.done $0x0  }
0x11d: {  	s0 =	simm.s32 $0x3480;
	[sflag:s22] =	ssyncadd.s32 $0xFFFFFC00  }
0x11e: {  	v25 =	vld [tilespmem:s0+$0x0];
	_ =	sdelay $0x2  }
0x11f: {  	s1 =	simm.s32 $0x0  }
0x120: {  	v26 =	vmov s1  }
0x121: {  	v26 =	vshll.u32 v26, $0x7;
	v25 =	vshll.u32 v25, $0x4  }
0x122: {  	v26 =	vor.u32 v24, v26;
	v25 =	vand.u32 $0x70, v25  }
0x123: {  	v25 =	vor.u32 v26, v25;
	_ =	sdelay $0x4  }
0x124: {  	v26 =	vld.idx.msk [tilespmem:v25+s18+$0x0], $0xffff  }
0x125: {  	v27 =	vor.u32 $0x1, v25;
	_ =	sdelay $0x2  }
0x126: {  	s1 =	simm.s32 $0x14780  }
0x127: {  	[tilespmem:s1+$0xFFFFF880] =	vst v26  }
0x128: {  	v26 =	vld.idx.msk [tilespmem:v27+s18+$0x0], $0xffff  }
0x129: {  	v27 =	vor.u32 $0x2, v25;
	_ =	sdelay $0x3  }
0x12a: {  	[tilespmem:s1+$0xFFFFF900] =	vst v26  }
0x12b: {  	v26 =	vld.idx.msk [tilespmem:v27+s18+$0x0], $0xffff  }
0x12c: {  	v27 =	vor.u32 $0x3, v25;
	_ =	sdelay $0x3  }
0x12d: {  	[tilespmem:s1+$0xFFFFF980] =	vst v26  }
0x12e: {  	v26 =	vld.idx.msk [tilespmem:v27+s18+$0x0], $0xffff  }
0x12f: {  	v27 =	vor.u32 $0x4, v25;
	_ =	sdelay $0x3  }
0x130: {  	[tilespmem:s1+$0xFFFFFA00] =	vst v26  }
0x131: {  	v26 =	vld.idx.msk [tilespmem:v27+s18+$0x0], $0xffff  }
0x132: {  	v27 =	vor.u32 $0x5, v25;
	_ =	sdelay $0x3  }
0x133: {  	[tilespmem:s1+$0xFFFFFA80] =	vst v26  }
0x134: {  	v26 =	vld.idx.msk [tilespmem:v27+s18+$0x0], $0xffff  }
0x135: {  	v27 =	vor.u32 $0x6, v25;
	_ =	sdelay $0x3  }
0x136: {  	[tilespmem:s1+$0xFFFFFB00] =	vst v26  }
0x137: {  	v26 =	vld.idx.msk [tilespmem:v27+s18+$0x0], $0xffff  }
0x138: {  	v27 =	vor.u32 $0x7, v25;
	_ =	sdelay $0x3  }
0x139: {  	[tilespmem:s1+$0xFFFFFB80] =	vst v26  }
0x13a: {  	v26 =	vld.idx.msk [tilespmem:v27+s18+$0x0], $0xffff  }
0x13b: {  	v27 =	vor.u32 $0x8, v25;
	_ =	sdelay $0x3  }
0x13c: {  	[tilespmem:s1+$0xFFFFFC00] =	vst v26  }
0x13d: {  	v26 =	vld.idx.msk [tilespmem:v27+s18+$0x0], $0xffff  }
0x13e: {  	v27 =	vor.u32 $0x9, v25;
	_ =	sdelay $0x3  }
0x13f: {  	[tilespmem:s1+$0xFFFFFC80] =	vst v26  }
0x140: {  	v26 =	vld.idx.msk [tilespmem:v27+s18+$0x0], $0xffff  }
0x141: {  	v27 =	vor.u32 $0xA, v25;
	_ =	sdelay $0x3  }
0x142: {  	[tilespmem:s1+$0xFFFFFD00] =	vst v26  }
0x143: {  	v26 =	vld.idx.msk [tilespmem:v27+s18+$0x0], $0xffff  }
0x144: {  	v27 =	vor.u32 $0xB, v25;
	_ =	sdelay $0x3  }
0x145: {  	[tilespmem:s1+$0xFFFFFD80] =	vst v26  }
0x146: {  	v26 =	vld.idx.msk [tilespmem:v27+s18+$0x0], $0xffff  }
0x147: {  	v27 =	vor.u32 $0xC, v25;
	_ =	sdelay $0x3  }
0x148: {  	[tilespmem:s1+$0xFFFFFE00] =	vst v26  }
0x149: {  	v26 =	vld.idx.msk [tilespmem:v27+s18+$0x0], $0xffff  }
0x14a: {  	v27 =	vor.u32 $0xD, v25;
	_ =	sdelay $0x3  }
0x14b: {  	[tilespmem:s1+$0xFFFFFE80] =	vst v26  }
0x14c: {  	v26 =	vld.idx.msk [tilespmem:v27+s18+$0x0], $0xffff  }
0x14d: {  	v27 =	vor.u32 $0xE, v25;
	_ =	sdelay $0x3  }
0x14e: {  	[tilespmem:s1+$0xFFFFFF00] =	vst v26  }
0x14f: {  	v26 =	vld.idx.msk [tilespmem:v27+s18+$0x0], $0xffff  }
0x150: {  	v25 =	vor.u32 $0xF, v25;
	_ =	sdelay $0x3  }
0x151: {  	[tilespmem:s1+$0xFFFFFF80] =	vst v26  }
0x152: {  	s15 =	simm.s32 $0x10;
	v25 =	vld.idx.msk [tilespmem:v25+s18+$0x0], $0xffff  }
.LBB2_6:
0x153: {  	_ =	sdelay $0x3  }
0x154: {  	p0 =	sne.s32 s15, $0x70;
	s0 =	sadd.s32 $0x10, s0;
	[tilespmem:s1+$0x0] =	vst v25;
	s1 =	sadd.s32 $0x10, s1  }
0x155: {  	s16 =	smov.u32 s15;
	s15 =	sadd.s32 $0x10, s15;
	v25 =	vld [tilespmem:s0+$0x0];
	_ =	sdelay $0x3  }
0x156: {  	v26 =	vmov s16  }
0x157: {  	v26 =	vshll.u32 v26, $0x7;
	v25 =	vshll.u32 v25, $0x4  }
0x158: {  	v26 =	vor.u32 v24, v26;
	v25 =	vand.u32 $0x70, v25  }
0x159: {  	v25 =	vor.u32 v26, v25;
	_ =	sdelay $0x4  }
0x15a: {  	v26 =	vld.idx.msk [tilespmem:v25+s18+$0x0], $0xffff;
	_ =	sdelay $0x1  }
0x15b: {  	v27 =	vor.u32 $0x1, v25;
	_ =	sdelay $0x3  }
0x15c: {  	[tilespmem:s1+$0xFFFFF880] =	vst v26  }
0x15d: {  	v26 =	vld.idx.msk [tilespmem:v27+s18+$0x0], $0xffff;
	_ =	sdelay $0x1  }
0x15e: {  	v27 =	vor.u32 $0x2, v25;
	_ =	sdelay $0x3  }
0x15f: {  	[tilespmem:s1+$0xFFFFF900] =	vst v26  }
0x160: {  	v26 =	vld.idx.msk [tilespmem:v27+s18+$0x0], $0xffff;
	_ =	sdelay $0x1  }
0x161: {  	v27 =	vor.u32 $0x3, v25;
	_ =	sdelay $0x3  }
0x162: {  	[tilespmem:s1+$0xFFFFF980] =	vst v26  }
0x163: {  	v26 =	vld.idx.msk [tilespmem:v27+s18+$0x0], $0xffff;
	_ =	sdelay $0x1  }
0x164: {  	v27 =	vor.u32 $0x4, v25;
	_ =	sdelay $0x3  }
0x165: {  	[tilespmem:s1+$0xFFFFFA00] =	vst v26  }
0x166: {  	v26 =	vld.idx.msk [tilespmem:v27+s18+$0x0], $0xffff;
	_ =	sdelay $0x1  }
0x167: {  	v27 =	vor.u32 $0x5, v25;
	_ =	sdelay $0x3  }
0x168: {  	[tilespmem:s1+$0xFFFFFA80] =	vst v26  }
0x169: {  	v26 =	vld.idx.msk [tilespmem:v27+s18+$0x0], $0xffff;
	_ =	sdelay $0x1  }
0x16a: {  	v27 =	vor.u32 $0x6, v25;
	_ =	sdelay $0x3  }
0x16b: {  	[tilespmem:s1+$0xFFFFFB00] =	vst v26  }
0x16c: {  	v26 =	vld.idx.msk [tilespmem:v27+s18+$0x0], $0xffff;
	_ =	sdelay $0x1  }
0x16d: {  	v27 =	vor.u32 $0x7, v25;
	_ =	sdelay $0x3  }
0x16e: {  	[tilespmem:s1+$0xFFFFFB80] =	vst v26  }
0x16f: {  	v26 =	vld.idx.msk [tilespmem:v27+s18+$0x0], $0xffff;
	_ =	sdelay $0x1  }
0x170: {  	v27 =	vor.u32 $0x8, v25;
	_ =	sdelay $0x3  }
0x171: {  	[tilespmem:s1+$0xFFFFFC00] =	vst v26  }
0x172: {  	v26 =	vld.idx.msk [tilespmem:v27+s18+$0x0], $0xffff;
	_ =	sdelay $0x1  }
0x173: {  	v27 =	vor.u32 $0x9, v25;
	_ =	sdelay $0x3  }
0x174: {  	[tilespmem:s1+$0xFFFFFC80] =	vst v26  }
0x175: {  	v26 =	vld.idx.msk [tilespmem:v27+s18+$0x0], $0xffff;
	_ =	sdelay $0x1  }
0x176: {  	v27 =	vor.u32 $0xA, v25;
	_ =	sdelay $0x3  }
0x177: {  	[tilespmem:s1+$0xFFFFFD00] =	vst v26  }
0x178: {  	v26 =	vld.idx.msk [tilespmem:v27+s18+$0x0], $0xffff;
	_ =	sdelay $0x1  }
0x179: {  	v27 =	vor.u32 $0xB, v25;
	_ =	sdelay $0x3  }
0x17a: {  	[tilespmem:s1+$0xFFFFFD80] =	vst v26  }
0x17b: {  	v26 =	vld.idx.msk [tilespmem:v27+s18+$0x0], $0xffff;
	_ =	sdelay $0x1  }
0x17c: {  	v27 =	vor.u32 $0xC, v25;
	_ =	sdelay $0x3  }
0x17d: {  	[tilespmem:s1+$0xFFFFFE00] =	vst v26  }
0x17e: {  	v26 =	vld.idx.msk [tilespmem:v27+s18+$0x0], $0xffff;
	_ =	sdelay $0x1  }
0x17f: {  	v27 =	vor.u32 $0xD, v25;
	_ =	sdelay $0x3  }
0x180: {  	[tilespmem:s1+$0xFFFFFE80] =	vst v26  }
0x181: {  	v26 =	vld.idx.msk [tilespmem:v27+s18+$0x0], $0xffff;
	_ =	sdelay $0x1  }
0x182: {  	v27 =	vor.u32 $0xE, v25;
	_ =	sdelay $0x3  }
0x183: {  	[tilespmem:s1+$0xFFFFFF00] =	vst v26  }
0x184: {  	v26 =	vld.idx.msk [tilespmem:v27+s18+$0x0], $0xffff;
	_ =	sdelay $0x1  }
0x185: {  	v25 =	vor.u32 $0xF, v25  }
.Ltmp2:
0x186: {  	(pc) =	sbr.rel @p0 .LBB2_6-.Ltmp2, $3  }
0x187: {  	_ =	sdelay $0x1  }
0x188: {  	[tilespmem:s1+$0xFFFFFF80] =	vst v26  }
0x189: {  	v25 =	vld.idx.msk [tilespmem:v25+s18+$0x0], $0xffff  }
0x18a: {  	_ =	sdelay $0x3  }
0x18b: {  	s26 =	simm.s32 $0x0;
	s0 =	simm.s32 $0x14000;
	[tilespmem:s1+$0x0] =	vst v25  }
0x18c: {  	[hbm4b:s7+s26] =	stream.linear.scatter [tilespmem:s0], [sflag:$0x2], $0x400, $0x38;
	[tilespmem:$0x15800] =	vst v63  }
0x18d: {  	s29 =	simm.s32 $0x14400  }
0x18e: {  	[hbm4b:s8+s26] =	stream.linear.scatter [tilespmem:s29], [sflag:$0x2], $0x400, $0x38;
	[tilespmem:$0x15800] =	vst v63  }
0x18f: {  	_ =	swait.ge [sflag:s21], $0x4000  }
0x190: {  	[sflag:s21] =	ssyncset.done $0x0  }
0x191: {  	[sflag:s21] =	ssyncadd.s32 $0xFFFFC000  }
0x192: {  	_ =	swait.ge [sflag:s22], $0x400  }
0x193: {  	[sflag:s22] =	ssyncset.done $0x0  }
0x194: {  	[sflag:s22] =	ssyncadd.s32 $0xFFFFFC00  }
0x195: {  	_ =	swait.ge [sflag:s22], $0x400  }
0x196: {  	[sflag:s22] =	ssyncset.done $0x0  }
0x197: {  	s0 =	simm.s32 $0x3500;
	[sflag:s22] =	ssyncadd.s32 $0xFFFFFC00  }
0x198: {  	v25 =	vld [tilespmem:s0+$0x0];
	_ =	sdelay $0x3  }
0x199: {  	v26 =	vmov s26  }
0x19a: {  	v26 =	vshll.u32 v26, $0x7;
	v25 =	vshll.u32 v25, $0x4  }
0x19b: {  	v26 =	vor.u32 v24, v26;
	v25 =	vand.u32 $0x70, v25  }
0x19c: {  	v25 =	vor.u32 v26, v25;
	_ =	sdelay $0x4  }
0x19d: {  	v26 =	vld.idx.msk [tilespmem:v25+s20+$0x0], $0xffff  }
0x19e: {  	v27 =	vor.u32 $0x1, v25;
	_ =	sdelay $0x2  }
0x19f: {  	s1 =	simm.s32 $0x14F80  }
0x1a0: {  	[tilespmem:s1+$0xFFFFF880] =	vst v26  }
0x1a1: {  	v26 =	vld.idx.msk [tilespmem:v27+s20+$0x0], $0xffff  }
0x1a2: {  	v27 =	vor.u32 $0x2, v25;
	_ =	sdelay $0x3  }
0x1a3: {  	[tilespmem:s1+$0xFFFFF900] =	vst v26  }
0x1a4: {  	v26 =	vld.idx.msk [tilespmem:v27+s20+$0x0], $0xffff  }
0x1a5: {  	v27 =	vor.u32 $0x3, v25;
	_ =	sdelay $0x3  }
0x1a6: {  	[tilespmem:s1+$0xFFFFF980] =	vst v26  }
0x1a7: {  	v26 =	vld.idx.msk [tilespmem:v27+s20+$0x0], $0xffff  }
0x1a8: {  	v27 =	vor.u32 $0x4, v25;
	_ =	sdelay $0x3  }
0x1a9: {  	[tilespmem:s1+$0xFFFFFA00] =	vst v26  }
0x1aa: {  	v26 =	vld.idx.msk [tilespmem:v27+s20+$0x0], $0xffff  }
0x1ab: {  	v27 =	vor.u32 $0x5, v25;
	_ =	sdelay $0x3  }
0x1ac: {  	[tilespmem:s1+$0xFFFFFA80] =	vst v26  }
0x1ad: {  	v26 =	vld.idx.msk [tilespmem:v27+s20+$0x0], $0xffff  }
0x1ae: {  	v27 =	vor.u32 $0x6, v25;
	_ =	sdelay $0x3  }
0x1af: {  	[tilespmem:s1+$0xFFFFFB00] =	vst v26  }
0x1b0: {  	v26 =	vld.idx.msk [tilespmem:v27+s20+$0x0], $0xffff  }
0x1b1: {  	v27 =	vor.u32 $0x7, v25;
	_ =	sdelay $0x3  }
0x1b2: {  	[tilespmem:s1+$0xFFFFFB80] =	vst v26  }
0x1b3: {  	v26 =	vld.idx.msk [tilespmem:v27+s20+$0x0], $0xffff  }
0x1b4: {  	v27 =	vor.u32 $0x8, v25;
	_ =	sdelay $0x3  }
0x1b5: {  	[tilespmem:s1+$0xFFFFFC00] =	vst v26  }
0x1b6: {  	v26 =	vld.idx.msk [tilespmem:v27+s20+$0x0], $0xffff  }
0x1b7: {  	v27 =	vor.u32 $0x9, v25;
	_ =	sdelay $0x3  }
0x1b8: {  	[tilespmem:s1+$0xFFFFFC80] =	vst v26  }
0x1b9: {  	v26 =	vld.idx.msk [tilespmem:v27+s20+$0x0], $0xffff  }
0x1ba: {  	v27 =	vor.u32 $0xA, v25;
	_ =	sdelay $0x3  }
0x1bb: {  	[tilespmem:s1+$0xFFFFFD00] =	vst v26  }
0x1bc: {  	v26 =	vld.idx.msk [tilespmem:v27+s20+$0x0], $0xffff  }
0x1bd: {  	v27 =	vor.u32 $0xB, v25;
	_ =	sdelay $0x3  }
0x1be: {  	[tilespmem:s1+$0xFFFFFD80] =	vst v26  }
0x1bf: {  	v26 =	vld.idx.msk [tilespmem:v27+s20+$0x0], $0xffff  }
0x1c0: {  	v27 =	vor.u32 $0xC, v25;
	_ =	sdelay $0x3  }
0x1c1: {  	[tilespmem:s1+$0xFFFFFE00] =	vst v26  }
0x1c2: {  	v26 =	vld.idx.msk [tilespmem:v27+s20+$0x0], $0xffff  }
0x1c3: {  	v27 =	vor.u32 $0xD, v25;
	_ =	sdelay $0x3  }
0x1c4: {  	[tilespmem:s1+$0xFFFFFE80] =	vst v26  }
0x1c5: {  	v26 =	vld.idx.msk [tilespmem:v27+s20+$0x0], $0xffff  }
0x1c6: {  	v27 =	vor.u32 $0xE, v25;
	_ =	sdelay $0x3  }
0x1c7: {  	[tilespmem:s1+$0xFFFFFF00] =	vst v26  }
0x1c8: {  	v26 =	vld.idx.msk [tilespmem:v27+s20+$0x0], $0xffff  }
0x1c9: {  	v25 =	vor.u32 $0xF, v25;
	_ =	sdelay $0x3  }
0x1ca: {  	[tilespmem:s1+$0xFFFFFF80] =	vst v26  }
0x1cb: {  	s15 =	simm.s32 $0x10;
	v25 =	vld.idx.msk [tilespmem:v25+s20+$0x0], $0xffff  }
.LBB2_8:
0x1cc: {  	_ =	sdelay $0x3  }
0x1cd: {  	p0 =	sne.s32 s15, $0x70;
	s0 =	sadd.s32 $0x10, s0;
	[tilespmem:s1+$0x0] =	vst v25;
	s1 =	sadd.s32 $0x10, s1  }
0x1ce: {  	s16 =	smov.u32 s15;
	s15 =	sadd.s32 $0x10, s15;
	v25 =	vld [tilespmem:s0+$0x0];
	_ =	sdelay $0x3  }
0x1cf: {  	v26 =	vmov s16  }
0x1d0: {  	v26 =	vshll.u32 v26, $0x7;
	v25 =	vshll.u32 v25, $0x4  }
0x1d1: {  	v26 =	vor.u32 v24, v26;
	v25 =	vand.u32 $0x70, v25  }
0x1d2: {  	v25 =	vor.u32 v26, v25;
	_ =	sdelay $0x4  }
0x1d3: {  	v26 =	vld.idx.msk [tilespmem:v25+s20+$0x0], $0xffff;
	_ =	sdelay $0x1  }
0x1d4: {  	v27 =	vor.u32 $0x1, v25;
	_ =	sdelay $0x3  }
0x1d5: {  	[tilespmem:s1+$0xFFFFF880] =	vst v26  }
0x1d6: {  	v26 =	vld.idx.msk [tilespmem:v27+s20+$0x0], $0xffff;
	_ =	sdelay $0x1  }
0x1d7: {  	v27 =	vor.u32 $0x2, v25;
	_ =	sdelay $0x3  }
0x1d8: {  	[tilespmem:s1+$0xFFFFF900] =	vst v26  }
0x1d9: {  	v26 =	vld.idx.msk [tilespmem:v27+s20+$0x0], $0xffff;
	_ =	sdelay $0x1  }
0x1da: {  	v27 =	vor.u32 $0x3, v25;
	_ =	sdelay $0x3  }
0x1db: {  	[tilespmem:s1+$0xFFFFF980] =	vst v26  }
0x1dc: {  	v26 =	vld.idx.msk [tilespmem:v27+s20+$0x0], $0xffff;
	_ =	sdelay $0x1  }
0x1dd: {  	v27 =	vor.u32 $0x4, v25;
	_ =	sdelay $0x3  }
0x1de: {  	[tilespmem:s1+$0xFFFFFA00] =	vst v26  }
0x1df: {  	v26 =	vld.idx.msk [tilespmem:v27+s20+$0x0], $0xffff;
	_ =	sdelay $0x1  }
0x1e0: {  	v27 =	vor.u32 $0x5, v25;
	_ =	sdelay $0x3  }
0x1e1: {  	[tilespmem:s1+$0xFFFFFA80] =	vst v26  }
0x1e2: {  	v26 =	vld.idx.msk [tilespmem:v27+s20+$0x0], $0xffff;
	_ =	sdelay $0x1  }
0x1e3: {  	v27 =	vor.u32 $0x6, v25;
	_ =	sdelay $0x3  }
0x1e4: {  	[tilespmem:s1+$0xFFFFFB00] =	vst v26  }
0x1e5: {  	v26 =	vld.idx.msk [tilespmem:v27+s20+$0x0], $0xffff;
	_ =	sdelay $0x1  }
0x1e6: {  	v27 =	vor.u32 $0x7, v25;
	_ =	sdelay $0x3  }
0x1e7: {  	[tilespmem:s1+$0xFFFFFB80] =	vst v26  }
0x1e8: {  	v26 =	vld.idx.msk [tilespmem:v27+s20+$0x0], $0xffff;
	_ =	sdelay $0x1  }
0x1e9: {  	v27 =	vor.u32 $0x8, v25;
	_ =	sdelay $0x3  }
0x1ea: {  	[tilespmem:s1+$0xFFFFFC00] =	vst v26  }
0x1eb: {  	v26 =	vld.idx.msk [tilespmem:v27+s20+$0x0], $0xffff;
	_ =	sdelay $0x1  }
0x1ec: {  	v27 =	vor.u32 $0x9, v25;
	_ =	sdelay $0x3  }
0x1ed: {  	[tilespmem:s1+$0xFFFFFC80] =	vst v26  }
0x1ee: {  	v26 =	vld.idx.msk [tilespmem:v27+s20+$0x0], $0xffff;
	_ =	sdelay $0x1  }
0x1ef: {  	v27 =	vor.u32 $0xA, v25;
	_ =	sdelay $0x3  }
0x1f0: {  	[tilespmem:s1+$0xFFFFFD00] =	vst v26  }
0x1f1: {  	v26 =	vld.idx.msk [tilespmem:v27+s20+$0x0], $0xffff;
	_ =	sdelay $0x1  }
0x1f2: {  	v27 =	vor.u32 $0xB, v25;
	_ =	sdelay $0x3  }
0x1f3: {  	[tilespmem:s1+$0xFFFFFD80] =	vst v26  }
0x1f4: {  	v26 =	vld.idx.msk [tilespmem:v27+s20+$0x0], $0xffff;
	_ =	sdelay $0x1  }
0x1f5: {  	v27 =	vor.u32 $0xC, v25;
	_ =	sdelay $0x3  }
0x1f6: {  	[tilespmem:s1+$0xFFFFFE00] =	vst v26  }
0x1f7: {  	v26 =	vld.idx.msk [tilespmem:v27+s20+$0x0], $0xffff;
	_ =	sdelay $0x1  }
0x1f8: {  	v27 =	vor.u32 $0xD, v25;
	_ =	sdelay $0x3  }
0x1f9: {  	[tilespmem:s1+$0xFFFFFE80] =	vst v26  }
0x1fa: {  	v26 =	vld.idx.msk [tilespmem:v27+s20+$0x0], $0xffff;
	_ =	sdelay $0x1  }
0x1fb: {  	v27 =	vor.u32 $0xE, v25;
	_ =	sdelay $0x3  }
0x1fc: {  	[tilespmem:s1+$0xFFFFFF00] =	vst v26  }
0x1fd: {  	v26 =	vld.idx.msk [tilespmem:v27+s20+$0x0], $0xffff;
	_ =	sdelay $0x1  }
0x1fe: {  	v25 =	vor.u32 $0xF, v25  }
.Ltmp3:
0x1ff: {  	(pc) =	sbr.rel @p0 .LBB2_8-.Ltmp3, $3  }
0x200: {  	_ =	sdelay $0x1  }
0x201: {  	[tilespmem:s1+$0xFFFFFF80] =	vst v26  }
0x202: {  	v25 =	vld.idx.msk [tilespmem:v25+s20+$0x0], $0xffff  }
0x203: {  	_ =	sdelay $0x3  }
0x204: {  	s26 =	simm.s32 $0x0;
	s0 =	simm.s32 $0x14800;
	[tilespmem:s1+$0x0] =	vst v25  }
0x205: {  	[hbm4b:s9+s26] =	stream.linear.scatter [tilespmem:s0], [sflag:$0x2], $0x400, $0x38;
	[tilespmem:$0x15800] =	vst v63  }
0x206: {  	s29 =	simm.s32 $0x14C00  }
0x207: {  	[hbm4b:s10+s26] =	stream.linear.scatter [tilespmem:s29], [sflag:$0x2], $0x400, $0x38;
	[tilespmem:$0x15800] =	vst v63  }
0x208: {  	_ =	swait.ge [sflag:s21], $0x4000  }
0x209: {  	[sflag:s21] =	ssyncset.done $0x0  }
0x20a: {  	[sflag:s21] =	ssyncadd.s32 $0xFFFFC000  }
0x20b: {  	_ =	swait.ge [sflag:s22], $0x400  }
0x20c: {  	[sflag:s22] =	ssyncset.done $0x0  }
0x20d: {  	[sflag:s22] =	ssyncadd.s32 $0xFFFFFC00  }
0x20e: {  	_ =	swait.ge [sflag:s22], $0x400  }
0x20f: {  	[sflag:s22] =	ssyncset.done $0x0  }
0x210: {  	s0 =	simm.s32 $0x3580;
	[sflag:s22] =	ssyncadd.s32 $0xFFFFFC00  }
0x211: {  	v25 =	vld [tilespmem:s0+$0x0];
	_ =	sdelay $0x3  }
0x212: {  	v26 =	vmov s26  }
0x213: {  	v26 =	vshll.u32 v26, $0x7;
	v25 =	vshll.u32 v25, $0x4  }
0x214: {  	v26 =	vor.u32 v24, v26;
	v25 =	vand.u32 $0x70, v25  }
0x215: {  	v25 =	vor.u32 v26, v25;
	_ =	sdelay $0x4  }
0x216: {  	v26 =	vld.idx.msk [tilespmem:v25+s28+$0x0], $0xffff  }
0x217: {  	v27 =	vor.u32 $0x1, v25;
	_ =	sdelay $0x2  }
0x218: {  	s1 =	simm.s32 $0x15780  }
0x219: {  	[tilespmem:s1+$0xFFFFF880] =	vst v26  }
0x21a: {  	v26 =	vld.idx.msk [tilespmem:v27+s28+$0x0], $0xffff  }
0x21b: {  	v27 =	vor.u32 $0x2, v25;
	_ =	sdelay $0x3  }
0x21c: {  	[tilespmem:s1+$0xFFFFF900] =	vst v26  }
0x21d: {  	v26 =	vld.idx.msk [tilespmem:v27+s28+$0x0], $0xffff  }
0x21e: {  	v27 =	vor.u32 $0x3, v25;
	_ =	sdelay $0x3  }
0x21f: {  	[tilespmem:s1+$0xFFFFF980] =	vst v26  }
0x220: {  	v26 =	vld.idx.msk [tilespmem:v27+s28+$0x0], $0xffff  }
0x221: {  	v27 =	vor.u32 $0x4, v25;
	_ =	sdelay $0x3  }
0x222: {  	[tilespmem:s1+$0xFFFFFA00] =	vst v26  }
0x223: {  	v26 =	vld.idx.msk [tilespmem:v27+s28+$0x0], $0xffff  }
0x224: {  	v27 =	vor.u32 $0x5, v25;
	_ =	sdelay $0x3  }
0x225: {  	[tilespmem:s1+$0xFFFFFA80] =	vst v26  }
0x226: {  	v26 =	vld.idx.msk [tilespmem:v27+s28+$0x0], $0xffff  }
0x227: {  	v27 =	vor.u32 $0x6, v25;
	_ =	sdelay $0x3  }
0x228: {  	[tilespmem:s1+$0xFFFFFB00] =	vst v26  }
0x229: {  	v26 =	vld.idx.msk [tilespmem:v27+s28+$0x0], $0xffff  }
0x22a: {  	v27 =	vor.u32 $0x7, v25;
	_ =	sdelay $0x3  }
0x22b: {  	[tilespmem:s1+$0xFFFFFB80] =	vst v26  }
0x22c: {  	v26 =	vld.idx.msk [tilespmem:v27+s28+$0x0], $0xffff  }
0x22d: {  	v27 =	vor.u32 $0x8, v25;
	_ =	sdelay $0x3  }
0x22e: {  	[tilespmem:s1+$0xFFFFFC00] =	vst v26  }
0x22f: {  	v26 =	vld.idx.msk [tilespmem:v27+s28+$0x0], $0xffff  }
0x230: {  	v27 =	vor.u32 $0x9, v25;
	_ =	sdelay $0x3  }
0x231: {  	[tilespmem:s1+$0xFFFFFC80] =	vst v26  }
0x232: {  	v26 =	vld.idx.msk [tilespmem:v27+s28+$0x0], $0xffff  }
0x233: {  	v27 =	vor.u32 $0xA, v25;
	_ =	sdelay $0x3  }
0x234: {  	[tilespmem:s1+$0xFFFFFD00] =	vst v26  }
0x235: {  	v26 =	vld.idx.msk [tilespmem:v27+s28+$0x0], $0xffff  }
0x236: {  	v27 =	vor.u32 $0xB, v25;
	_ =	sdelay $0x3  }
0x237: {  	[tilespmem:s1+$0xFFFFFD80] =	vst v26  }
0x238: {  	v26 =	vld.idx.msk [tilespmem:v27+s28+$0x0], $0xffff  }
0x239: {  	v27 =	vor.u32 $0xC, v25;
	_ =	sdelay $0x3  }
0x23a: {  	[tilespmem:s1+$0xFFFFFE00] =	vst v26  }
0x23b: {  	v26 =	vld.idx.msk [tilespmem:v27+s28+$0x0], $0xffff  }
0x23c: {  	v27 =	vor.u32 $0xD, v25;
	_ =	sdelay $0x3  }
0x23d: {  	[tilespmem:s1+$0xFFFFFE80] =	vst v26  }
0x23e: {  	v26 =	vld.idx.msk [tilespmem:v27+s28+$0x0], $0xffff  }
0x23f: {  	v27 =	vor.u32 $0xE, v25;
	_ =	sdelay $0x3  }
0x240: {  	[tilespmem:s1+$0xFFFFFF00] =	vst v26  }
0x241: {  	v26 =	vld.idx.msk [tilespmem:v27+s28+$0x0], $0xffff  }
0x242: {  	v25 =	vor.u32 $0xF, v25;
	_ =	sdelay $0x3  }
0x243: {  	[tilespmem:s1+$0xFFFFFF80] =	vst v26  }
0x244: {  	s15 =	simm.s32 $0x10;
	v25 =	vld.idx.msk [tilespmem:v25+s28+$0x0], $0xffff  }
.LBB2_10:
0x245: {  	_ =	sdelay $0x3  }
0x246: {  	p0 =	sne.s32 s15, $0x70;
	s0 =	sadd.s32 $0x10, s0;
	[tilespmem:s1+$0x0] =	vst v25;
	s1 =	sadd.s32 $0x10, s1  }
0x247: {  	s16 =	smov.u32 s15;
	s15 =	sadd.s32 $0x10, s15;
	v25 =	vld [tilespmem:s0+$0x0];
	_ =	sdelay $0x3  }
0x248: {  	v26 =	vmov s16  }
0x249: {  	v26 =	vshll.u32 v26, $0x7;
	v25 =	vshll.u32 v25, $0x4  }
0x24a: {  	v26 =	vor.u32 v24, v26;
	v25 =	vand.u32 $0x70, v25  }
0x24b: {  	v25 =	vor.u32 v26, v25;
	_ =	sdelay $0x4  }
0x24c: {  	v26 =	vld.idx.msk [tilespmem:v25+s28+$0x0], $0xffff;
	_ =	sdelay $0x1  }
0x24d: {  	v27 =	vor.u32 $0x1, v25;
	_ =	sdelay $0x3  }
0x24e: {  	[tilespmem:s1+$0xFFFFF880] =	vst v26  }
0x24f: {  	v26 =	vld.idx.msk [tilespmem:v27+s28+$0x0], $0xffff;
	_ =	sdelay $0x1  }
0x250: {  	v27 =	vor.u32 $0x2, v25;
	_ =	sdelay $0x3  }
0x251: {  	[tilespmem:s1+$0xFFFFF900] =	vst v26  }
0x252: {  	v26 =	vld.idx.msk [tilespmem:v27+s28+$0x0], $0xffff;
	_ =	sdelay $0x1  }
0x253: {  	v27 =	vor.u32 $0x3, v25;
	_ =	sdelay $0x3  }
0x254: {  	[tilespmem:s1+$0xFFFFF980] =	vst v26  }
0x255: {  	v26 =	vld.idx.msk [tilespmem:v27+s28+$0x0], $0xffff;
	_ =	sdelay $0x1  }
0x256: {  	v27 =	vor.u32 $0x4, v25;
	_ =	sdelay $0x3  }
0x257: {  	[tilespmem:s1+$0xFFFFFA00] =	vst v26  }
0x258: {  	v26 =	vld.idx.msk [tilespmem:v27+s28+$0x0], $0xffff;
	_ =	sdelay $0x1  }
0x259: {  	v27 =	vor.u32 $0x5, v25;
	_ =	sdelay $0x3  }
0x25a: {  	[tilespmem:s1+$0xFFFFFA80] =	vst v26  }
0x25b: {  	v26 =	vld.idx.msk [tilespmem:v27+s28+$0x0], $0xffff;
	_ =	sdelay $0x1  }
0x25c: {  	v27 =	vor.u32 $0x6, v25;
	_ =	sdelay $0x3  }
0x25d: {  	[tilespmem:s1+$0xFFFFFB00] =	vst v26  }
0x25e: {  	v26 =	vld.idx.msk [tilespmem:v27+s28+$0x0], $0xffff;
	_ =	sdelay $0x1  }
0x25f: {  	v27 =	vor.u32 $0x7, v25;
	_ =	sdelay $0x3  }
0x260: {  	[tilespmem:s1+$0xFFFFFB80] =	vst v26  }
0x261: {  	v26 =	vld.idx.msk [tilespmem:v27+s28+$0x0], $0xffff;
	_ =	sdelay $0x1  }
0x262: {  	v27 =	vor.u32 $0x8, v25;
	_ =	sdelay $0x3  }
0x263: {  	[tilespmem:s1+$0xFFFFFC00] =	vst v26  }
0x264: {  	v26 =	vld.idx.msk [tilespmem:v27+s28+$0x0], $0xffff;
	_ =	sdelay $0x1  }
0x265: {  	v27 =	vor.u32 $0x9, v25;
	_ =	sdelay $0x3  }
0x266: {  	[tilespmem:s1+$0xFFFFFC80] =	vst v26  }
0x267: {  	v26 =	vld.idx.msk [tilespmem:v27+s28+$0x0], $0xffff;
	_ =	sdelay $0x1  }
0x268: {  	v27 =	vor.u32 $0xA, v25;
	_ =	sdelay $0x3  }
0x269: {  	[tilespmem:s1+$0xFFFFFD00] =	vst v26  }
0x26a: {  	v26 =	vld.idx.msk [tilespmem:v27+s28+$0x0], $0xffff;
	_ =	sdelay $0x1  }
0x26b: {  	v27 =	vor.u32 $0xB, v25;
	_ =	sdelay $0x3  }
0x26c: {  	[tilespmem:s1+$0xFFFFFD80] =	vst v26  }
0x26d: {  	v26 =	vld.idx.msk [tilespmem:v27+s28+$0x0], $0xffff;
	_ =	sdelay $0x1  }
0x26e: {  	v27 =	vor.u32 $0xC, v25;
	_ =	sdelay $0x3  }
0x26f: {  	[tilespmem:s1+$0xFFFFFE00] =	vst v26  }
0x270: {  	v26 =	vld.idx.msk [tilespmem:v27+s28+$0x0], $0xffff;
	_ =	sdelay $0x1  }
0x271: {  	v27 =	vor.u32 $0xD, v25;
	_ =	sdelay $0x3  }
0x272: {  	[tilespmem:s1+$0xFFFFFE80] =	vst v26  }
0x273: {  	v26 =	vld.idx.msk [tilespmem:v27+s28+$0x0], $0xffff;
	_ =	sdelay $0x1  }
0x274: {  	v27 =	vor.u32 $0xE, v25;
	_ =	sdelay $0x3  }
0x275: {  	[tilespmem:s1+$0xFFFFFF00] =	vst v26  }
0x276: {  	v26 =	vld.idx.msk [tilespmem:v27+s28+$0x0], $0xffff;
	_ =	sdelay $0x1  }
0x277: {  	v25 =	vor.u32 $0xF, v25  }
.Ltmp4:
0x278: {  	(pc) =	sbr.rel @p0 .LBB2_10-.Ltmp4, $3  }
0x279: {  	_ =	sdelay $0x1  }
0x27a: {  	[tilespmem:s1+$0xFFFFFF80] =	vst v26  }
0x27b: {  	v25 =	vld.idx.msk [tilespmem:v25+s28+$0x0], $0xffff  }
0x27c: {  	_ =	sdelay $0x3  }
0x27d: {  	s0 =	simm.s32 $0x15000;
	[tilespmem:s1+$0x0] =	vst v25  }
0x27e: {  	[hbm4b:s11+s3] =	stream.linear.scatter [tilespmem:s0], [sflag:$0x2], $0x400, $0x38;
	[tilespmem:$0x15800] =	vst v63  }
0x27f: {  	_ = 	snop  }
0x280: {  	[hbm4b:s12+s3] =	stream.linear.scatter [tilespmem:s30], [sflag:$0x2], $0x400, $0x38;
	[tilespmem:$0x15800] =	vst v63  }
0x281: {  	_ =	swait.ge [sflag:s22], $0x400  }
0x282: {  	[sflag:s22] =	ssyncset.done $0x0  }
0x283: {  	[sflag:s22] =	ssyncadd.s32 $0xFFFFFC00  }
0x284: {  	_ =	swait.ge [sflag:s22], $0x400  }
0x285: {  	[sflag:s22] =	ssyncset.done $0x0  }
0x286: {  	[sflag:s22] =	ssyncadd.s32 $0xFFFFFC00  }
0x287: {  	_ =	swait.ge [sflag:s22], $0x400  }
0x288: {  	[sflag:s22] =	ssyncset.done $0x0  }
0x289: {  	[sflag:s22] =	ssyncadd.s32 $0xFFFFFC00  }
0x28a: {  	_ =	swait.ge [sflag:s22], $0x400  }
0x28b: {  	[sflag:s22] =	ssyncset.done $0x0  }
0x28c: {  	[sflag:s22] =	ssyncadd.s32 $0xFFFFFC00  }
0x28d: {  	_ =	swait.ge [sflag:s22], $0x400  }
0x28e: {  	[sflag:s22] =	ssyncset.done $0x0  }
0x28f: {  	[sflag:s22] =	ssyncadd.s32 $0xFFFFFC00  }
0x290: {  	_ =	swait.ge [sflag:s22], $0x400  }
0x291: {  	[sflag:s22] =	ssyncset.done $0x0  }
0x292: {  	s31 =	sadd.s32 $0x1, s31;
	[sflag:s22] =	ssyncadd.s32 $0xFFFFFC00  }
0x293: {  	p0 =	sne.s32 s31, s13;
	_ =	swait.ge [sflag:s22], $0x400  }
.Ltmp5:
0x294: {  	[sflag:s22] =	ssyncset.done $0x0;
	(pc) =	sbr.rel @p0 .LBB2_1-.Ltmp5, $4  }
0x295: {  	[sflag:s22] =	ssyncadd.s32 $0xFFFFFC00  }
0x296: {  	_ =	swait.ge [sflag:s22], $0x400  }
0x297: {  	[sflag:s22] =	ssyncset.done $0x0  }
0x298: {  	[sflag:s22] =	ssyncadd.s32 $0xFFFFFC00  }
0x299: {  	_ =	sfence.sel $0x180000  }
0x29a: {  	[bflag:$0x0] =	sbarrier.arrive $0xFFFF  }
0x29b: {  	_ =	strace $0x90000047  }
0x29c: {  	s0 =	stileid.u32;
	[bflag:$0x2] =	sbarrier.arrive $0xFFFF  }
0x29d: {  	p0 =	sne.s32 s0, $0x0;
	s0 =	rddreg [dreg:$0x2]  }
0x29e: {  	s0 =	sadd.s32 @!p0 $0x100000, s0  }
0x29f: {  	[sflag:s0] =	ssyncadd.tile.s32 @!p0 $0x1;
	_ =	shalt  }
.Lfunc_end2:
_tile_overlayer_lowered:
.L_overlay_start_2:
0x2a0: {  	(tag) =	ssettag $0x2  }
0x2a1: {  	s0 =	rddreg [dreg:$0x0];
	s2 =	stileid.u32  }
0x2a2: {  	s1 =	rddreg [dreg:$0x1];
	p0 =	sne.s32 s2, $0x0  }
0x2a3: {  	s3 =	rddreg [dreg:$0x2];
	[bflag:$0x3] =	sbarrier.arrive $0xFFFF;
	s2 =	simm.s32 @!p0 $0x1C03  }
0x2a4: {  	[timem:s3], [sflag:s2] =	dma.local @!p0 [hbm:s0], s1  }
0x2a5: {  	s0 =	simm.s32 @!p0 $0x3  }
0x2a6: {  	_ =	swait.ge @!p0 [sflag:s0], s1  }
0x2a7: {  	s1 =	ssub.s32 @!p0 $0x0, s1;
	[sflag:s0] =	ssyncset.done @!p0 $0x0  }
0x2a8: {  	[sflag:s0] =	ssyncadd.s32 @!p0 s1  }
0x2a9: {  	[bflag:$0x3] =	sbarrier.arrive $0xFFFF  }
0x2aa: {  	_ =	shalt  }

</sc_bundles>
